<compile_context>
chip_gen: v7x
topology: tpu7x:2x2x1
jax: 0.10.2.dev20260603
libtpu: 0.0.44.dev20260713+nightly
codegen_flags: <defaults>
</compile_context>

<pallas_src>
import functools

import jax
import jax.numpy as jnp
from jax import lax
from jax.experimental import pallas as pl
from jax.experimental.pallas import tpu as pltpu
from jax.experimental.pallas import tpu_sc as plsc

N = 10000
E = 320000
D = 128
H = 256
C = 10
G = 64

NC = 2
NS = 16
CH = 80
E_PAD = -(-E // (CH * NC * NS)) * (CH * NC * NS)
PAD = E_PAD - E
NR = N + 80
WCH = 80
NZC = NR // WCH
NRC = N // WCH
NRC_OWN = -(-NZC // NS)

_MESH = plsc.VectorSubcoreMesh(core_axis_name="c", subcore_axis_name="s")


def _make_sc_segsum(split_edges_across_cores: bool):
    epw = E_PAD // (NC * NS) if split_edges_across_cores else E_PAD // NS
    nchunks = epw // CH
    NBUF = 4
    KA = 2

    @functools.partial(
        pl.kernel,
        out_type=jax.ShapeDtypeStruct((NC * NR, D), jnp.float32),
        mesh=_MESH,
        scratch_types=(
            [pltpu.VMEM((CH,), jnp.int32) for _ in range(NBUF)]
            + [pltpu.VMEM((CH,), jnp.int32) for _ in range(NBUF)]
            + [pltpu.VMEM((CH, D), jnp.float32) for _ in range(NBUF)]
            + [pltpu.SemaphoreType.DMA for _ in range(3 * NBUF)]
            + [pltpu.VMEM_SHARED((NR, D), jnp.float32)]
        ),
    )
    def seg(table_hbm, src_hbm, dst_hbm, out_hbm, *scr):
        idx_s = scr[0:NBUF]
        idx_d = scr[NBUF:2 * NBUF]
        rows = scr[2 * NBUF:3 * NBUF]
        isem = scr[3 * NBUF:4 * NBUF]
        gsem = scr[4 * NBUF:5 * NBUF]
        ssem = scr[5 * NBUF:6 * NBUF]
        acc = scr[6 * NBUF]
        c = lax.axis_index("c")
        s = lax.axis_index("s")

        def zero_row(i, carry):
            for j in range(D // 16):
                rows[0][i, pl.ds(j * 16, 16)] = jnp.zeros((16,), jnp.float32)
            return carry

        lax.fori_loop(0, WCH, zero_row, 0)

        def zero_chunk(k, carry):
            cid = s + k * NS

            @pl.when(cid < NZC)
            def _():
                ro = pl.multiple_of(cid * WCH, 8)
                pltpu.sync_copy(rows[0].at[pl.ds(0, WCH)],
                                acc.at[pl.ds(ro, WCH)])

            return carry

        lax.fori_loop(0, NRC_OWN, zero_chunk, 0)
        plsc.subcore_barrier()

        if split_edges_across_cores:
            src_base = (c * NS + s) * epw
            dst_base = src_base
        else:
            dst_base = s * epw
            src_base = c * E_PAD + dst_base

        def issue_idx(j, b):
            so = pl.multiple_of(src_base + j * CH, 8)
            do = pl.multiple_of(dst_base + j * CH, 8)
            pltpu.async_copy(src_hbm.at[pl.ds(so, CH)], idx_s[b], isem[b])
            pltpu.async_copy(dst_hbm.at[pl.ds(do, CH)], idx_d[b], isem[b])

        def wait_idx(b):
            pltpu.make_async_copy(src_hbm.at[pl.ds(0, CH)], idx_s[b],
                                  isem[b]).wait()
            pltpu.make_async_copy(src_hbm.at[pl.ds(0, CH)], idx_d[b],
                                  isem[b]).wait()

        def issue_gather(b):
            pltpu.async_copy(table_hbm.at[idx_s[b]], rows[b], gsem[b])

        def wait_gather(b):
            pltpu.make_async_copy(table_hbm.at[pl.ds(0, CH)], rows[b],
                                  gsem[b]).wait()

        def wait_scatter(b):
            pltpu.make_async_copy(table_hbm.at[pl.ds(0, CH)], rows[b],
                                  ssem[b]).wait()

        for jj in range(NBUF - 1):
            issue_idx(jj, jj)
        for jj in range(KA):
            wait_idx(jj)
            issue_gather(jj)

        def outer(k, carry):
            for b in range(NBUF):
                j = k * NBUF + b

                @pl.when(j < nchunks)
                def _(j=j, b=b):
                    wait_gather(b)
                    pltpu.async_copy(rows[b], acc.at[idx_d[b]], ssem[b],
                                     add=True)

                    jn_i = j + NBUF - 1
                    bn_i = (b + NBUF - 1) % NBUF

                    @pl.when(jn_i < nchunks)
                    def _(jn_i=jn_i, bn_i=bn_i):
                        @pl.when(jn_i >= NBUF)
                        def _():
                            wait_scatter(bn_i)

                        issue_idx(jn_i, bn_i)

                    jn_g = j + KA
                    bn_g = (b + KA) % NBUF

                    @pl.when(jn_g < nchunks)
                    def _(jn_g=jn_g, bn_g=bn_g):
                        wait_idx(bn_g)
                        issue_gather(bn_g)
            return carry

        lax.fori_loop(0, -(-nchunks // NBUF), outer, 0)
        for b in range(NBUF):
            wait_scatter(b)
        plsc.subcore_barrier()

        def out_chunk(k, carry):
            cid = s + k * NS

            @pl.when(cid < NRC)
            def _():
                ro = pl.multiple_of(cid * WCH, 8)
                oo = pl.multiple_of(c * NR + cid * WCH, 8)
                pltpu.sync_copy(acc.at[pl.ds(ro, WCH)],
                                rows[0].at[pl.ds(0, WCH)])
                pltpu.sync_copy(rows[0].at[pl.ds(0, WCH)],
                                out_hbm.at[pl.ds(oo, WCH)])

            return carry

        lax.fori_loop(0, NRC_OWN, out_chunk, 0)

    return seg


_sc_segsum_l1 = _make_sc_segsum(True)
_sc_segsum_l2 = _make_sc_segsum(False)

RB = 2000
_GRID = N // RB


def _tc_layer1(p, x, W1_rel, b1_row, W1_root):

    def body(p_ref, x_ref, wrel_ref, b_ref, wroot_ref, out_ref):
        agg = p_ref[0] + p_ref[1]
        h = lax.dot_general(agg, wrel_ref[...], (((1,), (1,)), ((), ())),
                            preferred_element_type=jnp.float32)
        h += lax.dot_general(x_ref[...], wroot_ref[...],
                             (((1,), (1,)), ((), ())),
                             preferred_element_type=jnp.float32)
        h += b_ref[...]
        h = jnp.maximum(h, 0.0)
        out_ref[0] = h[:, :D]
        out_ref[1] = h[:, D:]

    return pl.pallas_call(
        body,
        grid=(_GRID,),
        in_specs=[
            pl.BlockSpec((2, RB, D), lambda i: (0, i, 0)),
            pl.BlockSpec((RB, D), lambda i: (i, 0)),
            pl.BlockSpec((H, D), lambda i: (0, 0)),
            pl.BlockSpec((1, H), lambda i: (0, 0)),
            pl.BlockSpec((H, D), lambda i: (0, 0)),
        ],
        out_specs=pl.BlockSpec((2, RB, D), lambda i: (0, i, 0)),
        out_shape=jax.ShapeDtypeStruct((2, NR, D), jnp.float32),
    )(p, x, W1_rel, b1_row, W1_root)


def _tc_layer2(a2, h1T, batch3, W2_rel, b2_row, W2_root, Wl_pad, bl_row):

    def body(a_ref, h_ref, b_ref, wrel_ref, bias_ref, wroot_ref, wl_ref,
             bl_ref, gsum_ref, gcnt_ref, out_ref):
        i = pl.program_id(0)
        agg = jnp.concatenate([a_ref[0], a_ref[1]], axis=1)
        h1 = jnp.concatenate([h_ref[0], h_ref[1]], axis=1)
        h2 = lax.dot_general(agg, wrel_ref[...], (((1,), (1,)), ((), ())),
                             preferred_element_type=jnp.float32)
        h2 += lax.dot_general(h1, wroot_ref[...], (((1,), (1,)), ((), ())),
                              preferred_element_type=jnp.float32)
        h2 += bias_ref[...]
        h2 = jnp.maximum(h2, 0.0)

        oh = (b_ref[0] == lax.broadcasted_iota(jnp.int32, (G, RB), 0))
        ohf = oh.astype(jnp.float32)

        @pl.when(i == 0)
        def _init():
            gsum_ref[...] = jnp.zeros_like(gsum_ref)
            gcnt_ref[...] = jnp.zeros_like(gcnt_ref)

        gsum_ref[...] += lax.dot_general(ohf, h2, (((1,), (0,)), ((), ())),
                                         preferred_element_type=jnp.float32)
        gcnt_ref[...] += jnp.broadcast_to(
            jnp.sum(ohf, axis=1, keepdims=True), (G, D))

        @pl.when(i == _GRID - 1)
        def _final():
            pooled = gsum_ref[...] / jnp.maximum(gcnt_ref[:, :1], 1.0)
            o = lax.dot_general(pooled, wl_ref[...], (((1,), (1,)), ((), ())),
                                preferred_element_type=jnp.float32)
            out_ref[...] = o + bl_ref[...]

    outs = pl.pallas_call(
        body,
        grid=(_GRID,),
        in_specs=[
            pl.BlockSpec((2, RB, D), lambda i: (0, i, 0)),
            pl.BlockSpec((2, RB, D), lambda i: (0, i, 0)),
            pl.BlockSpec((1, 1, RB), lambda i: (i, 0, 0)),
            pl.BlockSpec((H, H), lambda i: (0, 0)),
            pl.BlockSpec((1, H), lambda i: (0, 0)),
            pl.BlockSpec((H, H), lambda i: (0, 0)),
            pl.BlockSpec((D, H), lambda i: (0, 0)),
            pl.BlockSpec((1, D), lambda i: (0, 0)),
        ],
        out_specs=[
            pl.BlockSpec((G, H), lambda i: (0, 0)),
            pl.BlockSpec((G, D), lambda i: (0, 0)),
            pl.BlockSpec((G, D), lambda i: (0, 0)),
        ],
        out_shape=[
            jax.ShapeDtypeStruct((G, H), jnp.float32),
            jax.ShapeDtypeStruct((G, D), jnp.float32),
            jax.ShapeDtypeStruct((G, D), jnp.float32),
        ],
    )(a2, h1T, batch3, W2_rel, b2_row, W2_root, Wl_pad, bl_row)
    return outs[2]


def kernel(x, edge_index, batch, W1_rel, b1_rel, W1_root, W2_rel, b2_rel,
           W2_root, Wl, bl):
    src = edge_index[0].astype(jnp.int32)
    dst = edge_index[1].astype(jnp.int32)
    if PAD:
        srcp = jnp.concatenate([src, jnp.zeros((PAD,), jnp.int32)])
        dstp = jnp.concatenate(
            [dst, N + (jnp.arange(PAD, dtype=jnp.int32) % (NR - N))])
    else:
        srcp, dstp = src, dst
    batch3 = batch.astype(jnp.int32).reshape(_GRID, 1, RB)

    b1_row = b1_rel.reshape(1, H)
    b2_row = b2_rel.reshape(1, H)
    Wl_pad = jnp.zeros((D, H), jnp.float32).at[:C].set(Wl)
    bl_row = jnp.zeros((1, D), jnp.float32).at[0, :C].set(bl)

    p = _sc_segsum_l1(x, srcp, dstp)
    h1T = _tc_layer1(p.reshape(2, NR, D), x, W1_rel, b1_row, W1_root)

    src2 = jnp.concatenate([srcp, srcp + NR])
    a2 = _sc_segsum_l2(h1T.reshape(2 * NR, D), src2, dstp)
    out = _tc_layer2(a2.reshape(2, NR, D), h1T, batch3, W2_rel, b2_row,
                     W2_root, Wl_pad, bl_row)
    return out[:, :C]

# --- scband reference (transcript-rebuilt; emitter-appended) ---
"""Pipeline reference for scband-gnnclassifier-88648124990663 (READ-ONLY COPY).

The authoritative reference and input builder live on the scoring server;
editing this copy changes nothing except your own understanding.
"""

import jax, jax.numpy as jnp
import numpy as np

N = 10000
E = 320000
D = 128
H = 256
C = 10
G = 64


def setup_inputs(seed: int = 0) -> dict:
    key = jax.random.key(seed)
    ks = jax.random.split(key, 12)
    x = jax.random.normal(ks[0], (N, D), dtype=jnp.float32)
    edge_index = jax.random.randint(ks[1], (2, E), 0, N, dtype=jnp.int64)
    batch = jnp.sort(jax.random.randint(ks[2], (N,), 0, G, dtype=jnp.int64))
    s1 = 1.0 / np.sqrt(D)
    s2 = 1.0 / np.sqrt(H)
    W1_rel = jax.random.uniform(ks[3], (H, D), jnp.float32, -s1, s1)
    b1_rel = jax.random.uniform(ks[4], (H,), jnp.float32, -s1, s1)
    W1_root = jax.random.uniform(ks[5], (H, D), jnp.float32, -s1, s1)
    W2_rel = jax.random.uniform(ks[6], (H, H), jnp.float32, -s2, s2)
    b2_rel = jax.random.uniform(ks[7], (H,), jnp.float32, -s2, s2)
    W2_root = jax.random.uniform(ks[8], (H, H), jnp.float32, -s2, s2)
    Wl = jax.random.uniform(ks[9], (C, H), jnp.float32, -s2, s2)
    bl = jax.random.uniform(ks[10], (C,), jnp.float32, -s2, s2)
    return {"x": x, "edge_index": edge_index, "batch": batch,
            "W1_rel": W1_rel, "b1_rel": b1_rel, "W1_root": W1_root,
            "W2_rel": W2_rel, "b2_rel": b2_rel, "W2_root": W2_root,
            "Wl": Wl, "bl": bl}


def _graph_conv(x, src, dst, W_rel, b_rel, W_root, n_nodes):
    # PyG GraphConv: out_i = lin_rel(sum_{j->i} x_j) + lin_root(x_i)
    agg = jax.ops.segment_sum(x[src], dst, num_segments=n_nodes)
    return agg @ W_rel.T + b_rel + x @ W_root.T


def reference(x, edge_index, batch, W1_rel, b1_rel, W1_root, W2_rel, b2_rel, W2_root, Wl, bl):
    n_nodes = x.shape[0]
    src = edge_index[0]
    dst = edge_index[1]
    h = jax.nn.relu(_graph_conv(x, src, dst, W1_rel, b1_rel, W1_root, n_nodes))
    h = jax.nn.relu(_graph_conv(h, src, dst, W2_rel, b2_rel, W2_root, n_nodes))
    # global_mean_pool over graph ids
    sums = jax.ops.segment_sum(h, batch, num_segments=G)
    counts = jax.ops.segment_sum(jnp.ones((n_nodes,), dtype=h.dtype), batch, num_segments=G)
    pooled = sums / jnp.clip(counts, 1.0, None)[:, None]
    return pooled @ Wl.T + bl

if __name__ == "__main__":
    import jax
    _d = setup_inputs()
    print(jax.jit(kernel)(*tuple(_d.values())))

</pallas_src>

<mosaic_0001>
#map = affine_map<(d0, d1) -> (0, 0)>
#map1 = affine_map<(d0, d1) -> (0)>
module attributes {stable_mosaic.version = 14 : i64} {
  func.func @seg(%arg0: i32, %arg1: i32, %arg2: memref<10000x128xf32, #tpu.memory_space<hbm>>, %arg3: memref<320000xi32, #tpu.memory_space<hbm>>, %arg4: memref<320000xi32, #tpu.memory_space<hbm>>, %arg5: memref<20160x128xf32, #tpu.memory_space<hbm>>, %arg6: memref<80xi32, #tpu.memory_space<vmem>>, %arg7: memref<80xi32, #tpu.memory_space<vmem>>, %arg8: memref<80xi32, #tpu.memory_space<vmem>>, %arg9: memref<80xi32, #tpu.memory_space<vmem>>, %arg10: memref<80xi32, #tpu.memory_space<vmem>>, %arg11: memref<80xi32, #tpu.memory_space<vmem>>, %arg12: memref<80xi32, #tpu.memory_space<vmem>>, %arg13: memref<80xi32, #tpu.memory_space<vmem>>, %arg14: memref<80x128xf32, #tpu.memory_space<vmem>>, %arg15: memref<80x128xf32, #tpu.memory_space<vmem>>, %arg16: memref<80x128xf32, #tpu.memory_space<vmem>>, %arg17: memref<80x128xf32, #tpu.memory_space<vmem>>, %arg18: memref<!tpu.dma_semaphore, #tpu.memory_space<semaphore_mem>>, %arg19: memref<!tpu.dma_semaphore, #tpu.memory_space<semaphore_mem>>, %arg20: memref<!tpu.dma_semaphore, #tpu.memory_space<semaphore_mem>>, %arg21: memref<!tpu.dma_semaphore, #tpu.memory_space<semaphore_mem>>, %arg22: memref<!tpu.dma_semaphore, #tpu.memory_space<semaphore_mem>>, %arg23: memref<!tpu.dma_semaphore, #tpu.memory_space<semaphore_mem>>, %arg24: memref<!tpu.dma_semaphore, #tpu.memory_space<semaphore_mem>>, %arg25: memref<!tpu.dma_semaphore, #tpu.memory_space<semaphore_mem>>, %arg26: memref<!tpu.dma_semaphore, #tpu.memory_space<semaphore_mem>>, %arg27: memref<!tpu.dma_semaphore, #tpu.memory_space<semaphore_mem>>, %arg28: memref<!tpu.dma_semaphore, #tpu.memory_space<semaphore_mem>>, %arg29: memref<!tpu.dma_semaphore, #tpu.memory_space<semaphore_mem>>, %arg30: memref<10080x128xf32, #tpu.memory_space<vmem_shared>>) attributes {dimension_semantics = [#tpu.dimension_semantics<core_parallel>, #tpu.dimension_semantics<subcore_parallel>], iteration_bounds = array<i64: 2, 16>, scalar_prefetch = 0 : i64, scratch_operands = 25 : i64, tpu.core_type = #tpu.core_type<sc_vector_subcore>, window_params = [{transform_indices = #map}, {transform_indices = #map1}, {transform_indices = #map1}, {transform_indices = #map}]} {
    %scan3A = arith.constant 0 : i32
    %scan3A_0 = arith.constant 0 : i32
    %scan3A_1 = arith.constant 80 : i32
    %scan3A_2 = arith.addi %scan3A_0, %scan3A_1 : i32
    %scan3A_3 = arith.constant 1 : i32
    scf.for %scan3A_100 = %scan3A_0 to %scan3A_2 step %scan3A_3  : i32 {
      %broadcast_in_dim3A = arith.constant 0.000000e+00 : f32
      %broadcast_in_dim3A_101 = vector.broadcast %broadcast_in_dim3A : f32 to vector<16xf32>
      %swap3A = arith.index_cast %scan3A_100 : i32 to index
      %swap3A_102 = arith.constant 0 : index
      %swap3A_103 = tpu.vector_load %arg14[%swap3A, %swap3A_102] {strides = array<i32>} : memref<80x128xf32, #tpu.memory_space<vmem>>, vector<1x16xf32>,
      %swap3A_104 = vector.shape_cast %swap3A_103 : vector<1x16xf32> to vector<16xf32>
      %swap3A_105 = vector.shape_cast %broadcast_in_dim3A_101 : vector<16xf32> to vector<1x16xf32>
      tpu.vector_store %arg14[%swap3A, %swap3A_102], %swap3A_105 {strides = array<i32>} : memref<80x128xf32, #tpu.memory_space<vmem>>, vector<1x16xf32>,
      %broadcast_in_dim3A_106 = arith.constant 0.000000e+00 : f32
      %broadcast_in_dim3A_107 = vector.broadcast %broadcast_in_dim3A_106 : f32 to vector<16xf32>
      %swap3A_108 = arith.index_cast %scan3A_100 : i32 to index
      %swap3A_109 = arith.constant 16 : index
      %swap3A_110 = tpu.vector_load %arg14[%swap3A_108, %swap3A_109] {strides = array<i32>} : memref<80x128xf32, #tpu.memory_space<vmem>>, vector<1x16xf32>,
      %swap3A_111 = vector.shape_cast %swap3A_110 : vector<1x16xf32> to vector<16xf32>
      %swap3A_112 = vector.shape_cast %broadcast_in_dim3A_107 : vector<16xf32> to vector<1x16xf32>
      tpu.vector_store %arg14[%swap3A_108, %swap3A_109], %swap3A_112 {strides = array<i32>} : memref<80x128xf32, #tpu.memory_space<vmem>>, vector<1x16xf32>,
      %broadcast_in_dim3A_113 = arith.constant 0.000000e+00 : f32
      %broadcast_in_dim3A_114 = vector.broadcast %broadcast_in_dim3A_113 : f32 to vector<16xf32>
      %swap3A_115 = arith.index_cast %scan3A_100 : i32 to index
      %swap3A_116 = arith.constant 32 : index
      %swap3A_117 = tpu.vector_load %arg14[%swap3A_115, %swap3A_116] {strides = array<i32>} : memref<80x128xf32, #tpu.memory_space<vmem>>, vector<1x16xf32>,
      %swap3A_118 = vector.shape_cast %swap3A_117 : vector<1x16xf32> to vector<16xf32>
      %swap3A_119 = vector.shape_cast %broadcast_in_dim3A_114 : vector<16xf32> to vector<1x16xf32>
      tpu.vector_store %arg14[%swap3A_115, %swap3A_116], %swap3A_119 {strides = array<i32>} : memref<80x128xf32, #tpu.memory_space<vmem>>, vector<1x16xf32>,
      %broadcast_in_dim3A_120 = arith.constant 0.000000e+00 : f32
      %broadcast_in_dim3A_121 = vector.broadcast %broadcast_in_dim3A_120 : f32 to vector<16xf32>
      %swap3A_122 = arith.index_cast %scan3A_100 : i32 to index
      %swap3A_123 = arith.constant 48 : index
      %swap3A_124 = tpu.vector_load %arg14[%swap3A_122, %swap3A_123] {strides = array<i32>} : memref<80x128xf32, #tpu.memory_space<vmem>>, vector<1x16xf32>,
      %swap3A_125 = vector.shape_cast %swap3A_124 : vector<1x16xf32> to vector<16xf32>
      %swap3A_126 = vector.shape_cast %broadcast_in_dim3A_121 : vector<16xf32> to vector<1x16xf32>
      tpu.vector_store %arg14[%swap3A_122, %swap3A_123], %swap3A_126 {strides = array<i32>} : memref<80x128xf32, #tpu.memory_space<vmem>>, vector<1x16xf32>,
      %broadcast_in_dim3A_127 = arith.constant 0.000000e+00 : f32
      %broadcast_in_dim3A_128 = vector.broadcast %broadcast_in_dim3A_127 : f32 to vector<16xf32>
      %swap3A_129 = arith.index_cast %scan3A_100 : i32 to index
      %swap3A_130 = arith.constant 64 : index
      %swap3A_131 = tpu.vector_load %arg14[%swap3A_129, %swap3A_130] {strides = array<i32>} : memref<80x128xf32, #tpu.memory_space<vmem>>, vector<1x16xf32>,
      %swap3A_132 = vector.shape_cast %swap3A_131 : vector<1x16xf32> to vector<16xf32>
      %swap3A_133 = vector.shape_cast %broadcast_in_dim3A_128 : vector<16xf32> to vector<1x16xf32>
      tpu.vector_store %arg14[%swap3A_129, %swap3A_130], %swap3A_133 {strides = array<i32>} : memref<80x128xf32, #tpu.memory_space<vmem>>, vector<1x16xf32>,
      %broadcast_in_dim3A_134 = arith.constant 0.000000e+00 : f32
      %broadcast_in_dim3A_135 = vector.broadcast %broadcast_in_dim3A_134 : f32 to vector<16xf32>
      %swap3A_136 = arith.index_cast %scan3A_100 : i32 to index
      %swap3A_137 = arith.constant 80 : index
      %swap3A_138 = tpu.vector_load %arg14[%swap3A_136, %swap3A_137] {strides = array<i32>} : memref<80x128xf32, #tpu.memory_space<vmem>>, vector<1x16xf32>,
      %swap3A_139 = vector.shape_cast %swap3A_138 : vector<1x16xf32> to vector<16xf32>
      %swap3A_140 = vector.shape_cast %broadcast_in_dim3A_135 : vector<16xf32> to vector<1x16xf32>
      tpu.vector_store %arg14[%swap3A_136, %swap3A_137], %swap3A_140 {strides = array<i32>} : memref<80x128xf32, #tpu.memory_space<vmem>>, vector<1x16xf32>,
      %broadcast_in_dim3A_141 = arith.constant 0.000000e+00 : f32
      %broadcast_in_dim3A_142 = vector.broadcast %broadcast_in_dim3A_141 : f32 to vector<16xf32>
      %swap3A_143 = arith.index_cast %scan3A_100 : i32 to index
      %swap3A_144 = arith.constant 96 : index
      %swap3A_145 = tpu.vector_load %arg14[%swap3A_143, %swap3A_144] {strides = array<i32>} : memref<80x128xf32, #tpu.memory_space<vmem>>, vector<1x16xf32>,
      %swap3A_146 = vector.shape_cast %swap3A_145 : vector<1x16xf32> to vector<16xf32>
      %swap3A_147 = vector.shape_cast %broadcast_in_dim3A_142 : vector<16xf32> to vector<1x16xf32>
      tpu.vector_store %arg14[%swap3A_143, %swap3A_144], %swap3A_147 {strides = array<i32>} : memref<80x128xf32, #tpu.memory_space<vmem>>, vector<1x16xf32>,
      %broadcast_in_dim3A_148 = arith.constant 0.000000e+00 : f32
      %broadcast_in_dim3A_149 = vector.broadcast %broadcast_in_dim3A_148 : f32 to vector<16xf32>
      %swap3A_150 = arith.index_cast %scan3A_100 : i32 to index
      %swap3A_151 = arith.constant 112 : index
      %swap3A_152 = tpu.vector_load %arg14[%swap3A_150, %swap3A_151] {strides = array<i32>} : memref<80x128xf32, #tpu.memory_space<vmem>>, vector<1x16xf32>,
      %swap3A_153 = vector.shape_cast %swap3A_152 : vector<1x16xf32> to vector<16xf32>
      %swap3A_154 = vector.shape_cast %broadcast_in_dim3A_149 : vector<16xf32> to vector<1x16xf32>
      tpu.vector_store %arg14[%swap3A_150, %swap3A_151], %swap3A_154 {strides = array<i32>} : memref<80x128xf32, #tpu.memory_space<vmem>>, vector<1x16xf32>,
    }
    %scan3A_4 = arith.constant 80 : i32
    %scan3A_5 = arith.constant 0 : i32
    %scan3A_6 = arith.constant 0 : i32
    %scan3A_7 = arith.constant 8 : i32
    %scan3A_8 = arith.addi %scan3A_6, %scan3A_7 : i32
    %scan3A_9 = arith.constant 1 : i32
    scf.for %scan3A_100 = %scan3A_6 to %scan3A_8 step %scan3A_9  : i32 {
      %mul3A_101 = arith.constant 16 : i32
      %mul3A_102 = arith.muli %scan3A_100, %mul3A_101 : i32
      %add3A_103 = arith.addi %arg1, %mul3A_102 : i32
      %lt3A = arith.constant 126 : i32
      %lt3A_104 = arith.cmpi slt, %add3A_103, %lt3A : i32
      %convert_element_type3A = arith.extui %lt3A_104 : i1 to i32
      %cond3A = arith.constant 0 : i32
      %cond3A_105 = arith.cmpi ne, %convert_element_type3A, %cond3A : i32
      scf.if %cond3A_105 {
        %mul3A_106 = arith.constant 80 : i32
        %mul3A_107 = arith.muli %add3A_103, %mul3A_106 : i32
        %multiple_of3A_108 = tpu.assume_multiple %mul3A_107, 8 : i32
        "tpu.region"() ({
          %run_scoped3A = tpu.sem_alloc : memref<!tpu.dma_semaphore, #tpu.memory_space<semaphore_mem>>
          %dma_start3A_109 = arith.constant 0 : i32
          %dma_start3A_110 = arith.constant 0 : i32
          %dma_start3A_111 = tpu.memref_slice %arg14[%dma_start3A_109, %dma_start3A_110] : memref<80x128xf32, #tpu.memory_space<vmem>> -> memref<80x128xf32, #tpu.memory_space<vmem>>
          %dma_start3A_112 = arith.constant 0 : i32
          %dma_start3A_113 = tpu.memref_slice %arg30[%multiple_of3A_108, %dma_start3A_112] : memref<10080x128xf32, #tpu.memory_space<vmem_shared>> -> memref<80x128xf32, #tpu.memory_space<vmem_shared>>
          %dma_start3A_114 = arith.constant 0 : i32
          %dma_start3A_115 = tpu.memref_slice %arg30[%multiple_of3A_108, %dma_start3A_114] : memref<10080x128xf32, #tpu.memory_space<vmem_shared>> -> memref<80x128xf32, #tpu.memory_space<vmem_shared>>
          %dma_start3A_116 = arith.constant 0 : i32
          %dma_start3A_117 = arith.constant 0 : i32
          %dma_start3A_118 = tpu.memref_slice %arg14[%dma_start3A_116, %dma_start3A_117] : memref<80x128xf32, #tpu.memory_space<vmem>> -> memref<80x128xf32, #tpu.memory_space<vmem>>
          tpu.enqueue_dma source(%dma_start3A_118 : memref<80x128xf32, #tpu.memory_space<vmem>>) target(%dma_start3A_115 : memref<80x128xf32, #tpu.memory_space<vmem_shared>>) target_semaphore(%run_scoped3A : memref<!tpu.dma_semaphore, #tpu.memory_space<semaphore_mem>>)
          %dma_wait3A_119 = arith.constant 0 : i32
          %dma_wait3A_120 = arith.constant 0 : i32
          %dma_wait3A_121 = tpu.memref_slice %arg14[%dma_wait3A_119, %dma_wait3A_120] : memref<80x128xf32, #tpu.memory_space<vmem>> -> memref<80x128xf32, #tpu.memory_space<vmem>>
          %dma_wait3A_122 = arith.constant 0 : i32
          %dma_wait3A_123 = tpu.memref_slice %arg30[%multiple_of3A_108, %dma_wait3A_122] : memref<10080x128xf32, #tpu.memory_space<vmem_shared>> -> memref<80x128xf32, #tpu.memory_space<vmem_shared>>
          %dma_wait3A_124 = arith.constant 0 : i32
          %dma_wait3A_125 = tpu.memref_slice %arg30[%multiple_of3A_108, %dma_wait3A_124] : memref<10080x128xf32, #tpu.memory_space<vmem_shared>> -> memref<80x128xf32, #tpu.memory_space<vmem_shared>>
          %dma_wait3A_126 = arith.constant 0 : i32
          %dma_wait3A_127 = arith.constant 0 : i32
          %dma_wait3A_128 = tpu.memref_slice %arg14[%dma_wait3A_126, %dma_wait3A_127] : memref<80x128xf32, #tpu.memory_space<vmem>> -> memref<80x128xf32, #tpu.memory_space<vmem>>
          tpu.wait_dma2 semaphore(%run_scoped3A : memref<!tpu.dma_semaphore, #tpu.memory_space<semaphore_mem>>) src(%dma_wait3A_128 : memref<80x128xf32, #tpu.memory_space<vmem>>) dst(%dma_wait3A_125 : memref<80x128xf32, #tpu.memory_space<vmem_shared>>)
          tpu.yield
        }) : () -> ()
      } else {
      }
    }
    %scan3A_10 = arith.constant 8 : i32
    %barrier3A = arith.constant 0 : index
    tpu.barrier barrier_id(%barrier3A)
    %mul3A = arith.constant 16 : i32
    %mul3A_11 = arith.muli %arg0, %mul3A : i32
    %add3A = arith.addi %mul3A_11, %arg1 : i32
    %mul3A_12 = arith.constant 10000 : i32
    %mul3A_13 = arith.muli %add3A, %mul3A_12 : i32
    %add3A_14 = arith.constant 0 : i32
    %add3A_15 = arith.addi %mul3A_13, %add3A_14 : i32
    %multiple_of3A = tpu.assume_multiple %add3A_15, 8 : i32
    %add3A_16 = arith.constant 0 : i32
    %add3A_17 = arith.addi %mul3A_13, %add3A_16 : i32
    %multiple_of3A_18 = tpu.assume_multiple %add3A_17, 8 : i32
    %dma_start3A = tpu.memref_slice %arg3[%multiple_of3A] : memref<320000xi32, #tpu.memory_space<hbm>> -> memref<80xi32, #tpu.memory_space<hbm>>
    %dma_start3A_19 = tpu.memref_slice %arg3[%multiple_of3A] : memref<320000xi32, #tpu.memory_space<hbm>> -> memref<80xi32, #tpu.memory_space<hbm>>
    tpu.enqueue_dma source(%dma_start3A_19 : memref<80xi32, #tpu.memory_space<hbm>>) target(%arg6 : memref<80xi32, #tpu.memory_space<vmem>>) target_semaphore(%arg18 : memref<!tpu.dma_semaphore, #tpu.memory_space<semaphore_mem>>)
    %dma_start3A_20 = tpu.memref_slice %arg4[%multiple_of3A_18] : memref<320000xi32, #tpu.memory_space<hbm>> -> memref<80xi32, #tpu.memory_space<hbm>>
    %dma_start3A_21 = tpu.memref_slice %arg4[%multiple_of3A_18] : memref<320000xi32, #tpu.memory_space<hbm>> -> memref<80xi32, #tpu.memory_space<hbm>>
    tpu.enqueue_dma source(%dma_start3A_21 : memref<80xi32, #tpu.memory_space<hbm>>) target(%arg10 : memref<80xi32, #tpu.memory_space<vmem>>) target_semaphore(%arg18 : memref<!tpu.dma_semaphore, #tpu.memory_space<semaphore_mem>>)
    %add3A_22 = arith.constant 80 : i32
    %add3A_23 = arith.addi %mul3A_13, %add3A_22 : i32
    %multiple_of3A_24 = tpu.assume_multiple %add3A_23, 8 : i32
    %add3A_25 = arith.constant 80 : i32
    %add3A_26 = arith.addi %mul3A_13, %add3A_25 : i32
    %multiple_of3A_27 = tpu.assume_multiple %add3A_26, 8 : i32
    %dma_start3A_28 = tpu.memref_slice %arg3[%multiple_of3A_24] : memref<320000xi32, #tpu.memory_space<hbm>> -> memref<80xi32, #tpu.memory_space<hbm>>
    %dma_start3A_29 = tpu.memref_slice %arg3[%multiple_of3A_24] : memref<320000xi32, #tpu.memory_space<hbm>> -> memref<80xi32, #tpu.memory_space<hbm>>
    tpu.enqueue_dma source(%dma_start3A_29 : memref<80xi32, #tpu.memory_space<hbm>>) target(%arg7 : memref<80xi32, #tpu.memory_space<vmem>>) target_semaphore(%arg19 : memref<!tpu.dma_semaphore, #tpu.memory_space<semaphore_mem>>)
    %dma_start3A_30 = tpu.memref_slice %arg4[%multiple_of3A_27] : memref<320000xi32, #tpu.memory_space<hbm>> -> memref<80xi32, #tpu.memory_space<hbm>>
    %dma_start3A_31 = tpu.memref_slice %arg4[%multiple_of3A_27] : memref<320000xi32, #tpu.memory_space<hbm>> -> memref<80xi32, #tpu.memory_space<hbm>>
    tpu.enqueue_dma source(%dma_start3A_31 : memref<80xi32, #tpu.memory_space<hbm>>) target(%arg11 : memref<80xi32, #tpu.memory_space<vmem>>) target_semaphore(%arg19 : memref<!tpu.dma_semaphore, #tpu.memory_space<semaphore_mem>>)
    %add3A_32 = arith.constant 160 : i32
    %add3A_33 = arith.addi %mul3A_13, %add3A_32 : i32
    %multiple_of3A_34 = tpu.assume_multiple %add3A_33, 8 : i32
    %add3A_35 = arith.constant 160 : i32
    %add3A_36 = arith.addi %mul3A_13, %add3A_35 : i32
    %multiple_of3A_37 = tpu.assume_multiple %add3A_36, 8 : i32
    %dma_start3A_38 = tpu.memref_slice %arg3[%multiple_of3A_34] : memref<320000xi32, #tpu.memory_space<hbm>> -> memref<80xi32, #tpu.memory_space<hbm>>
    %dma_start3A_39 = tpu.memref_slice %arg3[%multiple_of3A_34] : memref<320000xi32, #tpu.memory_space<hbm>> -> memref<80xi32, #tpu.memory_space<hbm>>
    tpu.enqueue_dma source(%dma_start3A_39 : memref<80xi32, #tpu.memory_space<hbm>>) target(%arg8 : memref<80xi32, #tpu.memory_space<vmem>>) target_semaphore(%arg20 : memref<!tpu.dma_semaphore, #tpu.memory_space<semaphore_mem>>)
    %dma_start3A_40 = tpu.memref_slice %arg4[%multiple_of3A_37] : memref<320000xi32, #tpu.memory_space<hbm>> -> memref<80xi32, #tpu.memory_space<hbm>>
    %dma_start3A_41 = tpu.memref_slice %arg4[%multiple_of3A_37] : memref<320000xi32, #tpu.memory_space<hbm>> -> memref<80xi32, #tpu.memory_space<hbm>>
    tpu.enqueue_dma source(%dma_start3A_41 : memref<80xi32, #tpu.memory_space<hbm>>) target(%arg12 : memref<80xi32, #tpu.memory_space<vmem>>) target_semaphore(%arg20 : memref<!tpu.dma_semaphore, #tpu.memory_space<semaphore_mem>>)
    %dma_wait3A = arith.constant 0 : i32
    %dma_wait3A_42 = tpu.memref_slice %arg3[%dma_wait3A] : memref<320000xi32, #tpu.memory_space<hbm>> -> memref<80xi32, #tpu.memory_space<hbm>>
    %dma_wait3A_43 = arith.constant 0 : i32
    %dma_wait3A_44 = tpu.memref_slice %arg3[%dma_wait3A_43] : memref<320000xi32, #tpu.memory_space<hbm>> -> memref<80xi32, #tpu.memory_space<hbm>>
    tpu.wait_dma2 semaphore(%arg18 : memref<!tpu.dma_semaphore, #tpu.memory_space<semaphore_mem>>) src(%dma_wait3A_44 : memref<80xi32, #tpu.memory_space<hbm>>) dst(%arg6 : memref<80xi32, #tpu.memory_space<vmem>>)
    %dma_wait3A_45 = arith.constant 0 : i32
    %dma_wait3A_46 = tpu.memref_slice %arg3[%dma_wait3A_45] : memref<320000xi32, #tpu.memory_space<hbm>> -> memref<80xi32, #tpu.memory_space<hbm>>
    %dma_wait3A_47 = arith.constant 0 : i32
    %dma_wait3A_48 = tpu.memref_slice %arg3[%dma_wait3A_47] : memref<320000xi32, #tpu.memory_space<hbm>> -> memref<80xi32, #tpu.memory_space<hbm>>
    tpu.wait_dma2 semaphore(%arg18 : memref<!tpu.dma_semaphore, #tpu.memory_space<semaphore_mem>>) src(%dma_wait3A_48 : memref<80xi32, #tpu.memory_space<hbm>>) dst(%arg10 : memref<80xi32, #tpu.memory_space<vmem>>)
    %dma_start3A_49 = arith.constant 0 : i32
    %dma_start3A_50 = arith.constant 0 : i32
    %dma_start3A_51 = tpu.memref_slice %arg2[%dma_start3A_49, %dma_start3A_50] : memref<10000x128xf32, #tpu.memory_space<hbm>> -> memref<10000x128xf32, #tpu.memory_space<hbm>>
    tpu.enqueue_indirect_dma source(%dma_start3A_51 : memref<10000x128xf32, #tpu.memory_space<hbm>>) target(%arg14 : memref<80x128xf32, #tpu.memory_space<vmem>>) offsets(%arg6 : memref<80xi32, #tpu.memory_space<vmem>>) semaphore(%arg22 : memref<!tpu.dma_semaphore, #tpu.memory_space<semaphore_mem>>)
    %dma_wait3A_52 = arith.constant 0 : i32
    %dma_wait3A_53 = tpu.memref_slice %arg3[%dma_wait3A_52] : memref<320000xi32, #tpu.memory_space<hbm>> -> memref<80xi32, #tpu.memory_space<hbm>>
    %dma_wait3A_54 = arith.constant 0 : i32
    %dma_wait3A_55 = tpu.memref_slice %arg3[%dma_wait3A_54] : memref<320000xi32, #tpu.memory_space<hbm>> -> memref<80xi32, #tpu.memory_space<hbm>>
    tpu.wait_dma2 semaphore(%arg19 : memref<!tpu.dma_semaphore, #tpu.memory_space<semaphore_mem>>) src(%dma_wait3A_55 : memref<80xi32, #tpu.memory_space<hbm>>) dst(%arg7 : memref<80xi32, #tpu.memory_space<vmem>>)
    %dma_wait3A_56 = arith.constant 0 : i32
    %dma_wait3A_57 = tpu.memref_slice %arg3[%dma_wait3A_56] : memref<320000xi32, #tpu.memory_space<hbm>> -> memref<80xi32, #tpu.memory_space<hbm>>
    %dma_wait3A_58 = arith.constant 0 : i32
    %dma_wait3A_59 = tpu.memref_slice %arg3[%dma_wait3A_58] : memref<320000xi32, #tpu.memory_space<hbm>> -> memref<80xi32, #tpu.memory_space<hbm>>
    tpu.wait_dma2 semaphore(%arg19 : memref<!tpu.dma_semaphore, #tpu.memory_space<semaphore_mem>>) src(%dma_wait3A_59 : memref<80xi32, #tpu.memory_space<hbm>>) dst(%arg11 : memref<80xi32, #tpu.memory_space<vmem>>)
    %dma_start3A_60 = arith.constant 0 : i32
    %dma_start3A_61 = arith.constant 0 : i32
    %dma_start3A_62 = tpu.memref_slice %arg2[%dma_start3A_60, %dma_start3A_61] : memref<10000x128xf32, #tpu.memory_space<hbm>> -> memref<10000x128xf32, #tpu.memory_space<hbm>>
    tpu.enqueue_indirect_dma source(%dma_start3A_62 : memref<10000x128xf32, #tpu.memory_space<hbm>>) target(%arg15 : memref<80x128xf32, #tpu.memory_space<vmem>>) offsets(%arg7 : memref<80xi32, #tpu.memory_space<vmem>>) semaphore(%arg23 : memref<!tpu.dma_semaphore, #tpu.memory_space<semaphore_mem>>)
    %scan3A_63 = arith.constant 0 : i32
    %scan3A_64 = arith.constant 0 : i32
    %scan3A_65 = arith.constant 32 : i32
    %scan3A_66 = arith.addi %scan3A_64, %scan3A_65 : i32
    %scan3A_67 = arith.constant 1 : i32
    scf.for %scan3A_100 = %scan3A_64 to %scan3A_66 step %scan3A_67  : i32 {
      %mul3A_101 = arith.constant 4 : i32
      %mul3A_102 = arith.muli %scan3A_100, %mul3A_101 : i32
      %add3A_103 = arith.constant 0 : i32
      %add3A_104 = arith.addi %mul3A_102, %add3A_103 : i32
      %lt3A = arith.constant 125 : i32
      %lt3A_105 = arith.cmpi slt, %add3A_104, %lt3A : i32
      %convert_element_type3A = arith.extui %lt3A_105 : i1 to i32
      %cond3A = arith.constant 0 : i32
      %cond3A_106 = arith.cmpi ne, %convert_element_type3A, %cond3A : i32
      scf.if %cond3A_106 {
        %dma_wait3A_134 = arith.constant 0 : i32
        %dma_wait3A_135 = arith.constant 0 : i32
        %dma_wait3A_136 = tpu.memref_slice %arg2[%dma_wait3A_134, %dma_wait3A_135] : memref<10000x128xf32, #tpu.memory_space<hbm>> -> memref<80x128xf32, #tpu.memory_space<hbm>>
        %dma_wait3A_137 = arith.constant 0 : i32
        %dma_wait3A_138 = arith.constant 0 : i32
        %dma_wait3A_139 = tpu.memref_slice %arg2[%dma_wait3A_137, %dma_wait3A_138] : memref<10000x128xf32, #tpu.memory_space<hbm>> -> memref<80x128xf32, #tpu.memory_space<hbm>>
        tpu.wait_dma2 semaphore(%arg22 : memref<!tpu.dma_semaphore, #tpu.memory_space<semaphore_mem>>) src(%dma_wait3A_139 : memref<80x128xf32, #tpu.memory_space<hbm>>) dst(%arg14 : memref<80x128xf32, #tpu.memory_space<vmem>>)
        %dma_start3A_140 = arith.constant 0 : i32
        %dma_start3A_141 = arith.constant 0 : i32
        %dma_start3A_142 = tpu.memref_slice %arg30[%dma_start3A_140, %dma_start3A_141] : memref<10080x128xf32, #tpu.memory_space<vmem_shared>> -> memref<10080x128xf32, #tpu.memory_space<vmem_shared>>
        tpu.enqueue_indirect_dma source(%arg14 : memref<80x128xf32, #tpu.memory_space<vmem>>) target(%dma_start3A_142 : memref<10080x128xf32, #tpu.memory_space<vmem_shared>>) offsets(%arg10 : memref<80xi32, #tpu.memory_space<vmem>>) semaphore(%arg26 : memref<!tpu.dma_semaphore, #tpu.memory_space<semaphore_mem>>) {add = true}
        %add3A_143 = arith.constant 4 : i32
        %add3A_144 = arith.addi %add3A_104, %add3A_143 : i32
        %sub3A = arith.constant 1 : i32
        %sub3A_145 = arith.subi %add3A_144, %sub3A : i32
        %lt3A_146 = arith.constant 125 : i32
        %lt3A_147 = arith.cmpi slt, %sub3A_145, %lt3A_146 : i32
        %convert_element_type3A_148 = arith.extui %lt3A_147 : i1 to i32
        %cond3A_149 = arith.constant 0 : i32
        %cond3A_150 = arith.cmpi ne, %convert_element_type3A_148, %cond3A_149 : i32
        scf.if %cond3A_150 {
          %ge3A = arith.constant 4 : i32
          %ge3A_158 = arith.cmpi sge, %sub3A_145, %ge3A : i32
          %convert_element_type3A_159 = arith.extui %ge3A_158 : i1 to i32
          %cond3A_160 = arith.constant 0 : i32
          %cond3A_161 = arith.cmpi ne, %convert_element_type3A_159, %cond3A_160 : i32
          scf.if %cond3A_161 {
            %dma_wait3A_174 = arith.constant 0 : i32
            %dma_wait3A_175 = arith.constant 0 : i32
            %dma_wait3A_176 = tpu.memref_slice %arg2[%dma_wait3A_174, %dma_wait3A_175] : memref<10000x128xf32, #tpu.memory_space<hbm>> -> memref<80x128xf32, #tpu.memory_space<hbm>>
            %dma_wait3A_177 = arith.constant 0 : i32
            %dma_wait3A_178 = arith.constant 0 : i32
            %dma_wait3A_179 = tpu.memref_slice %arg2[%dma_wait3A_177, %dma_wait3A_178] : memref<10000x128xf32, #tpu.memory_space<hbm>> -> memref<80x128xf32, #tpu.memory_space<hbm>>
            tpu.wait_dma2 semaphore(%arg29 : memref<!tpu.dma_semaphore, #tpu.memory_space<semaphore_mem>>) src(%dma_wait3A_179 : memref<80x128xf32, #tpu.memory_space<hbm>>) dst(%arg17 : memref<80x128xf32, #tpu.memory_space<vmem>>)
          } else {
          }
          %mul3A_162 = arith.constant 80 : i32
          %mul3A_163 = arith.muli %sub3A_145, %mul3A_162 : i32
          %add3A_164 = arith.addi %mul3A_13, %mul3A_163 : i32
          %multiple_of3A_165 = tpu.assume_multiple %add3A_164, 8 : i32
          %mul3A_166 = arith.constant 80 : i32
          %mul3A_167 = arith.muli %sub3A_145, %mul3A_166 : i32
          %add3A_168 = arith.addi %mul3A_13, %mul3A_167 : i32
          %multiple_of3A_169 = tpu.assume_multiple %add3A_168, 8 : i32
          %dma_start3A_170 = tpu.memref_slice %arg3[%multiple_of3A_165] : memref<320000xi32, #tpu.memory_space<hbm>> -> memref<80xi32, #tpu.memory_space<hbm>>
          %dma_start3A_171 = tpu.memref_slice %arg3[%multiple_of3A_165] : memref<320000xi32, #tpu.memory_space<hbm>> -> memref<80xi32, #tpu.memory_space<hbm>>
          tpu.enqueue_dma source(%dma_start3A_171 : memref<80xi32, #tpu.memory_space<hbm>>) target(%arg9 : memref<80xi32, #tpu.memory_space<vmem>>) target_semaphore(%arg21 : memref<!tpu.dma_semaphore, #tpu.memory_space<semaphore_mem>>)
          %dma_start3A_172 = tpu.memref_slice %arg4[%multiple_of3A_169] : memref<320000xi32, #tpu.memory_space<hbm>> -> memref<80xi32, #tpu.memory_space<hbm>>
          %dma_start3A_173 = tpu.memref_slice %arg4[%multiple_of3A_169] : memref<320000xi32, #tpu.memory_space<hbm>> -> memref<80xi32, #tpu.memory_space<hbm>>
          tpu.enqueue_dma source(%dma_start3A_173 : memref<80xi32, #tpu.memory_space<hbm>>) target(%arg13 : memref<80xi32, #tpu.memory_space<vmem>>) target_semaphore(%arg21 : memref<!tpu.dma_semaphore, #tpu.memory_space<semaphore_mem>>)
        } else {
        }
        %add3A_151 = arith.constant 2 : i32
        %add3A_152 = arith.addi %add3A_104, %add3A_151 : i32
        %lt3A_153 = arith.constant 125 : i32
        %lt3A_154 = arith.cmpi slt, %add3A_152, %lt3A_153 : i32
        %convert_element_type3A_155 = arith.extui %lt3A_154 : i1 to i32
        %cond3A_156 = arith.constant 0 : i32
        %cond3A_157 = arith.cmpi ne, %convert_element_type3A_155, %cond3A_156 : i32
        scf.if %cond3A_157 {
          %dma_wait3A_158 = arith.constant 0 : i32
          %dma_wait3A_159 = tpu.memref_slice %arg3[%dma_wait3A_158] : memref<320000xi32, #tpu.memory_space<hbm>> -> memref<80xi32, #tpu.memory_space<hbm>>
          %dma_wait3A_160 = arith.constant 0 : i32
          %dma_wait3A_161 = tpu.memref_slice %arg3[%dma_wait3A_160] : memref<320000xi32, #tpu.memory_space<hbm>> -> memref<80xi32, #tpu.memory_space<hbm>>
          tpu.wait_dma2 semaphore(%arg20 : memref<!tpu.dma_semaphore, #tpu.memory_space<semaphore_mem>>) src(%dma_wait3A_161 : memref<80xi32, #tpu.memory_space<hbm>>) dst(%arg8 : memref<80xi32, #tpu.memory_space<vmem>>)
          %dma_wait3A_162 = arith.constant 0 : i32
          %dma_wait3A_163 = tpu.memref_slice %arg3[%dma_wait3A_162] : memref<320000xi32, #tpu.memory_space<hbm>> -> memref<80xi32, #tpu.memory_space<hbm>>
          %dma_wait3A_164 = arith.constant 0 : i32
          %dma_wait3A_165 = tpu.memref_slice %arg3[%dma_wait3A_164] : memref<320000xi32, #tpu.memory_space<hbm>> -> memref<80xi32, #tpu.memory_space<hbm>>
          tpu.wait_dma2 semaphore(%arg20 : memref<!tpu.dma_semaphore, #tpu.memory_space<semaphore_mem>>) src(%dma_wait3A_165 : memref<80xi32, #tpu.memory_space<hbm>>) dst(%arg12 : memref<80xi32, #tpu.memory_space<vmem>>)
          %dma_start3A_166 = arith.constant 0 : i32
          %dma_start3A_167 = arith.constant 0 : i32
          %dma_start3A_168 = tpu.memref_slice %arg2[%dma_start3A_166, %dma_start3A_167] : memref<10000x128xf32, #tpu.memory_space<hbm>> -> memref<10000x128xf32, #tpu.memory_space<hbm>>
          tpu.enqueue_indirect_dma source(%dma_start3A_168 : memref<10000x128xf32, #tpu.memory_space<hbm>>) target(%arg16 : memref<80x128xf32, #tpu.memory_space<vmem>>) offsets(%arg8 : memref<80xi32, #tpu.memory_space<vmem>>) semaphore(%arg24 : memref<!tpu.dma_semaphore, #tpu.memory_space<semaphore_mem>>)
        } else {
        }
      } else {
      }
      %mul3A_107 = arith.constant 4 : i32
      %mul3A_108 = arith.muli %scan3A_100, %mul3A_107 : i32
      %add3A_109 = arith.constant 1 : i32
      %add3A_110 = arith.addi %mul3A_108, %add3A_109 : i32
      %lt3A_111 = arith.constant 125 : i32
      %lt3A_112 = arith.cmpi slt, %add3A_110, %lt3A_111 : i32
      %convert_element_type3A_113 = arith.extui %lt3A_112 : i1 to i32
      %cond3A_114 = arith.constant 0 : i32
      %cond3A_115 = arith.cmpi ne, %convert_element_type3A_113, %cond3A_114 : i32
      scf.if %cond3A_115 {
        %dma_wait3A_134 = arith.constant 0 : i32
        %dma_wait3A_135 = arith.constant 0 : i32
        %dma_wait3A_136 = tpu.memref_slice %arg2[%dma_wait3A_134, %dma_wait3A_135] : memref<10000x128xf32, #tpu.memory_space<hbm>> -> memref<80x128xf32, #tpu.memory_space<hbm>>
        %dma_wait3A_137 = arith.constant 0 : i32
        %dma_wait3A_138 = arith.constant 0 : i32
        %dma_wait3A_139 = tpu.memref_slice %arg2[%dma_wait3A_137, %dma_wait3A_138] : memref<10000x128xf32, #tpu.memory_space<hbm>> -> memref<80x128xf32, #tpu.memory_space<hbm>>
        tpu.wait_dma2 semaphore(%arg23 : memref<!tpu.dma_semaphore, #tpu.memory_space<semaphore_mem>>) src(%dma_wait3A_139 : memref<80x128xf32, #tpu.memory_space<hbm>>) dst(%arg15 : memref<80x128xf32, #tpu.memory_space<vmem>>)
        %dma_start3A_140 = arith.constant 0 : i32
        %dma_start3A_141 = arith.constant 0 : i32
        %dma_start3A_142 = tpu.memref_slice %arg30[%dma_start3A_140, %dma_start3A_141] : memref<10080x128xf32, #tpu.memory_space<vmem_shared>> -> memref<10080x128xf32, #tpu.memory_space<vmem_shared>>
        tpu.enqueue_indirect_dma source(%arg15 : memref<80x128xf32, #tpu.memory_space<vmem>>) target(%dma_start3A_142 : memref<10080x128xf32, #tpu.memory_space<vmem_shared>>) offsets(%arg11 : memref<80xi32, #tpu.memory_space<vmem>>) semaphore(%arg27 : memref<!tpu.dma_semaphore, #tpu.memory_space<semaphore_mem>>) {add = true}
        %add3A_143 = arith.constant 4 : i32
        %add3A_144 = arith.addi %add3A_110, %add3A_143 : i32
        %sub3A = arith.constant 1 : i32
        %sub3A_145 = arith.subi %add3A_144, %sub3A : i32
        %lt3A_146 = arith.constant 125 : i32
        %lt3A_147 = arith.cmpi slt, %sub3A_145, %lt3A_146 : i32
        %convert_element_type3A_148 = arith.extui %lt3A_147 : i1 to i32
        %cond3A_149 = arith.constant 0 : i32
        %cond3A_150 = arith.cmpi ne, %convert_element_type3A_148, %cond3A_149 : i32
        scf.if %cond3A_150 {
          %ge3A = arith.constant 4 : i32
          %ge3A_158 = arith.cmpi sge, %sub3A_145, %ge3A : i32
          %convert_element_type3A_159 = arith.extui %ge3A_158 : i1 to i32
          %cond3A_160 = arith.constant 0 : i32
          %cond3A_161 = arith.cmpi ne, %convert_element_type3A_159, %cond3A_160 : i32
          scf.if %cond3A_161 {
            %dma_wait3A_174 = arith.constant 0 : i32
            %dma_wait3A_175 = arith.constant 0 : i32
            %dma_wait3A_176 = tpu.memref_slice %arg2[%dma_wait3A_174, %dma_wait3A_175] : memref<10000x128xf32, #tpu.memory_space<hbm>> -> memref<80x128xf32, #tpu.memory_space<hbm>>
            %dma_wait3A_177 = arith.constant 0 : i32
            %dma_wait3A_178 = arith.constant 0 : i32
            %dma_wait3A_179 = tpu.memref_slice %arg2[%dma_wait3A_177, %dma_wait3A_178] : memref<10000x128xf32, #tpu.memory_space<hbm>> -> memref<80x128xf32, #tpu.memory_space<hbm>>
            tpu.wait_dma2 semaphore(%arg26 : memref<!tpu.dma_semaphore, #tpu.memory_space<semaphore_mem>>) src(%dma_wait3A_179 : memref<80x128xf32, #tpu.memory_space<hbm>>) dst(%arg14 : memref<80x128xf32, #tpu.memory_space<vmem>>)
          } else {
          }
          %mul3A_162 = arith.constant 80 : i32
          %mul3A_163 = arith.muli %sub3A_145, %mul3A_162 : i32
          %add3A_164 = arith.addi %mul3A_13, %mul3A_163 : i32
          %multiple_of3A_165 = tpu.assume_multiple %add3A_164, 8 : i32
          %mul3A_166 = arith.constant 80 : i32
          %mul3A_167 = arith.muli %sub3A_145, %mul3A_166 : i32
          %add3A_168 = arith.addi %mul3A_13, %mul3A_167 : i32
          %multiple_of3A_169 = tpu.assume_multiple %add3A_168, 8 : i32
          %dma_start3A_170 = tpu.memref_slice %arg3[%multiple_of3A_165] : memref<320000xi32, #tpu.memory_space<hbm>> -> memref<80xi32, #tpu.memory_space<hbm>>
          %dma_start3A_171 = tpu.memref_slice %arg3[%multiple_of3A_165] : memref<320000xi32, #tpu.memory_space<hbm>> -> memref<80xi32, #tpu.memory_space<hbm>>
          tpu.enqueue_dma source(%dma_start3A_171 : memref<80xi32, #tpu.memory_space<hbm>>) target(%arg6 : memref<80xi32, #tpu.memory_space<vmem>>) target_semaphore(%arg18 : memref<!tpu.dma_semaphore, #tpu.memory_space<semaphore_mem>>)
          %dma_start3A_172 = tpu.memref_slice %arg4[%multiple_of3A_169] : memref<320000xi32, #tpu.memory_space<hbm>> -> memref<80xi32, #tpu.memory_space<hbm>>
          %dma_start3A_173 = tpu.memref_slice %arg4[%multiple_of3A_169] : memref<320000xi32, #tpu.memory_space<hbm>> -> memref<80xi32, #tpu.memory_space<hbm>>
          tpu.enqueue_dma source(%dma_start3A_173 : memref<80xi32, #tpu.memory_space<hbm>>) target(%arg10 : memref<80xi32, #tpu.memory_space<vmem>>) target_semaphore(%arg18 : memref<!tpu.dma_semaphore, #tpu.memory_space<semaphore_mem>>)
        } else {
        }
        %add3A_151 = arith.constant 2 : i32
        %add3A_152 = arith.addi %add3A_110, %add3A_151 : i32
        %lt3A_153 = arith.constant 125 : i32
        %lt3A_154 = arith.cmpi slt, %add3A_152, %lt3A_153 : i32
        %convert_element_type3A_155 = arith.extui %lt3A_154 : i1 to i32
        %cond3A_156 = arith.constant 0 : i32
        %cond3A_157 = arith.cmpi ne, %convert_element_type3A_155, %cond3A_156 : i32
        scf.if %cond3A_157 {
          %dma_wait3A_158 = arith.constant 0 : i32
          %dma_wait3A_159 = tpu.memref_slice %arg3[%dma_wait3A_158] : memref<320000xi32, #tpu.memory_space<hbm>> -> memref<80xi32, #tpu.memory_space<hbm>>
          %dma_wait3A_160 = arith.constant 0 : i32
          %dma_wait3A_161 = tpu.memref_slice %arg3[%dma_wait3A_160] : memref<320000xi32, #tpu.memory_space<hbm>> -> memref<80xi32, #tpu.memory_space<hbm>>
          tpu.wait_dma2 semaphore(%arg21 : memref<!tpu.dma_semaphore, #tpu.memory_space<semaphore_mem>>) src(%dma_wait3A_161 : memref<80xi32, #tpu.memory_space<hbm>>) dst(%arg9 : memref<80xi32, #tpu.memory_space<vmem>>)
          %dma_wait3A_162 = arith.constant 0 : i32
          %dma_wait3A_163 = tpu.memref_slice %arg3[%dma_wait3A_162] : memref<320000xi32, #tpu.memory_space<hbm>> -> memref<80xi32, #tpu.memory_space<hbm>>
          %dma_wait3A_164 = arith.constant 0 : i32
          %dma_wait3A_165 = tpu.memref_slice %arg3[%dma_wait3A_164] : memref<320000xi32, #tpu.memory_space<hbm>> -> memref<80xi32, #tpu.memory_space<hbm>>
          tpu.wait_dma2 semaphore(%arg21 : memref<!tpu.dma_semaphore, #tpu.memory_space<semaphore_mem>>) src(%dma_wait3A_165 : memref<80xi32, #tpu.memory_space<hbm>>) dst(%arg13 : memref<80xi32, #tpu.memory_space<vmem>>)
          %dma_start3A_166 = arith.constant 0 : i32
          %dma_start3A_167 = arith.constant 0 : i32
          %dma_start3A_168 = tpu.memref_slice %arg2[%dma_start3A_166, %dma_start3A_167] : memref<10000x128xf32, #tpu.memory_space<hbm>> -> memref<10000x128xf32, #tpu.memory_space<hbm>>
          tpu.enqueue_indirect_dma source(%dma_start3A_168 : memref<10000x128xf32, #tpu.memory_space<hbm>>) target(%arg17 : memref<80x128xf32, #tpu.memory_space<vmem>>) offsets(%arg9 : memref<80xi32, #tpu.memory_space<vmem>>) semaphore(%arg25 : memref<!tpu.dma_semaphore, #tpu.memory_space<semaphore_mem>>)
        } else {
        }
      } else {
      }
      %mul3A_116 = arith.constant 4 : i32
      %mul3A_117 = arith.muli %scan3A_100, %mul3A_116 : i32
      %add3A_118 = arith.constant 2 : i32
      %add3A_119 = arith.addi %mul3A_117, %add3A_118 : i32
      %lt3A_120 = arith.constant 125 : i32
      %lt3A_121 = arith.cmpi slt, %add3A_119, %lt3A_120 : i32
      %convert_element_type3A_122 = arith.extui %lt3A_121 : i1 to i32
      %cond3A_123 = arith.constant 0 : i32
      %cond3A_124 = arith.cmpi ne, %convert_element_type3A_122, %cond3A_123 : i32
      scf.if %cond3A_124 {
        %dma_wait3A_134 = arith.constant 0 : i32
        %dma_wait3A_135 = arith.constant 0 : i32
        %dma_wait3A_136 = tpu.memref_slice %arg2[%dma_wait3A_134, %dma_wait3A_135] : memref<10000x128xf32, #tpu.memory_space<hbm>> -> memref<80x128xf32, #tpu.memory_space<hbm>>
        %dma_wait3A_137 = arith.constant 0 : i32
        %dma_wait3A_138 = arith.constant 0 : i32
        %dma_wait3A_139 = tpu.memref_slice %arg2[%dma_wait3A_137, %dma_wait3A_138] : memref<10000x128xf32, #tpu.memory_space<hbm>> -> memref<80x128xf32, #tpu.memory_space<hbm>>
        tpu.wait_dma2 semaphore(%arg24 : memref<!tpu.dma_semaphore, #tpu.memory_space<semaphore_mem>>) src(%dma_wait3A_139 : memref<80x128xf32, #tpu.memory_space<hbm>>) dst(%arg16 : memref<80x128xf32, #tpu.memory_space<vmem>>)
        %dma_start3A_140 = arith.constant 0 : i32
        %dma_start3A_141 = arith.constant 0 : i32
        %dma_start3A_142 = tpu.memref_slice %arg30[%dma_start3A_140, %dma_start3A_141] : memref<10080x128xf32, #tpu.memory_space<vmem_shared>> -> memref<10080x128xf32, #tpu.memory_space<vmem_shared>>
        tpu.enqueue_indirect_dma source(%arg16 : memref<80x128xf32, #tpu.memory_space<vmem>>) target(%dma_start3A_142 : memref<10080x128xf32, #tpu.memory_space<vmem_shared>>) offsets(%arg12 : memref<80xi32, #tpu.memory_space<vmem>>) semaphore(%arg28 : memref<!tpu.dma_semaphore, #tpu.memory_space<semaphore_mem>>) {add = true}
        %add3A_143 = arith.constant 4 : i32
        %add3A_144 = arith.addi %add3A_119, %add3A_143 : i32
        %sub3A = arith.constant 1 : i32
        %sub3A_145 = arith.subi %add3A_144, %sub3A : i32
        %lt3A_146 = arith.constant 125 : i32
        %lt3A_147 = arith.cmpi slt, %sub3A_145, %lt3A_146 : i32
        %convert_element_type3A_148 = arith.extui %lt3A_147 : i1 to i32
        %cond3A_149 = arith.constant 0 : i32
        %cond3A_150 = arith.cmpi ne, %convert_element_type3A_148, %cond3A_149 : i32
        scf.if %cond3A_150 {
          %ge3A = arith.constant 4 : i32
          %ge3A_158 = arith.cmpi sge, %sub3A_145, %ge3A : i32
          %convert_element_type3A_159 = arith.extui %ge3A_158 : i1 to i32
          %cond3A_160 = arith.constant 0 : i32
          %cond3A_161 = arith.cmpi ne, %convert_element_type3A_159, %cond3A_160 : i32
          scf.if %cond3A_161 {
            %dma_wait3A_174 = arith.constant 0 : i32
            %dma_wait3A_175 = arith.constant 0 : i32
            %dma_wait3A_176 = tpu.memref_slice %arg2[%dma_wait3A_174, %dma_wait3A_175] : memref<10000x128xf32, #tpu.memory_space<hbm>> -> memref<80x128xf32, #tpu.memory_space<hbm>>
            %dma_wait3A_177 = arith.constant 0 : i32
            %dma_wait3A_178 = arith.constant 0 : i32
            %dma_wait3A_179 = tpu.memref_slice %arg2[%dma_wait3A_177, %dma_wait3A_178] : memref<10000x128xf32, #tpu.memory_space<hbm>> -> memref<80x128xf32, #tpu.memory_space<hbm>>
            tpu.wait_dma2 semaphore(%arg27 : memref<!tpu.dma_semaphore, #tpu.memory_space<semaphore_mem>>) src(%dma_wait3A_179 : memref<80x128xf32, #tpu.memory_space<hbm>>) dst(%arg15 : memref<80x128xf32, #tpu.memory_space<vmem>>)
          } else {
          }
          %mul3A_162 = arith.constant 80 : i32
          %mul3A_163 = arith.muli %sub3A_145, %mul3A_162 : i32
          %add3A_164 = arith.addi %mul3A_13, %mul3A_163 : i32
          %multiple_of3A_165 = tpu.assume_multiple %add3A_164, 8 : i32
          %mul3A_166 = arith.constant 80 : i32
          %mul3A_167 = arith.muli %sub3A_145, %mul3A_166 : i32
          %add3A_168 = arith.addi %mul3A_13, %mul3A_167 : i32
          %multiple_of3A_169 = tpu.assume_multiple %add3A_168, 8 : i32
          %dma_start3A_170 = tpu.memref_slice %arg3[%multiple_of3A_165] : memref<320000xi32, #tpu.memory_space<hbm>> -> memref<80xi32, #tpu.memory_space<hbm>>
          %dma_start3A_171 = tpu.memref_slice %arg3[%multiple_of3A_165] : memref<320000xi32, #tpu.memory_space<hbm>> -> memref<80xi32, #tpu.memory_space<hbm>>
          tpu.enqueue_dma source(%dma_start3A_171 : memref<80xi32, #tpu.memory_space<hbm>>) target(%arg7 : memref<80xi32, #tpu.memory_space<vmem>>) target_semaphore(%arg19 : memref<!tpu.dma_semaphore, #tpu.memory_space<semaphore_mem>>)
          %dma_start3A_172 = tpu.memref_slice %arg4[%multiple_of3A_169] : memref<320000xi32, #tpu.memory_space<hbm>> -> memref<80xi32, #tpu.memory_space<hbm>>
          %dma_start3A_173 = tpu.memref_slice %arg4[%multiple_of3A_169] : memref<320000xi32, #tpu.memory_space<hbm>> -> memref<80xi32, #tpu.memory_space<hbm>>
          tpu.enqueue_dma source(%dma_start3A_173 : memref<80xi32, #tpu.memory_space<hbm>>) target(%arg11 : memref<80xi32, #tpu.memory_space<vmem>>) target_semaphore(%arg19 : memref<!tpu.dma_semaphore, #tpu.memory_space<semaphore_mem>>)
        } else {
        }
        %add3A_151 = arith.constant 2 : i32
        %add3A_152 = arith.addi %add3A_119, %add3A_151 : i32
        %lt3A_153 = arith.constant 125 : i32
        %lt3A_154 = arith.cmpi slt, %add3A_152, %lt3A_153 : i32
        %convert_element_type3A_155 = arith.extui %lt3A_154 : i1 to i32
        %cond3A_156 = arith.constant 0 : i32
        %cond3A_157 = arith.cmpi ne, %convert_element_type3A_155, %cond3A_156 : i32
        scf.if %cond3A_157 {
          %dma_wait3A_158 = arith.constant 0 : i32
          %dma_wait3A_159 = tpu.memref_slice %arg3[%dma_wait3A_158] : memref<320000xi32, #tpu.memory_space<hbm>> -> memref<80xi32, #tpu.memory_space<hbm>>
          %dma_wait3A_160 = arith.constant 0 : i32
          %dma_wait3A_161 = tpu.memref_slice %arg3[%dma_wait3A_160] : memref<320000xi32, #tpu.memory_space<hbm>> -> memref<80xi32, #tpu.memory_space<hbm>>
          tpu.wait_dma2 semaphore(%arg18 : memref<!tpu.dma_semaphore, #tpu.memory_space<semaphore_mem>>) src(%dma_wait3A_161 : memref<80xi32, #tpu.memory_space<hbm>>) dst(%arg6 : memref<80xi32, #tpu.memory_space<vmem>>)
          %dma_wait3A_162 = arith.constant 0 : i32
          %dma_wait3A_163 = tpu.memref_slice %arg3[%dma_wait3A_162] : memref<320000xi32, #tpu.memory_space<hbm>> -> memref<80xi32, #tpu.memory_space<hbm>>
          %dma_wait3A_164 = arith.constant 0 : i32
          %dma_wait3A_165 = tpu.memref_slice %arg3[%dma_wait3A_164] : memref<320000xi32, #tpu.memory_space<hbm>> -> memref<80xi32, #tpu.memory_space<hbm>>
          tpu.wait_dma2 semaphore(%arg18 : memref<!tpu.dma_semaphore, #tpu.memory_space<semaphore_mem>>) src(%dma_wait3A_165 : memref<80xi32, #tpu.memory_space<hbm>>) dst(%arg10 : memref<80xi32, #tpu.memory_space<vmem>>)
          %dma_start3A_166 = arith.constant 0 : i32
          %dma_start3A_167 = arith.constant 0 : i32
          %dma_start3A_168 = tpu.memref_slice %arg2[%dma_start3A_166, %dma_start3A_167] : memref<10000x128xf32, #tpu.memory_space<hbm>> -> memref<10000x128xf32, #tpu.memory_space<hbm>>
          tpu.enqueue_indirect_dma source(%dma_start3A_168 : memref<10000x128xf32, #tpu.memory_space<hbm>>) target(%arg14 : memref<80x128xf32, #tpu.memory_space<vmem>>) offsets(%arg6 : memref<80xi32, #tpu.memory_space<vmem>>) semaphore(%arg22 : memref<!tpu.dma_semaphore, #tpu.memory_space<semaphore_mem>>)
        } else {
        }
      } else {
      }
      %mul3A_125 = arith.constant 4 : i32
      %mul3A_126 = arith.muli %scan3A_100, %mul3A_125 : i32
      %add3A_127 = arith.constant 3 : i32
      %add3A_128 = arith.addi %mul3A_126, %add3A_127 : i32
      %lt3A_129 = arith.constant 125 : i32
      %lt3A_130 = arith.cmpi slt, %add3A_128, %lt3A_129 : i32
      %convert_element_type3A_131 = arith.extui %lt3A_130 : i1 to i32
      %cond3A_132 = arith.constant 0 : i32
      %cond3A_133 = arith.cmpi ne, %convert_element_type3A_131, %cond3A_132 : i32
      scf.if %cond3A_133 {
        %dma_wait3A_134 = arith.constant 0 : i32
        %dma_wait3A_135 = arith.constant 0 : i32
        %dma_wait3A_136 = tpu.memref_slice %arg2[%dma_wait3A_134, %dma_wait3A_135] : memref<10000x128xf32, #tpu.memory_space<hbm>> -> memref<80x128xf32, #tpu.memory_space<hbm>>
        %dma_wait3A_137 = arith.constant 0 : i32
        %dma_wait3A_138 = arith.constant 0 : i32
        %dma_wait3A_139 = tpu.memref_slice %arg2[%dma_wait3A_137, %dma_wait3A_138] : memref<10000x128xf32, #tpu.memory_space<hbm>> -> memref<80x128xf32, #tpu.memory_space<hbm>>
        tpu.wait_dma2 semaphore(%arg25 : memref<!tpu.dma_semaphore, #tpu.memory_space<semaphore_mem>>) src(%dma_wait3A_139 : memref<80x128xf32, #tpu.memory_space<hbm>>) dst(%arg17 : memref<80x128xf32, #tpu.memory_space<vmem>>)
        %dma_start3A_140 = arith.constant 0 : i32
        %dma_start3A_141 = arith.constant 0 : i32
        %dma_start3A_142 = tpu.memref_slice %arg30[%dma_start3A_140, %dma_start3A_141] : memref<10080x128xf32, #tpu.memory_space<vmem_shared>> -> memref<10080x128xf32, #tpu.memory_space<vmem_shared>>
        tpu.enqueue_indirect_dma source(%arg17 : memref<80x128xf32, #tpu.memory_space<vmem>>) target(%dma_start3A_142 : memref<10080x128xf32, #tpu.memory_space<vmem_shared>>) offsets(%arg13 : memref<80xi32, #tpu.memory_space<vmem>>) semaphore(%arg29 : memref<!tpu.dma_semaphore, #tpu.memory_space<semaphore_mem>>) {add = true}
        %add3A_143 = arith.constant 4 : i32
        %add3A_144 = arith.addi %add3A_128, %add3A_143 : i32
        %sub3A = arith.constant 1 : i32
        %sub3A_145 = arith.subi %add3A_144, %sub3A : i32
        %lt3A_146 = arith.constant 125 : i32
        %lt3A_147 = arith.cmpi slt, %sub3A_145, %lt3A_146 : i32
        %convert_element_type3A_148 = arith.extui %lt3A_147 : i1 to i32
        %cond3A_149 = arith.constant 0 : i32
        %cond3A_150 = arith.cmpi ne, %convert_element_type3A_148, %cond3A_149 : i32
        scf.if %cond3A_150 {
          %ge3A = arith.constant 4 : i32
          %ge3A_158 = arith.cmpi sge, %sub3A_145, %ge3A : i32
          %convert_element_type3A_159 = arith.extui %ge3A_158 : i1 to i32
          %cond3A_160 = arith.constant 0 : i32
          %cond3A_161 = arith.cmpi ne, %convert_element_type3A_159, %cond3A_160 : i32
          scf.if %cond3A_161 {
            %dma_wait3A_174 = arith.constant 0 : i32
            %dma_wait3A_175 = arith.constant 0 : i32
            %dma_wait3A_176 = tpu.memref_slice %arg2[%dma_wait3A_174, %dma_wait3A_175] : memref<10000x128xf32, #tpu.memory_space<hbm>> -> memref<80x128xf32, #tpu.memory_space<hbm>>
            %dma_wait3A_177 = arith.constant 0 : i32
            %dma_wait3A_178 = arith.constant 0 : i32
            %dma_wait3A_179 = tpu.memref_slice %arg2[%dma_wait3A_177, %dma_wait3A_178] : memref<10000x128xf32, #tpu.memory_space<hbm>> -> memref<80x128xf32, #tpu.memory_space<hbm>>
            tpu.wait_dma2 semaphore(%arg28 : memref<!tpu.dma_semaphore, #tpu.memory_space<semaphore_mem>>) src(%dma_wait3A_179 : memref<80x128xf32, #tpu.memory_space<hbm>>) dst(%arg16 : memref<80x128xf32, #tpu.memory_space<vmem>>)
          } else {
          }
          %mul3A_162 = arith.constant 80 : i32
          %mul3A_163 = arith.muli %sub3A_145, %mul3A_162 : i32
          %add3A_164 = arith.addi %mul3A_13, %mul3A_163 : i32
          %multiple_of3A_165 = tpu.assume_multiple %add3A_164, 8 : i32
          %mul3A_166 = arith.constant 80 : i32
          %mul3A_167 = arith.muli %sub3A_145, %mul3A_166 : i32
          %add3A_168 = arith.addi %mul3A_13, %mul3A_167 : i32
          %multiple_of3A_169 = tpu.assume_multiple %add3A_168, 8 : i32
          %dma_start3A_170 = tpu.memref_slice %arg3[%multiple_of3A_165] : memref<320000xi32, #tpu.memory_space<hbm>> -> memref<80xi32, #tpu.memory_space<hbm>>
          %dma_start3A_171 = tpu.memref_slice %arg3[%multiple_of3A_165] : memref<320000xi32, #tpu.memory_space<hbm>> -> memref<80xi32, #tpu.memory_space<hbm>>
          tpu.enqueue_dma source(%dma_start3A_171 : memref<80xi32, #tpu.memory_space<hbm>>) target(%arg8 : memref<80xi32, #tpu.memory_space<vmem>>) target_semaphore(%arg20 : memref<!tpu.dma_semaphore, #tpu.memory_space<semaphore_mem>>)
          %dma_start3A_172 = tpu.memref_slice %arg4[%multiple_of3A_169] : memref<320000xi32, #tpu.memory_space<hbm>> -> memref<80xi32, #tpu.memory_space<hbm>>
          %dma_start3A_173 = tpu.memref_slice %arg4[%multiple_of3A_169] : memref<320000xi32, #tpu.memory_space<hbm>> -> memref<80xi32, #tpu.memory_space<hbm>>
          tpu.enqueue_dma source(%dma_start3A_173 : memref<80xi32, #tpu.memory_space<hbm>>) target(%arg12 : memref<80xi32, #tpu.memory_space<vmem>>) target_semaphore(%arg20 : memref<!tpu.dma_semaphore, #tpu.memory_space<semaphore_mem>>)
        } else {
        }
        %add3A_151 = arith.constant 2 : i32
        %add3A_152 = arith.addi %add3A_128, %add3A_151 : i32
        %lt3A_153 = arith.constant 125 : i32
        %lt3A_154 = arith.cmpi slt, %add3A_152, %lt3A_153 : i32
        %convert_element_type3A_155 = arith.extui %lt3A_154 : i1 to i32
        %cond3A_156 = arith.constant 0 : i32
        %cond3A_157 = arith.cmpi ne, %convert_element_type3A_155, %cond3A_156 : i32
        scf.if %cond3A_157 {
          %dma_wait3A_158 = arith.constant 0 : i32
          %dma_wait3A_159 = tpu.memref_slice %arg3[%dma_wait3A_158] : memref<320000xi32, #tpu.memory_space<hbm>> -> memref<80xi32, #tpu.memory_space<hbm>>
          %dma_wait3A_160 = arith.constant 0 : i32
          %dma_wait3A_161 = tpu.memref_slice %arg3[%dma_wait3A_160] : memref<320000xi32, #tpu.memory_space<hbm>> -> memref<80xi32, #tpu.memory_space<hbm>>
          tpu.wait_dma2 semaphore(%arg19 : memref<!tpu.dma_semaphore, #tpu.memory_space<semaphore_mem>>) src(%dma_wait3A_161 : memref<80xi32, #tpu.memory_space<hbm>>) dst(%arg7 : memref<80xi32, #tpu.memory_space<vmem>>)
          %dma_wait3A_162 = arith.constant 0 : i32
          %dma_wait3A_163 = tpu.memref_slice %arg3[%dma_wait3A_162] : memref<320000xi32, #tpu.memory_space<hbm>> -> memref<80xi32, #tpu.memory_space<hbm>>
          %dma_wait3A_164 = arith.constant 0 : i32
          %dma_wait3A_165 = tpu.memref_slice %arg3[%dma_wait3A_164] : memref<320000xi32, #tpu.memory_space<hbm>> -> memref<80xi32, #tpu.memory_space<hbm>>
          tpu.wait_dma2 semaphore(%arg19 : memref<!tpu.dma_semaphore, #tpu.memory_space<semaphore_mem>>) src(%dma_wait3A_165 : memref<80xi32, #tpu.memory_space<hbm>>) dst(%arg11 : memref<80xi32, #tpu.memory_space<vmem>>)
          %dma_start3A_166 = arith.constant 0 : i32
          %dma_start3A_167 = arith.constant 0 : i32
          %dma_start3A_168 = tpu.memref_slice %arg2[%dma_start3A_166, %dma_start3A_167] : memref<10000x128xf32, #tpu.memory_space<hbm>> -> memref<10000x128xf32, #tpu.memory_space<hbm>>
          tpu.enqueue_indirect_dma source(%dma_start3A_168 : memref<10000x128xf32, #tpu.memory_space<hbm>>) target(%arg15 : memref<80x128xf32, #tpu.memory_space<vmem>>) offsets(%arg7 : memref<80xi32, #tpu.memory_space<vmem>>) semaphore(%arg23 : memref<!tpu.dma_semaphore, #tpu.memory_space<semaphore_mem>>)
        } else {
        }
      } else {
      }
    }
    %scan3A_68 = arith.constant 32 : i32
    %dma_wait3A_69 = arith.constant 0 : i32
    %dma_wait3A_70 = arith.constant 0 : i32
    %dma_wait3A_71 = tpu.memref_slice %arg2[%dma_wait3A_69, %dma_wait3A_70] : memref<10000x128xf32, #tpu.memory_space<hbm>> -> memref<80x128xf32, #tpu.memory_space<hbm>>
    %dma_wait3A_72 = arith.constant 0 : i32
    %dma_wait3A_73 = arith.constant 0 : i32
    %dma_wait3A_74 = tpu.memref_slice %arg2[%dma_wait3A_72, %dma_wait3A_73] : memref<10000x128xf32, #tpu.memory_space<hbm>> -> memref<80x128xf32, #tpu.memory_space<hbm>>
    tpu.wait_dma2 semaphore(%arg26 : memref<!tpu.dma_semaphore, #tpu.memory_space<semaphore_mem>>) src(%dma_wait3A_74 : memref<80x128xf32, #tpu.memory_space<hbm>>) dst(%arg14 : memref<80x128xf32, #tpu.memory_space<vmem>>)
    %dma_wait3A_75 = arith.constant 0 : i32
    %dma_wait3A_76 = arith.constant 0 : i32
    %dma_wait3A_77 = tpu.memref_slice %arg2[%dma_wait3A_75, %dma_wait3A_76] : memref<10000x128xf32, #tpu.memory_space<hbm>> -> memref<80x128xf32, #tpu.memory_space<hbm>>
    %dma_wait3A_78 = arith.constant 0 : i32
    %dma_wait3A_79 = arith.constant 0 : i32
    %dma_wait3A_80 = tpu.memref_slice %arg2[%dma_wait3A_78, %dma_wait3A_79] : memref<10000x128xf32, #tpu.memory_space<hbm>> -> memref<80x128xf32, #tpu.memory_space<hbm>>
    tpu.wait_dma2 semaphore(%arg27 : memref<!tpu.dma_semaphore, #tpu.memory_space<semaphore_mem>>) src(%dma_wait3A_80 : memref<80x128xf32, #tpu.memory_space<hbm>>) dst(%arg15 : memref<80x128xf32, #tpu.memory_space<vmem>>)
    %dma_wait3A_81 = arith.constant 0 : i32
    %dma_wait3A_82 = arith.constant 0 : i32
    %dma_wait3A_83 = tpu.memref_slice %arg2[%dma_wait3A_81, %dma_wait3A_82] : memref<10000x128xf32, #tpu.memory_space<hbm>> -> memref<80x128xf32, #tpu.memory_space<hbm>>
    %dma_wait3A_84 = arith.constant 0 : i32
    %dma_wait3A_85 = arith.constant 0 : i32
    %dma_wait3A_86 = tpu.memref_slice %arg2[%dma_wait3A_84, %dma_wait3A_85] : memref<10000x128xf32, #tpu.memory_space<hbm>> -> memref<80x128xf32, #tpu.memory_space<hbm>>
    tpu.wait_dma2 semaphore(%arg28 : memref<!tpu.dma_semaphore, #tpu.memory_space<semaphore_mem>>) src(%dma_wait3A_86 : memref<80x128xf32, #tpu.memory_space<hbm>>) dst(%arg16 : memref<80x128xf32, #tpu.memory_space<vmem>>)
    %dma_wait3A_87 = arith.constant 0 : i32
    %dma_wait3A_88 = arith.constant 0 : i32
    %dma_wait3A_89 = tpu.memref_slice %arg2[%dma_wait3A_87, %dma_wait3A_88] : memref<10000x128xf32, #tpu.memory_space<hbm>> -> memref<80x128xf32, #tpu.memory_space<hbm>>
    %dma_wait3A_90 = arith.constant 0 : i32
    %dma_wait3A_91 = arith.constant 0 : i32
    %dma_wait3A_92 = tpu.memref_slice %arg2[%dma_wait3A_90, %dma_wait3A_91] : memref<10000x128xf32, #tpu.memory_space<hbm>> -> memref<80x128xf32, #tpu.memory_space<hbm>>
    tpu.wait_dma2 semaphore(%arg29 : memref<!tpu.dma_semaphore, #tpu.memory_space<semaphore_mem>>) src(%dma_wait3A_92 : memref<80x128xf32, #tpu.memory_space<hbm>>) dst(%arg17 : memref<80x128xf32, #tpu.memory_space<vmem>>)
    %barrier3A_93 = arith.constant 0 : index
    tpu.barrier barrier_id(%barrier3A_93)
    %scan3A_94 = arith.constant 0 : i32
    %scan3A_95 = arith.constant 0 : i32
    %scan3A_96 = arith.constant 8 : i32
    %scan3A_97 = arith.addi %scan3A_95, %scan3A_96 : i32
    %scan3A_98 = arith.constant 1 : i32
    scf.for %scan3A_100 = %scan3A_95 to %scan3A_97 step %scan3A_98  : i32 {
      %mul3A_101 = arith.constant 16 : i32
      %mul3A_102 = arith.muli %scan3A_100, %mul3A_101 : i32
      %add3A_103 = arith.addi %arg1, %mul3A_102 : i32
      %lt3A = arith.constant 125 : i32
      %lt3A_104 = arith.cmpi slt, %add3A_103, %lt3A : i32
      %convert_element_type3A = arith.extui %lt3A_104 : i1 to i32
      %cond3A = arith.constant 0 : i32
      %cond3A_105 = arith.cmpi ne, %convert_element_type3A, %cond3A : i32
      scf.if %cond3A_105 {
        %mul3A_106 = arith.constant 80 : i32
        %mul3A_107 = arith.muli %add3A_103, %mul3A_106 : i32
        %multiple_of3A_108 = tpu.assume_multiple %mul3A_107, 8 : i32
        %mul3A_109 = arith.constant 10080 : i32
        %mul3A_110 = arith.muli %arg0, %mul3A_109 : i32
        %mul3A_111 = arith.constant 80 : i32
        %mul3A_112 = arith.muli %add3A_103, %mul3A_111 : i32
        %add3A_113 = arith.addi %mul3A_110, %mul3A_112 : i32
        %multiple_of3A_114 = tpu.assume_multiple %add3A_113, 8 : i32
        "tpu.region"() ({
          %run_scoped3A = tpu.sem_alloc : memref<!tpu.dma_semaphore, #tpu.memory_space<semaphore_mem>>
          %dma_start3A_115 = arith.constant 0 : i32
          %dma_start3A_116 = arith.constant 0 : i32
          %dma_start3A_117 = tpu.memref_slice %arg14[%dma_start3A_115, %dma_start3A_116] : memref<80x128xf32, #tpu.memory_space<vmem>> -> memref<80x128xf32, #tpu.memory_space<vmem>>
          %dma_start3A_118 = arith.constant 0 : i32
          %dma_start3A_119 = tpu.memref_slice %arg30[%multiple_of3A_108, %dma_start3A_118] : memref<10080x128xf32, #tpu.memory_space<vmem_shared>> -> memref<80x128xf32, #tpu.memory_space<vmem_shared>>
          %dma_start3A_120 = arith.constant 0 : i32
          %dma_start3A_121 = arith.constant 0 : i32
          %dma_start3A_122 = tpu.memref_slice %arg14[%dma_start3A_120, %dma_start3A_121] : memref<80x128xf32, #tpu.memory_space<vmem>> -> memref<80x128xf32, #tpu.memory_space<vmem>>
          %dma_start3A_123 = arith.constant 0 : i32
          %dma_start3A_124 = tpu.memref_slice %arg30[%multiple_of3A_108, %dma_start3A_123] : memref<10080x128xf32, #tpu.memory_space<vmem_shared>> -> memref<80x128xf32, #tpu.memory_space<vmem_shared>>
          tpu.enqueue_dma source(%dma_start3A_124 : memref<80x128xf32, #tpu.memory_space<vmem_shared>>) target(%dma_start3A_122 : memref<80x128xf32, #tpu.memory_space<vmem>>) target_semaphore(%run_scoped3A : memref<!tpu.dma_semaphore, #tpu.memory_space<semaphore_mem>>)
          %dma_wait3A_125 = arith.constant 0 : i32
          %dma_wait3A_126 = arith.constant 0 : i32
          %dma_wait3A_127 = tpu.memref_slice %arg14[%dma_wait3A_125, %dma_wait3A_126] : memref<80x128xf32, #tpu.memory_space<vmem>> -> memref<80x128xf32, #tpu.memory_space<vmem>>
          %dma_wait3A_128 = arith.constant 0 : i32
          %dma_wait3A_129 = tpu.memref_slice %arg30[%multiple_of3A_108, %dma_wait3A_128] : memref<10080x128xf32, #tpu.memory_space<vmem_shared>> -> memref<80x128xf32, #tpu.memory_space<vmem_shared>>
          %dma_wait3A_130 = arith.constant 0 : i32
          %dma_wait3A_131 = arith.constant 0 : i32
          %dma_wait3A_132 = tpu.memref_slice %arg14[%dma_wait3A_130, %dma_wait3A_131] : memref<80x128xf32, #tpu.memory_space<vmem>> -> memref<80x128xf32, #tpu.memory_space<vmem>>
          %dma_wait3A_133 = arith.constant 0 : i32
          %dma_wait3A_134 = tpu.memref_slice %arg30[%multiple_of3A_108, %dma_wait3A_133] : memref<10080x128xf32, #tpu.memory_space<vmem_shared>> -> memref<80x128xf32, #tpu.memory_space<vmem_shared>>
          tpu.wait_dma2 semaphore(%run_scoped3A : memref<!tpu.dma_semaphore, #tpu.memory_space<semaphore_mem>>) src(%dma_wait3A_134 : memref<80x128xf32, #tpu.memory_space<vmem_shared>>) dst(%dma_wait3A_132 : memref<80x128xf32, #tpu.memory_space<vmem>>)
          tpu.yield
        }) : () -> ()
        "tpu.region"() ({
          %run_scoped3A = tpu.sem_alloc : memref<!tpu.dma_semaphore, #tpu.memory_space<semaphore_mem>>
          %dma_start3A_115 = arith.constant 0 : i32
          %dma_start3A_116 = arith.constant 0 : i32
          %dma_start3A_117 = tpu.memref_slice %arg14[%dma_start3A_115, %dma_start3A_116] : memref<80x128xf32, #tpu.memory_space<vmem>> -> memref<80x128xf32, #tpu.memory_space<vmem>>
          %dma_start3A_118 = arith.constant 0 : i32
          %dma_start3A_119 = tpu.memref_slice %arg5[%multiple_of3A_114, %dma_start3A_118] : memref<20160x128xf32, #tpu.memory_space<hbm>> -> memref<80x128xf32, #tpu.memory_space<hbm>>
          %dma_start3A_120 = arith.constant 0 : i32
          %dma_start3A_121 = tpu.memref_slice %arg5[%multiple_of3A_114, %dma_start3A_120] : memref<20160x128xf32, #tpu.memory_space<hbm>> -> memref<80x128xf32, #tpu.memory_space<hbm>>
          %dma_start3A_122 = arith.constant 0 : i32
          %dma_start3A_123 = arith.constant 0 : i32
          %dma_start3A_124 = tpu.memref_slice %arg14[%dma_start3A_122, %dma_start3A_123] : memref<80x128xf32, #tpu.memory_space<vmem>> -> memref<80x128xf32, #tpu.memory_space<vmem>>
          tpu.enqueue_dma source(%dma_start3A_124 : memref<80x128xf32, #tpu.memory_space<vmem>>) target(%dma_start3A_121 : memref<80x128xf32, #tpu.memory_space<hbm>>) target_semaphore(%run_scoped3A : memref<!tpu.dma_semaphore, #tpu.memory_space<semaphore_mem>>)
          %dma_wait3A_125 = arith.constant 0 : i32
          %dma_wait3A_126 = arith.constant 0 : i32
          %dma_wait3A_127 = tpu.memref_slice %arg14[%dma_wait3A_125, %dma_wait3A_126] : memref<80x128xf32, #tpu.memory_space<vmem>> -> memref<80x128xf32, #tpu.memory_space<vmem>>
          %dma_wait3A_128 = arith.constant 0 : i32
          %dma_wait3A_129 = tpu.memref_slice %arg5[%multiple_of3A_114, %dma_wait3A_128] : memref<20160x128xf32, #tpu.memory_space<hbm>> -> memref<80x128xf32, #tpu.memory_space<hbm>>
          %dma_wait3A_130 = arith.constant 0 : i32
          %dma_wait3A_131 = tpu.memref_slice %arg5[%multiple_of3A_114, %dma_wait3A_130] : memref<20160x128xf32, #tpu.memory_space<hbm>> -> memref<80x128xf32, #tpu.memory_space<hbm>>
          %dma_wait3A_132 = arith.constant 0 : i32
          %dma_wait3A_133 = arith.constant 0 : i32
          %dma_wait3A_134 = tpu.memref_slice %arg14[%dma_wait3A_132, %dma_wait3A_133] : memref<80x128xf32, #tpu.memory_space<vmem>> -> memref<80x128xf32, #tpu.memory_space<vmem>>
          tpu.wait_dma2 semaphore(%run_scoped3A : memref<!tpu.dma_semaphore, #tpu.memory_space<semaphore_mem>>) src(%dma_wait3A_134 : memref<80x128xf32, #tpu.memory_space<vmem>>) dst(%dma_wait3A_131 : memref<80x128xf32, #tpu.memory_space<hbm>>)
          tpu.yield
        }) : () -> ()
      } else {
      }
    }
    %scan3A_99 = arith.constant 8 : i32
    return
  }
}

#map = affine_map<(d0, d1) -> (0, 0)>
#map1 = affine_map<(d0, d1) -> (0)>
module attributes {stable_mosaic.version = 14 : i64} {
  func.func @seg(%arg0: i32, %arg1: i32, %arg2: memref<20160x128xf32, #tpu.memory_space<hbm>>, %arg3: memref<640000xi32, #tpu.memory_space<hbm>>, %arg4: memref<320000xi32, #tpu.memory_space<hbm>>, %arg5: memref<20160x128xf32, #tpu.memory_space<hbm>>, %arg6: memref<80xi32, #tpu.memory_space<vmem>>, %arg7: memref<80xi32, #tpu.memory_space<vmem>>, %arg8: memref<80xi32, #tpu.memory_space<vmem>>, %arg9: memref<80xi32, #tpu.memory_space<vmem>>, %arg10: memref<80xi32, #tpu.memory_space<vmem>>, %arg11: memref<80xi32, #tpu.memory_space<vmem>>, %arg12: memref<80xi32, #tpu.memory_space<vmem>>, %arg13: memref<80xi32, #tpu.memory_space<vmem>>, %arg14: memref<80x128xf32, #tpu.memory_space<vmem>>, %arg15: memref<80x128xf32, #tpu.memory_space<vmem>>, %arg16: memref<80x128xf32, #tpu.memory_space<vmem>>, %arg17: memref<80x128xf32, #tpu.memory_space<vmem>>, %arg18: memref<!tpu.dma_semaphore, #tpu.memory_space<semaphore_mem>>, %arg19: memref<!tpu.dma_semaphore, #tpu.memory_space<semaphore_mem>>, %arg20: memref<!tpu.dma_semaphore, #tpu.memory_space<semaphore_mem>>, %arg21: memref<!tpu.dma_semaphore, #tpu.memory_space<semaphore_mem>>, %arg22: memref<!tpu.dma_semaphore, #tpu.memory_space<semaphore_mem>>, %arg23: memref<!tpu.dma_semaphore, #tpu.memory_space<semaphore_mem>>, %arg24: memref<!tpu.dma_semaphore, #tpu.memory_space<semaphore_mem>>, %arg25: memref<!tpu.dma_semaphore, #tpu.memory_space<semaphore_mem>>, %arg26: memref<!tpu.dma_semaphore, #tpu.memory_space<semaphore_mem>>, %arg27: memref<!tpu.dma_semaphore, #tpu.memory_space<semaphore_mem>>, %arg28: memref<!tpu.dma_semaphore, #tpu.memory_space<semaphore_mem>>, %arg29: memref<!tpu.dma_semaphore, #tpu.memory_space<semaphore_mem>>, %arg30: memref<10080x128xf32, #tpu.memory_space<vmem_shared>>) attributes {dimension_semantics = [#tpu.dimension_semantics<core_parallel>, #tpu.dimension_semantics<subcore_parallel>], iteration_bounds = array<i64: 2, 16>, scalar_prefetch = 0 : i64, scratch_operands = 25 : i64, tpu.core_type = #tpu.core_type<sc_vector_subcore>, window_params = [{transform_indices = #map}, {transform_indices = #map1}, {transform_indices = #map1}, {transform_indices = #map}]} {
    %scan3A = arith.constant 0 : i32
    %scan3A_0 = arith.constant 0 : i32
    %scan3A_1 = arith.constant 80 : i32
    %scan3A_2 = arith.addi %scan3A_0, %scan3A_1 : i32
    %scan3A_3 = arith.constant 1 : i32
    scf.for %scan3A_100 = %scan3A_0 to %scan3A_2 step %scan3A_3  : i32 {
      %broadcast_in_dim3A = arith.constant 0.000000e+00 : f32
      %broadcast_in_dim3A_101 = vector.broadcast %broadcast_in_dim3A : f32 to vector<16xf32>
      %swap3A = arith.index_cast %scan3A_100 : i32 to index
      %swap3A_102 = arith.constant 0 : index
      %swap3A_103 = tpu.vector_load %arg14[%swap3A, %swap3A_102] {strides = array<i32>} : memref<80x128xf32, #tpu.memory_space<vmem>>, vector<1x16xf32>,
      %swap3A_104 = vector.shape_cast %swap3A_103 : vector<1x16xf32> to vector<16xf32>
      %swap3A_105 = vector.shape_cast %broadcast_in_dim3A_101 : vector<16xf32> to vector<1x16xf32>
      tpu.vector_store %arg14[%swap3A, %swap3A_102], %swap3A_105 {strides = array<i32>} : memref<80x128xf32, #tpu.memory_space<vmem>>, vector<1x16xf32>,
      %broadcast_in_dim3A_106 = arith.constant 0.000000e+00 : f32
      %broadcast_in_dim3A_107 = vector.broadcast %broadcast_in_dim3A_106 : f32 to vector<16xf32>
      %swap3A_108 = arith.index_cast %scan3A_100 : i32 to index
      %swap3A_109 = arith.constant 16 : index
      %swap3A_110 = tpu.vector_load %arg14[%swap3A_108, %swap3A_109] {strides = array<i32>} : memref<80x128xf32, #tpu.memory_space<vmem>>, vector<1x16xf32>,
      %swap3A_111 = vector.shape_cast %swap3A_110 : vector<1x16xf32> to vector<16xf32>
      %swap3A_112 = vector.shape_cast %broadcast_in_dim3A_107 : vector<16xf32> to vector<1x16xf32>
      tpu.vector_store %arg14[%swap3A_108, %swap3A_109], %swap3A_112 {strides = array<i32>} : memref<80x128xf32, #tpu.memory_space<vmem>>, vector<1x16xf32>,
      %broadcast_in_dim3A_113 = arith.constant 0.000000e+00 : f32
      %broadcast_in_dim3A_114 = vector.broadcast %broadcast_in_dim3A_113 : f32 to vector<16xf32>
      %swap3A_115 = arith.index_cast %scan3A_100 : i32 to index
      %swap3A_116 = arith.constant 32 : index
      %swap3A_117 = tpu.vector_load %arg14[%swap3A_115, %swap3A_116] {strides = array<i32>} : memref<80x128xf32, #tpu.memory_space<vmem>>, vector<1x16xf32>,
      %swap3A_118 = vector.shape_cast %swap3A_117 : vector<1x16xf32> to vector<16xf32>
      %swap3A_119 = vector.shape_cast %broadcast_in_dim3A_114 : vector<16xf32> to vector<1x16xf32>
      tpu.vector_store %arg14[%swap3A_115, %swap3A_116], %swap3A_119 {strides = array<i32>} : memref<80x128xf32, #tpu.memory_space<vmem>>, vector<1x16xf32>,
      %broadcast_in_dim3A_120 = arith.constant 0.000000e+00 : f32
      %broadcast_in_dim3A_121 = vector.broadcast %broadcast_in_dim3A_120 : f32 to vector<16xf32>
      %swap3A_122 = arith.index_cast %scan3A_100 : i32 to index
      %swap3A_123 = arith.constant 48 : index
      %swap3A_124 = tpu.vector_load %arg14[%swap3A_122, %swap3A_123] {strides = array<i32>} : memref<80x128xf32, #tpu.memory_space<vmem>>, vector<1x16xf32>,
      %swap3A_125 = vector.shape_cast %swap3A_124 : vector<1x16xf32> to vector<16xf32>
      %swap3A_126 = vector.shape_cast %broadcast_in_dim3A_121 : vector<16xf32> to vector<1x16xf32>
      tpu.vector_store %arg14[%swap3A_122, %swap3A_123], %swap3A_126 {strides = array<i32>} : memref<80x128xf32, #tpu.memory_space<vmem>>, vector<1x16xf32>,
      %broadcast_in_dim3A_127 = arith.constant 0.000000e+00 : f32
      %broadcast_in_dim3A_128 = vector.broadcast %broadcast_in_dim3A_127 : f32 to vector<16xf32>
      %swap3A_129 = arith.index_cast %scan3A_100 : i32 to index
      %swap3A_130 = arith.constant 64 : index
      %swap3A_131 = tpu.vector_load %arg14[%swap3A_129, %swap3A_130] {strides = array<i32>} : memref<80x128xf32, #tpu.memory_space<vmem>>, vector<1x16xf32>,
      %swap3A_132 = vector.shape_cast %swap3A_131 : vector<1x16xf32> to vector<16xf32>
      %swap3A_133 = vector.shape_cast %broadcast_in_dim3A_128 : vector<16xf32> to vector<1x16xf32>
      tpu.vector_store %arg14[%swap3A_129, %swap3A_130], %swap3A_133 {strides = array<i32>} : memref<80x128xf32, #tpu.memory_space<vmem>>, vector<1x16xf32>,
      %broadcast_in_dim3A_134 = arith.constant 0.000000e+00 : f32
      %broadcast_in_dim3A_135 = vector.broadcast %broadcast_in_dim3A_134 : f32 to vector<16xf32>
      %swap3A_136 = arith.index_cast %scan3A_100 : i32 to index
      %swap3A_137 = arith.constant 80 : index
      %swap3A_138 = tpu.vector_load %arg14[%swap3A_136, %swap3A_137] {strides = array<i32>} : memref<80x128xf32, #tpu.memory_space<vmem>>, vector<1x16xf32>,
      %swap3A_139 = vector.shape_cast %swap3A_138 : vector<1x16xf32> to vector<16xf32>
      %swap3A_140 = vector.shape_cast %broadcast_in_dim3A_135 : vector<16xf32> to vector<1x16xf32>
      tpu.vector_store %arg14[%swap3A_136, %swap3A_137], %swap3A_140 {strides = array<i32>} : memref<80x128xf32, #tpu.memory_space<vmem>>, vector<1x16xf32>,
      %broadcast_in_dim3A_141 = arith.constant 0.000000e+00 : f32
      %broadcast_in_dim3A_142 = vector.broadcast %broadcast_in_dim3A_141 : f32 to vector<16xf32>
      %swap3A_143 = arith.index_cast %scan3A_100 : i32 to index
      %swap3A_144 = arith.constant 96 : index
      %swap3A_145 = tpu.vector_load %arg14[%swap3A_143, %swap3A_144] {strides = array<i32>} : memref<80x128xf32, #tpu.memory_space<vmem>>, vector<1x16xf32>,
      %swap3A_146 = vector.shape_cast %swap3A_145 : vector<1x16xf32> to vector<16xf32>
      %swap3A_147 = vector.shape_cast %broadcast_in_dim3A_142 : vector<16xf32> to vector<1x16xf32>
      tpu.vector_store %arg14[%swap3A_143, %swap3A_144], %swap3A_147 {strides = array<i32>} : memref<80x128xf32, #tpu.memory_space<vmem>>, vector<1x16xf32>,
      %broadcast_in_dim3A_148 = arith.constant 0.000000e+00 : f32
      %broadcast_in_dim3A_149 = vector.broadcast %broadcast_in_dim3A_148 : f32 to vector<16xf32>
      %swap3A_150 = arith.index_cast %scan3A_100 : i32 to index
      %swap3A_151 = arith.constant 112 : index
      %swap3A_152 = tpu.vector_load %arg14[%swap3A_150, %swap3A_151] {strides = array<i32>} : memref<80x128xf32, #tpu.memory_space<vmem>>, vector<1x16xf32>,
      %swap3A_153 = vector.shape_cast %swap3A_152 : vector<1x16xf32> to vector<16xf32>
      %swap3A_154 = vector.shape_cast %broadcast_in_dim3A_149 : vector<16xf32> to vector<1x16xf32>
      tpu.vector_store %arg14[%swap3A_150, %swap3A_151], %swap3A_154 {strides = array<i32>} : memref<80x128xf32, #tpu.memory_space<vmem>>, vector<1x16xf32>,
    }
    %scan3A_4 = arith.constant 80 : i32
    %scan3A_5 = arith.constant 0 : i32
    %scan3A_6 = arith.constant 0 : i32
    %scan3A_7 = arith.constant 8 : i32
    %scan3A_8 = arith.addi %scan3A_6, %scan3A_7 : i32
    %scan3A_9 = arith.constant 1 : i32
    scf.for %scan3A_100 = %scan3A_6 to %scan3A_8 step %scan3A_9  : i32 {
      %mul3A_101 = arith.constant 16 : i32
      %mul3A_102 = arith.muli %scan3A_100, %mul3A_101 : i32
      %add3A_103 = arith.addi %arg1, %mul3A_102 : i32
      %lt3A = arith.constant 126 : i32
      %lt3A_104 = arith.cmpi slt, %add3A_103, %lt3A : i32
      %convert_element_type3A = arith.extui %lt3A_104 : i1 to i32
      %cond3A = arith.constant 0 : i32
      %cond3A_105 = arith.cmpi ne, %convert_element_type3A, %cond3A : i32
      scf.if %cond3A_105 {
        %mul3A_106 = arith.constant 80 : i32
        %mul3A_107 = arith.muli %add3A_103, %mul3A_106 : i32
        %multiple_of3A_108 = tpu.assume_multiple %mul3A_107, 8 : i32
        "tpu.region"() ({
          %run_scoped3A = tpu.sem_alloc : memref<!tpu.dma_semaphore, #tpu.memory_space<semaphore_mem>>
          %dma_start3A_109 = arith.constant 0 : i32
          %dma_start3A_110 = arith.constant 0 : i32
          %dma_start3A_111 = tpu.memref_slice %arg14[%dma_start3A_109, %dma_start3A_110] : memref<80x128xf32, #tpu.memory_space<vmem>> -> memref<80x128xf32, #tpu.memory_space<vmem>>
          %dma_start3A_112 = arith.constant 0 : i32
          %dma_start3A_113 = tpu.memref_slice %arg30[%multiple_of3A_108, %dma_start3A_112] : memref<10080x128xf32, #tpu.memory_space<vmem_shared>> -> memref<80x128xf32, #tpu.memory_space<vmem_shared>>
          %dma_start3A_114 = arith.constant 0 : i32
          %dma_start3A_115 = tpu.memref_slice %arg30[%multiple_of3A_108, %dma_start3A_114] : memref<10080x128xf32, #tpu.memory_space<vmem_shared>> -> memref<80x128xf32, #tpu.memory_space<vmem_shared>>
          %dma_start3A_116 = arith.constant 0 : i32
          %dma_start3A_117 = arith.constant 0 : i32
          %dma_start3A_118 = tpu.memref_slice %arg14[%dma_start3A_116, %dma_start3A_117] : memref<80x128xf32, #tpu.memory_space<vmem>> -> memref<80x128xf32, #tpu.memory_space<vmem>>
          tpu.enqueue_dma source(%dma_start3A_118 : memref<80x128xf32, #tpu.memory_space<vmem>>) target(%dma_start3A_115 : memref<80x128xf32, #tpu.memory_space<vmem_shared>>) target_semaphore(%run_scoped3A : memref<!tpu.dma_semaphore, #tpu.memory_space<semaphore_mem>>)
          %dma_wait3A_119 = arith.constant 0 : i32
          %dma_wait3A_120 = arith.constant 0 : i32
          %dma_wait3A_121 = tpu.memref_slice %arg14[%dma_wait3A_119, %dma_wait3A_120] : memref<80x128xf32, #tpu.memory_space<vmem>> -> memref<80x128xf32, #tpu.memory_space<vmem>>
          %dma_wait3A_122 = arith.constant 0 : i32
          %dma_wait3A_123 = tpu.memref_slice %arg30[%multiple_of3A_108, %dma_wait3A_122] : memref<10080x128xf32, #tpu.memory_space<vmem_shared>> -> memref<80x128xf32, #tpu.memory_space<vmem_shared>>
          %dma_wait3A_124 = arith.constant 0 : i32
          %dma_wait3A_125 = tpu.memref_slice %arg30[%multiple_of3A_108, %dma_wait3A_124] : memref<10080x128xf32, #tpu.memory_space<vmem_shared>> -> memref<80x128xf32, #tpu.memory_space<vmem_shared>>
          %dma_wait3A_126 = arith.constant 0 : i32
          %dma_wait3A_127 = arith.constant 0 : i32
          %dma_wait3A_128 = tpu.memref_slice %arg14[%dma_wait3A_126, %dma_wait3A_127] : memref<80x128xf32, #tpu.memory_space<vmem>> -> memref<80x128xf32, #tpu.memory_space<vmem>>
          tpu.wait_dma2 semaphore(%run_scoped3A : memref<!tpu.dma_semaphore, #tpu.memory_space<semaphore_mem>>) src(%dma_wait3A_128 : memref<80x128xf32, #tpu.memory_space<vmem>>) dst(%dma_wait3A_125 : memref<80x128xf32, #tpu.memory_space<vmem_shared>>)
          tpu.yield
        }) : () -> ()
      } else {
      }
    }
    %scan3A_10 = arith.constant 8 : i32
    %barrier3A = arith.constant 0 : index
    tpu.barrier barrier_id(%barrier3A)
    %mul3A = arith.constant 20000 : i32
    %mul3A_11 = arith.muli %arg1, %mul3A : i32
    %mul3A_12 = arith.constant 320000 : i32
    %mul3A_13 = arith.muli %arg0, %mul3A_12 : i32
    %add3A = arith.addi %mul3A_13, %mul3A_11 : i32
    %add3A_14 = arith.constant 0 : i32
    %add3A_15 = arith.addi %add3A, %add3A_14 : i32
    %multiple_of3A = tpu.assume_multiple %add3A_15, 8 : i32
    %add3A_16 = arith.constant 0 : i32
    %add3A_17 = arith.addi %mul3A_11, %add3A_16 : i32
    %multiple_of3A_18 = tpu.assume_multiple %add3A_17, 8 : i32
    %dma_start3A = tpu.memref_slice %arg3[%multiple_of3A] : memref<640000xi32, #tpu.memory_space<hbm>> -> memref<80xi32, #tpu.memory_space<hbm>>
    %dma_start3A_19 = tpu.memref_slice %arg3[%multiple_of3A] : memref<640000xi32, #tpu.memory_space<hbm>> -> memref<80xi32, #tpu.memory_space<hbm>>
    tpu.enqueue_dma source(%dma_start3A_19 : memref<80xi32, #tpu.memory_space<hbm>>) target(%arg6 : memref<80xi32, #tpu.memory_space<vmem>>) target_semaphore(%arg18 : memref<!tpu.dma_semaphore, #tpu.memory_space<semaphore_mem>>)
    %dma_start3A_20 = tpu.memref_slice %arg4[%multiple_of3A_18] : memref<320000xi32, #tpu.memory_space<hbm>> -> memref<80xi32, #tpu.memory_space<hbm>>
    %dma_start3A_21 = tpu.memref_slice %arg4[%multiple_of3A_18] : memref<320000xi32, #tpu.memory_space<hbm>> -> memref<80xi32, #tpu.memory_space<hbm>>
    tpu.enqueue_dma source(%dma_start3A_21 : memref<80xi32, #tpu.memory_space<hbm>>) target(%arg10 : memref<80xi32, #tpu.memory_space<vmem>>) target_semaphore(%arg18 : memref<!tpu.dma_semaphore, #tpu.memory_space<semaphore_mem>>)
    %add3A_22 = arith.constant 80 : i32
    %add3A_23 = arith.addi %add3A, %add3A_22 : i32
    %multiple_of3A_24 = tpu.assume_multiple %add3A_23, 8 : i32
    %add3A_25 = arith.constant 80 : i32
    %add3A_26 = arith.addi %mul3A_11, %add3A_25 : i32
    %multiple_of3A_27 = tpu.assume_multiple %add3A_26, 8 : i32
    %dma_start3A_28 = tpu.memref_slice %arg3[%multiple_of3A_24] : memref<640000xi32, #tpu.memory_space<hbm>> -> memref<80xi32, #tpu.memory_space<hbm>>
    %dma_start3A_29 = tpu.memref_slice %arg3[%multiple_of3A_24] : memref<640000xi32, #tpu.memory_space<hbm>> -> memref<80xi32, #tpu.memory_space<hbm>>
    tpu.enqueue_dma source(%dma_start3A_29 : memref<80xi32, #tpu.memory_space<hbm>>) target(%arg7 : memref<80xi32, #tpu.memory_space<vmem>>) target_semaphore(%arg19 : memref<!tpu.dma_semaphore, #tpu.memory_space<semaphore_mem>>)
    %dma_start3A_30 = tpu.memref_slice %arg4[%multiple_of3A_27] : memref<320000xi32, #tpu.memory_space<hbm>> -> memref<80xi32, #tpu.memory_space<hbm>>
    %dma_start3A_31 = tpu.memref_slice %arg4[%multiple_of3A_27] : memref<320000xi32, #tpu.memory_space<hbm>> -> memref<80xi32, #tpu.memory_space<hbm>>
    tpu.enqueue_dma source(%dma_start3A_31 : memref<80xi32, #tpu.memory_space<hbm>>) target(%arg11 : memref<80xi32, #tpu.memory_space<vmem>>) target_semaphore(%arg19 : memref<!tpu.dma_semaphore, #tpu.memory_space<semaphore_mem>>)
    %add3A_32 = arith.constant 160 : i32
    %add3A_33 = arith.addi %add3A, %add3A_32 : i32
    %multiple_of3A_34 = tpu.assume_multiple %add3A_33, 8 : i32
    %add3A_35 = arith.constant 160 : i32
    %add3A_36 = arith.addi %mul3A_11, %add3A_35 : i32
    %multiple_of3A_37 = tpu.assume_multiple %add3A_36, 8 : i32
    %dma_start3A_38 = tpu.memref_slice %arg3[%multiple_of3A_34] : memref<640000xi32, #tpu.memory_space<hbm>> -> memref<80xi32, #tpu.memory_space<hbm>>
    %dma_start3A_39 = tpu.memref_slice %arg3[%multiple_of3A_34] : memref<640000xi32, #tpu.memory_space<hbm>> -> memref<80xi32, #tpu.memory_space<hbm>>
    tpu.enqueue_dma source(%dma_start3A_39 : memref<80xi32, #tpu.memory_space<hbm>>) target(%arg8 : memref<80xi32, #tpu.memory_space<vmem>>) target_semaphore(%arg20 : memref<!tpu.dma_semaphore, #tpu.memory_space<semaphore_mem>>)
    %dma_start3A_40 = tpu.memref_slice %arg4[%multiple_of3A_37] : memref<320000xi32, #tpu.memory_space<hbm>> -> memref<80xi32, #tpu.memory_space<hbm>>
    %dma_start3A_41 = tpu.memref_slice %arg4[%multiple_of3A_37] : memref<320000xi32, #tpu.memory_space<hbm>> -> memref<80xi32, #tpu.memory_space<hbm>>
    tpu.enqueue_dma source(%dma_start3A_41 : memref<80xi32, #tpu.memory_space<hbm>>) target(%arg12 : memref<80xi32, #tpu.memory_space<vmem>>) target_semaphore(%arg20 : memref<!tpu.dma_semaphore, #tpu.memory_space<semaphore_mem>>)
    %dma_wait3A = arith.constant 0 : i32
    %dma_wait3A_42 = tpu.memref_slice %arg3[%dma_wait3A] : memref<640000xi32, #tpu.memory_space<hbm>> -> memref<80xi32, #tpu.memory_space<hbm>>
    %dma_wait3A_43 = arith.constant 0 : i32
    %dma_wait3A_44 = tpu.memref_slice %arg3[%dma_wait3A_43] : memref<640000xi32, #tpu.memory_space<hbm>> -> memref<80xi32, #tpu.memory_space<hbm>>
    tpu.wait_dma2 semaphore(%arg18 : memref<!tpu.dma_semaphore, #tpu.memory_space<semaphore_mem>>) src(%dma_wait3A_44 : memref<80xi32, #tpu.memory_space<hbm>>) dst(%arg6 : memref<80xi32, #tpu.memory_space<vmem>>)
    %dma_wait3A_45 = arith.constant 0 : i32
    %dma_wait3A_46 = tpu.memref_slice %arg3[%dma_wait3A_45] : memref<640000xi32, #tpu.memory_space<hbm>> -> memref<80xi32, #tpu.memory_space<hbm>>
    %dma_wait3A_47 = arith.constant 0 : i32
    %dma_wait3A_48 = tpu.memref_slice %arg3[%dma_wait3A_47] : memref<640000xi32, #tpu.memory_space<hbm>> -> memref<80xi32, #tpu.memory_space<hbm>>
    tpu.wait_dma2 semaphore(%arg18 : memref<!tpu.dma_semaphore, #tpu.memory_space<semaphore_mem>>) src(%dma_wait3A_48 : memref<80xi32, #tpu.memory_space<hbm>>) dst(%arg10 : memref<80xi32, #tpu.memory_space<vmem>>)
    %dma_start3A_49 = arith.constant 0 : i32
    %dma_start3A_50 = arith.constant 0 : i32
    %dma_start3A_51 = tpu.memref_slice %arg2[%dma_start3A_49, %dma_start3A_50] : memref<20160x128xf32, #tpu.memory_space<hbm>> -> memref<20160x128xf32, #tpu.memory_space<hbm>>
    tpu.enqueue_indirect_dma source(%dma_start3A_51 : memref<20160x128xf32, #tpu.memory_space<hbm>>) target(%arg14 : memref<80x128xf32, #tpu.memory_space<vmem>>) offsets(%arg6 : memref<80xi32, #tpu.memory_space<vmem>>) semaphore(%arg22 : memref<!tpu.dma_semaphore, #tpu.memory_space<semaphore_mem>>)
    %dma_wait3A_52 = arith.constant 0 : i32
    %dma_wait3A_53 = tpu.memref_slice %arg3[%dma_wait3A_52] : memref<640000xi32, #tpu.memory_space<hbm>> -> memref<80xi32, #tpu.memory_space<hbm>>
    %dma_wait3A_54 = arith.constant 0 : i32
    %dma_wait3A_55 = tpu.memref_slice %arg3[%dma_wait3A_54] : memref<640000xi32, #tpu.memory_space<hbm>> -> memref<80xi32, #tpu.memory_space<hbm>>
    tpu.wait_dma2 semaphore(%arg19 : memref<!tpu.dma_semaphore, #tpu.memory_space<semaphore_mem>>) src(%dma_wait3A_55 : memref<80xi32, #tpu.memory_space<hbm>>) dst(%arg7 : memref<80xi32, #tpu.memory_space<vmem>>)
    %dma_wait3A_56 = arith.constant 0 : i32
    %dma_wait3A_57 = tpu.memref_slice %arg3[%dma_wait3A_56] : memref<640000xi32, #tpu.memory_space<hbm>> -> memref<80xi32, #tpu.memory_space<hbm>>
    %dma_wait3A_58 = arith.constant 0 : i32
    %dma_wait3A_59 = tpu.memref_slice %arg3[%dma_wait3A_58] : memref<640000xi32, #tpu.memory_space<hbm>> -> memref<80xi32, #tpu.memory_space<hbm>>
    tpu.wait_dma2 semaphore(%arg19 : memref<!tpu.dma_semaphore, #tpu.memory_space<semaphore_mem>>) src(%dma_wait3A_59 : memref<80xi32, #tpu.memory_space<hbm>>) dst(%arg11 : memref<80xi32, #tpu.memory_space<vmem>>)
    %dma_start3A_60 = arith.constant 0 : i32
    %dma_start3A_61 = arith.constant 0 : i32
    %dma_start3A_62 = tpu.memref_slice %arg2[%dma_start3A_60, %dma_start3A_61] : memref<20160x128xf32, #tpu.memory_space<hbm>> -> memref<20160x128xf32, #tpu.memory_space<hbm>>
    tpu.enqueue_indirect_dma source(%dma_start3A_62 : memref<20160x128xf32, #tpu.memory_space<hbm>>) target(%arg15 : memref<80x128xf32, #tpu.memory_space<vmem>>) offsets(%arg7 : memref<80xi32, #tpu.memory_space<vmem>>) semaphore(%arg23 : memref<!tpu.dma_semaphore, #tpu.memory_space<semaphore_mem>>)
    %scan3A_63 = arith.constant 0 : i32
    %scan3A_64 = arith.constant 0 : i32
    %scan3A_65 = arith.constant 63 : i32
    %scan3A_66 = arith.addi %scan3A_64, %scan3A_65 : i32
    %scan3A_67 = arith.constant 1 : i32
    scf.for %scan3A_100 = %scan3A_64 to %scan3A_66 step %scan3A_67  : i32 {
      %mul3A_101 = arith.constant 4 : i32
      %mul3A_102 = arith.muli %scan3A_100, %mul3A_101 : i32
      %add3A_103 = arith.constant 0 : i32
      %add3A_104 = arith.addi %mul3A_102, %add3A_103 : i32
      %lt3A = arith.constant 250 : i32
      %lt3A_105 = arith.cmpi slt, %add3A_104, %lt3A : i32
      %convert_element_type3A = arith.extui %lt3A_105 : i1 to i32
      %cond3A = arith.constant 0 : i32
      %cond3A_106 = arith.cmpi ne, %convert_element_type3A, %cond3A : i32
      scf.if %cond3A_106 {
        %dma_wait3A_134 = arith.constant 0 : i32
        %dma_wait3A_135 = arith.constant 0 : i32
        %dma_wait3A_136 = tpu.memref_slice %arg2[%dma_wait3A_134, %dma_wait3A_135] : memref<20160x128xf32, #tpu.memory_space<hbm>> -> memref<80x128xf32, #tpu.memory_space<hbm>>
        %dma_wait3A_137 = arith.constant 0 : i32
        %dma_wait3A_138 = arith.constant 0 : i32
        %dma_wait3A_139 = tpu.memref_slice %arg2[%dma_wait3A_137, %dma_wait3A_138] : memref<20160x128xf32, #tpu.memory_space<hbm>> -> memref<80x128xf32, #tpu.memory_space<hbm>>
        tpu.wait_dma2 semaphore(%arg22 : memref<!tpu.dma_semaphore, #tpu.memory_space<semaphore_mem>>) src(%dma_wait3A_139 : memref<80x128xf32, #tpu.memory_space<hbm>>) dst(%arg14 : memref<80x128xf32, #tpu.memory_space<vmem>>)
        %dma_start3A_140 = arith.constant 0 : i32
        %dma_start3A_141 = arith.constant 0 : i32
        %dma_start3A_142 = tpu.memref_slice %arg30[%dma_start3A_140, %dma_start3A_141] : memref<10080x128xf32, #tpu.memory_space<vmem_shared>> -> memref<10080x128xf32, #tpu.memory_space<vmem_shared>>
        tpu.enqueue_indirect_dma source(%arg14 : memref<80x128xf32, #tpu.memory_space<vmem>>) target(%dma_start3A_142 : memref<10080x128xf32, #tpu.memory_space<vmem_shared>>) offsets(%arg10 : memref<80xi32, #tpu.memory_space<vmem>>) semaphore(%arg26 : memref<!tpu.dma_semaphore, #tpu.memory_space<semaphore_mem>>) {add = true}
        %add3A_143 = arith.constant 4 : i32
        %add3A_144 = arith.addi %add3A_104, %add3A_143 : i32
        %sub3A = arith.constant 1 : i32
        %sub3A_145 = arith.subi %add3A_144, %sub3A : i32
        %lt3A_146 = arith.constant 250 : i32
        %lt3A_147 = arith.cmpi slt, %sub3A_145, %lt3A_146 : i32
        %convert_element_type3A_148 = arith.extui %lt3A_147 : i1 to i32
        %cond3A_149 = arith.constant 0 : i32
        %cond3A_150 = arith.cmpi ne, %convert_element_type3A_148, %cond3A_149 : i32
        scf.if %cond3A_150 {
          %ge3A = arith.constant 4 : i32
          %ge3A_158 = arith.cmpi sge, %sub3A_145, %ge3A : i32
          %convert_element_type3A_159 = arith.extui %ge3A_158 : i1 to i32
          %cond3A_160 = arith.constant 0 : i32
          %cond3A_161 = arith.cmpi ne, %convert_element_type3A_159, %cond3A_160 : i32
          scf.if %cond3A_161 {
            %dma_wait3A_174 = arith.constant 0 : i32
            %dma_wait3A_175 = arith.constant 0 : i32
            %dma_wait3A_176 = tpu.memref_slice %arg2[%dma_wait3A_174, %dma_wait3A_175] : memref<20160x128xf32, #tpu.memory_space<hbm>> -> memref<80x128xf32, #tpu.memory_space<hbm>>
            %dma_wait3A_177 = arith.constant 0 : i32
            %dma_wait3A_178 = arith.constant 0 : i32
            %dma_wait3A_179 = tpu.memref_slice %arg2[%dma_wait3A_177, %dma_wait3A_178] : memref<20160x128xf32, #tpu.memory_space<hbm>> -> memref<80x128xf32, #tpu.memory_space<hbm>>
            tpu.wait_dma2 semaphore(%arg29 : memref<!tpu.dma_semaphore, #tpu.memory_space<semaphore_mem>>) src(%dma_wait3A_179 : memref<80x128xf32, #tpu.memory_space<hbm>>) dst(%arg17 : memref<80x128xf32, #tpu.memory_space<vmem>>)
          } else {
          }
          %mul3A_162 = arith.constant 80 : i32
          %mul3A_163 = arith.muli %sub3A_145, %mul3A_162 : i32
          %add3A_164 = arith.addi %add3A, %mul3A_163 : i32
          %multiple_of3A_165 = tpu.assume_multiple %add3A_164, 8 : i32
          %mul3A_166 = arith.constant 80 : i32
          %mul3A_167 = arith.muli %sub3A_145, %mul3A_166 : i32
          %add3A_168 = arith.addi %mul3A_11, %mul3A_167 : i32
          %multiple_of3A_169 = tpu.assume_multiple %add3A_168, 8 : i32
          %dma_start3A_170 = tpu.memref_slice %arg3[%multiple_of3A_165] : memref<640000xi32, #tpu.memory_space<hbm>> -> memref<80xi32, #tpu.memory_space<hbm>>
          %dma_start3A_171 = tpu.memref_slice %arg3[%multiple_of3A_165] : memref<640000xi32, #tpu.memory_space<hbm>> -> memref<80xi32, #tpu.memory_space<hbm>>
          tpu.enqueue_dma source(%dma_start3A_171 : memref<80xi32, #tpu.memory_space<hbm>>) target(%arg9 : memref<80xi32, #tpu.memory_space<vmem>>) target_semaphore(%arg21 : memref<!tpu.dma_semaphore, #tpu.memory_space<semaphore_mem>>)
          %dma_start3A_172 = tpu.memref_slice %arg4[%multiple_of3A_169] : memref<320000xi32, #tpu.memory_space<hbm>> -> memref<80xi32, #tpu.memory_space<hbm>>
          %dma_start3A_173 = tpu.memref_slice %arg4[%multiple_of3A_169] : memref<320000xi32, #tpu.memory_space<hbm>> -> memref<80xi32, #tpu.memory_space<hbm>>
          tpu.enqueue_dma source(%dma_start3A_173 : memref<80xi32, #tpu.memory_space<hbm>>) target(%arg13 : memref<80xi32, #tpu.memory_space<vmem>>) target_semaphore(%arg21 : memref<!tpu.dma_semaphore, #tpu.memory_space<semaphore_mem>>)
        } else {
        }
        %add3A_151 = arith.constant 2 : i32
        %add3A_152 = arith.addi %add3A_104, %add3A_151 : i32
        %lt3A_153 = arith.constant 250 : i32
        %lt3A_154 = arith.cmpi slt, %add3A_152, %lt3A_153 : i32
        %convert_element_type3A_155 = arith.extui %lt3A_154 : i1 to i32
        %cond3A_156 = arith.constant 0 : i32
        %cond3A_157 = arith.cmpi ne, %convert_element_type3A_155, %cond3A_156 : i32
        scf.if %cond3A_157 {
          %dma_wait3A_158 = arith.constant 0 : i32
          %dma_wait3A_159 = tpu.memref_slice %arg3[%dma_wait3A_158] : memref<640000xi32, #tpu.memory_space<hbm>> -> memref<80xi32, #tpu.memory_space<hbm>>
          %dma_wait3A_160 = arith.constant 0 : i32
          %dma_wait3A_161 = tpu.memref_slice %arg3[%dma_wait3A_160] : memref<640000xi32, #tpu.memory_space<hbm>> -> memref<80xi32, #tpu.memory_space<hbm>>
          tpu.wait_dma2 semaphore(%arg20 : memref<!tpu.dma_semaphore, #tpu.memory_space<semaphore_mem>>) src(%dma_wait3A_161 : memref<80xi32, #tpu.memory_space<hbm>>) dst(%arg8 : memref<80xi32, #tpu.memory_space<vmem>>)
          %dma_wait3A_162 = arith.constant 0 : i32
          %dma_wait3A_163 = tpu.memref_slice %arg3[%dma_wait3A_162] : memref<640000xi32, #tpu.memory_space<hbm>> -> memref<80xi32, #tpu.memory_space<hbm>>
          %dma_wait3A_164 = arith.constant 0 : i32
          %dma_wait3A_165 = tpu.memref_slice %arg3[%dma_wait3A_164] : memref<640000xi32, #tpu.memory_space<hbm>> -> memref<80xi32, #tpu.memory_space<hbm>>
          tpu.wait_dma2 semaphore(%arg20 : memref<!tpu.dma_semaphore, #tpu.memory_space<semaphore_mem>>) src(%dma_wait3A_165 : memref<80xi32, #tpu.memory_space<hbm>>) dst(%arg12 : memref<80xi32, #tpu.memory_space<vmem>>)
          %dma_start3A_166 = arith.constant 0 : i32
          %dma_start3A_167 = arith.constant 0 : i32
          %dma_start3A_168 = tpu.memref_slice %arg2[%dma_start3A_166, %dma_start3A_167] : memref<20160x128xf32, #tpu.memory_space<hbm>> -> memref<20160x128xf32, #tpu.memory_space<hbm>>
          tpu.enqueue_indirect_dma source(%dma_start3A_168 : memref<20160x128xf32, #tpu.memory_space<hbm>>) target(%arg16 : memref<80x128xf32, #tpu.memory_space<vmem>>) offsets(%arg8 : memref<80xi32, #tpu.memory_space<vmem>>) semaphore(%arg24 : memref<!tpu.dma_semaphore, #tpu.memory_space<semaphore_mem>>)
        } else {
        }
      } else {
      }
      %mul3A_107 = arith.constant 4 : i32
      %mul3A_108 = arith.muli %scan3A_100, %mul3A_107 : i32
      %add3A_109 = arith.constant 1 : i32
      %add3A_110 = arith.addi %mul3A_108, %add3A_109 : i32
      %lt3A_111 = arith.constant 250 : i32
      %lt3A_112 = arith.cmpi slt, %add3A_110, %lt3A_111 : i32
      %convert_element_type3A_113 = arith.extui %lt3A_112 : i1 to i32
      %cond3A_114 = arith.constant 0 : i32
      %cond3A_115 = arith.cmpi ne, %convert_element_type3A_113, %cond3A_114 : i32
      scf.if %cond3A_115 {
        %dma_wait3A_134 = arith.constant 0 : i32
        %dma_wait3A_135 = arith.constant 0 : i32
        %dma_wait3A_136 = tpu.memref_slice %arg2[%dma_wait3A_134, %dma_wait3A_135] : memref<20160x128xf32, #tpu.memory_space<hbm>> -> memref<80x128xf32, #tpu.memory_space<hbm>>
        %dma_wait3A_137 = arith.constant 0 : i32
        %dma_wait3A_138 = arith.constant 0 : i32
        %dma_wait3A_139 = tpu.memref_slice %arg2[%dma_wait3A_137, %dma_wait3A_138] : memref<20160x128xf32, #tpu.memory_space<hbm>> -> memref<80x128xf32, #tpu.memory_space<hbm>>
        tpu.wait_dma2 semaphore(%arg23 : memref<!tpu.dma_semaphore, #tpu.memory_space<semaphore_mem>>) src(%dma_wait3A_139 : memref<80x128xf32, #tpu.memory_space<hbm>>) dst(%arg15 : memref<80x128xf32, #tpu.memory_space<vmem>>)
        %dma_start3A_140 = arith.constant 0 : i32
        %dma_start3A_141 = arith.constant 0 : i32
        %dma_start3A_142 = tpu.memref_slice %arg30[%dma_start3A_140, %dma_start3A_141] : memref<10080x128xf32, #tpu.memory_space<vmem_shared>> -> memref<10080x128xf32, #tpu.memory_space<vmem_shared>>
        tpu.enqueue_indirect_dma source(%arg15 : memref<80x128xf32, #tpu.memory_space<vmem>>) target(%dma_start3A_142 : memref<10080x128xf32, #tpu.memory_space<vmem_shared>>) offsets(%arg11 : memref<80xi32, #tpu.memory_space<vmem>>) semaphore(%arg27 : memref<!tpu.dma_semaphore, #tpu.memory_space<semaphore_mem>>) {add = true}
        %add3A_143 = arith.constant 4 : i32
        %add3A_144 = arith.addi %add3A_110, %add3A_143 : i32
        %sub3A = arith.constant 1 : i32
        %sub3A_145 = arith.subi %add3A_144, %sub3A : i32
        %lt3A_146 = arith.constant 250 : i32
        %lt3A_147 = arith.cmpi slt, %sub3A_145, %lt3A_146 : i32
        %convert_element_type3A_148 = arith.extui %lt3A_147 : i1 to i32
        %cond3A_149 = arith.constant 0 : i32
        %cond3A_150 = arith.cmpi ne, %convert_element_type3A_148, %cond3A_149 : i32
        scf.if %cond3A_150 {
          %ge3A = arith.constant 4 : i32
          %ge3A_158 = arith.cmpi sge, %sub3A_145, %ge3A : i32
          %convert_element_type3A_159 = arith.extui %ge3A_158 : i1 to i32
          %cond3A_160 = arith.constant 0 : i32
          %cond3A_161 = arith.cmpi ne, %convert_element_type3A_159, %cond3A_160 : i32
          scf.if %cond3A_161 {
            %dma_wait3A_174 = arith.constant 0 : i32
            %dma_wait3A_175 = arith.constant 0 : i32
            %dma_wait3A_176 = tpu.memref_slice %arg2[%dma_wait3A_174, %dma_wait3A_175] : memref<20160x128xf32, #tpu.memory_space<hbm>> -> memref<80x128xf32, #tpu.memory_space<hbm>>
            %dma_wait3A_177 = arith.constant 0 : i32
            %dma_wait3A_178 = arith.constant 0 : i32
            %dma_wait3A_179 = tpu.memref_slice %arg2[%dma_wait3A_177, %dma_wait3A_178] : memref<20160x128xf32, #tpu.memory_space<hbm>> -> memref<80x128xf32, #tpu.memory_space<hbm>>
            tpu.wait_dma2 semaphore(%arg26 : memref<!tpu.dma_semaphore, #tpu.memory_space<semaphore_mem>>) src(%dma_wait3A_179 : memref<80x128xf32, #tpu.memory_space<hbm>>) dst(%arg14 : memref<80x128xf32, #tpu.memory_space<vmem>>)
          } else {
          }
          %mul3A_162 = arith.constant 80 : i32
          %mul3A_163 = arith.muli %sub3A_145, %mul3A_162 : i32
          %add3A_164 = arith.addi %add3A, %mul3A_163 : i32
          %multiple_of3A_165 = tpu.assume_multiple %add3A_164, 8 : i32
          %mul3A_166 = arith.constant 80 : i32
          %mul3A_167 = arith.muli %sub3A_145, %mul3A_166 : i32
          %add3A_168 = arith.addi %mul3A_11, %mul3A_167 : i32
          %multiple_of3A_169 = tpu.assume_multiple %add3A_168, 8 : i32
          %dma_start3A_170 = tpu.memref_slice %arg3[%multiple_of3A_165] : memref<640000xi32, #tpu.memory_space<hbm>> -> memref<80xi32, #tpu.memory_space<hbm>>
          %dma_start3A_171 = tpu.memref_slice %arg3[%multiple_of3A_165] : memref<640000xi32, #tpu.memory_space<hbm>> -> memref<80xi32, #tpu.memory_space<hbm>>
          tpu.enqueue_dma source(%dma_start3A_171 : memref<80xi32, #tpu.memory_space<hbm>>) target(%arg6 : memref<80xi32, #tpu.memory_space<vmem>>) target_semaphore(%arg18 : memref<!tpu.dma_semaphore, #tpu.memory_space<semaphore_mem>>)
          %dma_start3A_172 = tpu.memref_slice %arg4[%multiple_of3A_169] : memref<320000xi32, #tpu.memory_space<hbm>> -> memref<80xi32, #tpu.memory_space<hbm>>
          %dma_start3A_173 = tpu.memref_slice %arg4[%multiple_of3A_169] : memref<320000xi32, #tpu.memory_space<hbm>> -> memref<80xi32, #tpu.memory_space<hbm>>
          tpu.enqueue_dma source(%dma_start3A_173 : memref<80xi32, #tpu.memory_space<hbm>>) target(%arg10 : memref<80xi32, #tpu.memory_space<vmem>>) target_semaphore(%arg18 : memref<!tpu.dma_semaphore, #tpu.memory_space<semaphore_mem>>)
        } else {
        }
        %add3A_151 = arith.constant 2 : i32
        %add3A_152 = arith.addi %add3A_110, %add3A_151 : i32
        %lt3A_153 = arith.constant 250 : i32
        %lt3A_154 = arith.cmpi slt, %add3A_152, %lt3A_153 : i32
        %convert_element_type3A_155 = arith.extui %lt3A_154 : i1 to i32
        %cond3A_156 = arith.constant 0 : i32
        %cond3A_157 = arith.cmpi ne, %convert_element_type3A_155, %cond3A_156 : i32
        scf.if %cond3A_157 {
          %dma_wait3A_158 = arith.constant 0 : i32
          %dma_wait3A_159 = tpu.memref_slice %arg3[%dma_wait3A_158] : memref<640000xi32, #tpu.memory_space<hbm>> -> memref<80xi32, #tpu.memory_space<hbm>>
          %dma_wait3A_160 = arith.constant 0 : i32
          %dma_wait3A_161 = tpu.memref_slice %arg3[%dma_wait3A_160] : memref<640000xi32, #tpu.memory_space<hbm>> -> memref<80xi32, #tpu.memory_space<hbm>>
          tpu.wait_dma2 semaphore(%arg21 : memref<!tpu.dma_semaphore, #tpu.memory_space<semaphore_mem>>) src(%dma_wait3A_161 : memref<80xi32, #tpu.memory_space<hbm>>) dst(%arg9 : memref<80xi32, #tpu.memory_space<vmem>>)
          %dma_wait3A_162 = arith.constant 0 : i32
          %dma_wait3A_163 = tpu.memref_slice %arg3[%dma_wait3A_162] : memref<640000xi32, #tpu.memory_space<hbm>> -> memref<80xi32, #tpu.memory_space<hbm>>
          %dma_wait3A_164 = arith.constant 0 : i32
          %dma_wait3A_165 = tpu.memref_slice %arg3[%dma_wait3A_164] : memref<640000xi32, #tpu.memory_space<hbm>> -> memref<80xi32, #tpu.memory_space<hbm>>
          tpu.wait_dma2 semaphore(%arg21 : memref<!tpu.dma_semaphore, #tpu.memory_space<semaphore_mem>>) src(%dma_wait3A_165 : memref<80xi32, #tpu.memory_space<hbm>>) dst(%arg13 : memref<80xi32, #tpu.memory_space<vmem>>)
          %dma_start3A_166 = arith.constant 0 : i32
          %dma_start3A_167 = arith.constant 0 : i32
          %dma_start3A_168 = tpu.memref_slice %arg2[%dma_start3A_166, %dma_start3A_167] : memref<20160x128xf32, #tpu.memory_space<hbm>> -> memref<20160x128xf32, #tpu.memory_space<hbm>>
          tpu.enqueue_indirect_dma source(%dma_start3A_168 : memref<20160x128xf32, #tpu.memory_space<hbm>>) target(%arg17 : memref<80x128xf32, #tpu.memory_space<vmem>>) offsets(%arg9 : memref<80xi32, #tpu.memory_space<vmem>>) semaphore(%arg25 : memref<!tpu.dma_semaphore, #tpu.memory_space<semaphore_mem>>)
        } else {
        }
      } else {
      }
      %mul3A_116 = arith.constant 4 : i32
      %mul3A_117 = arith.muli %scan3A_100, %mul3A_116 : i32
      %add3A_118 = arith.constant 2 : i32
      %add3A_119 = arith.addi %mul3A_117, %add3A_118 : i32
      %lt3A_120 = arith.constant 250 : i32
      %lt3A_121 = arith.cmpi slt, %add3A_119, %lt3A_120 : i32
      %convert_element_type3A_122 = arith.extui %lt3A_121 : i1 to i32
      %cond3A_123 = arith.constant 0 : i32
      %cond3A_124 = arith.cmpi ne, %convert_element_type3A_122, %cond3A_123 : i32
      scf.if %cond3A_124 {
        %dma_wait3A_134 = arith.constant 0 : i32
        %dma_wait3A_135 = arith.constant 0 : i32
        %dma_wait3A_136 = tpu.memref_slice %arg2[%dma_wait3A_134, %dma_wait3A_135] : memref<20160x128xf32, #tpu.memory_space<hbm>> -> memref<80x128xf32, #tpu.memory_space<hbm>>
        %dma_wait3A_137 = arith.constant 0 : i32
        %dma_wait3A_138 = arith.constant 0 : i32
        %dma_wait3A_139 = tpu.memref_slice %arg2[%dma_wait3A_137, %dma_wait3A_138] : memref<20160x128xf32, #tpu.memory_space<hbm>> -> memref<80x128xf32, #tpu.memory_space<hbm>>
        tpu.wait_dma2 semaphore(%arg24 : memref<!tpu.dma_semaphore, #tpu.memory_space<semaphore_mem>>) src(%dma_wait3A_139 : memref<80x128xf32, #tpu.memory_space<hbm>>) dst(%arg16 : memref<80x128xf32, #tpu.memory_space<vmem>>)
        %dma_start3A_140 = arith.constant 0 : i32
        %dma_start3A_141 = arith.constant 0 : i32
        %dma_start3A_142 = tpu.memref_slice %arg30[%dma_start3A_140, %dma_start3A_141] : memref<10080x128xf32, #tpu.memory_space<vmem_shared>> -> memref<10080x128xf32, #tpu.memory_space<vmem_shared>>
        tpu.enqueue_indirect_dma source(%arg16 : memref<80x128xf32, #tpu.memory_space<vmem>>) target(%dma_start3A_142 : memref<10080x128xf32, #tpu.memory_space<vmem_shared>>) offsets(%arg12 : memref<80xi32, #tpu.memory_space<vmem>>) semaphore(%arg28 : memref<!tpu.dma_semaphore, #tpu.memory_space<semaphore_mem>>) {add = true}
        %add3A_143 = arith.constant 4 : i32
        %add3A_144 = arith.addi %add3A_119, %add3A_143 : i32
        %sub3A = arith.constant 1 : i32
        %sub3A_145 = arith.subi %add3A_144, %sub3A : i32
        %lt3A_146 = arith.constant 250 : i32
        %lt3A_147 = arith.cmpi slt, %sub3A_145, %lt3A_146 : i32
        %convert_element_type3A_148 = arith.extui %lt3A_147 : i1 to i32
        %cond3A_149 = arith.constant 0 : i32
        %cond3A_150 = arith.cmpi ne, %convert_element_type3A_148, %cond3A_149 : i32
        scf.if %cond3A_150 {
          %ge3A = arith.constant 4 : i32
          %ge3A_158 = arith.cmpi sge, %sub3A_145, %ge3A : i32
          %convert_element_type3A_159 = arith.extui %ge3A_158 : i1 to i32
          %cond3A_160 = arith.constant 0 : i32
          %cond3A_161 = arith.cmpi ne, %convert_element_type3A_159, %cond3A_160 : i32
          scf.if %cond3A_161 {
            %dma_wait3A_174 = arith.constant 0 : i32
            %dma_wait3A_175 = arith.constant 0 : i32
            %dma_wait3A_176 = tpu.memref_slice %arg2[%dma_wait3A_174, %dma_wait3A_175] : memref<20160x128xf32, #tpu.memory_space<hbm>> -> memref<80x128xf32, #tpu.memory_space<hbm>>
            %dma_wait3A_177 = arith.constant 0 : i32
            %dma_wait3A_178 = arith.constant 0 : i32
            %dma_wait3A_179 = tpu.memref_slice %arg2[%dma_wait3A_177, %dma_wait3A_178] : memref<20160x128xf32, #tpu.memory_space<hbm>> -> memref<80x128xf32, #tpu.memory_space<hbm>>
            tpu.wait_dma2 semaphore(%arg27 : memref<!tpu.dma_semaphore, #tpu.memory_space<semaphore_mem>>) src(%dma_wait3A_179 : memref<80x128xf32, #tpu.memory_space<hbm>>) dst(%arg15 : memref<80x128xf32, #tpu.memory_space<vmem>>)
          } else {
          }
          %mul3A_162 = arith.constant 80 : i32
          %mul3A_163 = arith.muli %sub3A_145, %mul3A_162 : i32
          %add3A_164 = arith.addi %add3A, %mul3A_163 : i32
          %multiple_of3A_165 = tpu.assume_multiple %add3A_164, 8 : i32
          %mul3A_166 = arith.constant 80 : i32
          %mul3A_167 = arith.muli %sub3A_145, %mul3A_166 : i32
          %add3A_168 = arith.addi %mul3A_11, %mul3A_167 : i32
          %multiple_of3A_169 = tpu.assume_multiple %add3A_168, 8 : i32
          %dma_start3A_170 = tpu.memref_slice %arg3[%multiple_of3A_165] : memref<640000xi32, #tpu.memory_space<hbm>> -> memref<80xi32, #tpu.memory_space<hbm>>
          %dma_start3A_171 = tpu.memref_slice %arg3[%multiple_of3A_165] : memref<640000xi32, #tpu.memory_space<hbm>> -> memref<80xi32, #tpu.memory_space<hbm>>
          tpu.enqueue_dma source(%dma_start3A_171 : memref<80xi32, #tpu.memory_space<hbm>>) target(%arg7 : memref<80xi32, #tpu.memory_space<vmem>>) target_semaphore(%arg19 : memref<!tpu.dma_semaphore, #tpu.memory_space<semaphore_mem>>)
          %dma_start3A_172 = tpu.memref_slice %arg4[%multiple_of3A_169] : memref<320000xi32, #tpu.memory_space<hbm>> -> memref<80xi32, #tpu.memory_space<hbm>>
          %dma_start3A_173 = tpu.memref_slice %arg4[%multiple_of3A_169] : memref<320000xi32, #tpu.memory_space<hbm>> -> memref<80xi32, #tpu.memory_space<hbm>>
          tpu.enqueue_dma source(%dma_start3A_173 : memref<80xi32, #tpu.memory_space<hbm>>) target(%arg11 : memref<80xi32, #tpu.memory_space<vmem>>) target_semaphore(%arg19 : memref<!tpu.dma_semaphore, #tpu.memory_space<semaphore_mem>>)
        } else {
        }
        %add3A_151 = arith.constant 2 : i32
        %add3A_152 = arith.addi %add3A_119, %add3A_151 : i32
        %lt3A_153 = arith.constant 250 : i32
        %lt3A_154 = arith.cmpi slt, %add3A_152, %lt3A_153 : i32
        %convert_element_type3A_155 = arith.extui %lt3A_154 : i1 to i32
        %cond3A_156 = arith.constant 0 : i32
        %cond3A_157 = arith.cmpi ne, %convert_element_type3A_155, %cond3A_156 : i32
        scf.if %cond3A_157 {
          %dma_wait3A_158 = arith.constant 0 : i32
          %dma_wait3A_159 = tpu.memref_slice %arg3[%dma_wait3A_158] : memref<640000xi32, #tpu.memory_space<hbm>> -> memref<80xi32, #tpu.memory_space<hbm>>
          %dma_wait3A_160 = arith.constant 0 : i32
          %dma_wait3A_161 = tpu.memref_slice %arg3[%dma_wait3A_160] : memref<640000xi32, #tpu.memory_space<hbm>> -> memref<80xi32, #tpu.memory_space<hbm>>
          tpu.wait_dma2 semaphore(%arg18 : memref<!tpu.dma_semaphore, #tpu.memory_space<semaphore_mem>>) src(%dma_wait3A_161 : memref<80xi32, #tpu.memory_space<hbm>>) dst(%arg6 : memref<80xi32, #tpu.memory_space<vmem>>)
          %dma_wait3A_162 = arith.constant 0 : i32
          %dma_wait3A_163 = tpu.memref_slice %arg3[%dma_wait3A_162] : memref<640000xi32, #tpu.memory_space<hbm>> -> memref<80xi32, #tpu.memory_space<hbm>>
          %dma_wait3A_164 = arith.constant 0 : i32
          %dma_wait3A_165 = tpu.memref_slice %arg3[%dma_wait3A_164] : memref<640000xi32, #tpu.memory_space<hbm>> -> memref<80xi32, #tpu.memory_space<hbm>>
          tpu.wait_dma2 semaphore(%arg18 : memref<!tpu.dma_semaphore, #tpu.memory_space<semaphore_mem>>) src(%dma_wait3A_165 : memref<80xi32, #tpu.memory_space<hbm>>) dst(%arg10 : memref<80xi32, #tpu.memory_space<vmem>>)
          %dma_start3A_166 = arith.constant 0 : i32
          %dma_start3A_167 = arith.constant 0 : i32
          %dma_start3A_168 = tpu.memref_slice %arg2[%dma_start3A_166, %dma_start3A_167] : memref<20160x128xf32, #tpu.memory_space<hbm>> -> memref<20160x128xf32, #tpu.memory_space<hbm>>
          tpu.enqueue_indirect_dma source(%dma_start3A_168 : memref<20160x128xf32, #tpu.memory_space<hbm>>) target(%arg14 : memref<80x128xf32, #tpu.memory_space<vmem>>) offsets(%arg6 : memref<80xi32, #tpu.memory_space<vmem>>) semaphore(%arg22 : memref<!tpu.dma_semaphore, #tpu.memory_space<semaphore_mem>>)
        } else {
        }
      } else {
      }
      %mul3A_125 = arith.constant 4 : i32
      %mul3A_126 = arith.muli %scan3A_100, %mul3A_125 : i32
      %add3A_127 = arith.constant 3 : i32
      %add3A_128 = arith.addi %mul3A_126, %add3A_127 : i32
      %lt3A_129 = arith.constant 250 : i32
      %lt3A_130 = arith.cmpi slt, %add3A_128, %lt3A_129 : i32
      %convert_element_type3A_131 = arith.extui %lt3A_130 : i1 to i32
      %cond3A_132 = arith.constant 0 : i32
      %cond3A_133 = arith.cmpi ne, %convert_element_type3A_131, %cond3A_132 : i32
      scf.if %cond3A_133 {
        %dma_wait3A_134 = arith.constant 0 : i32
        %dma_wait3A_135 = arith.constant 0 : i32
        %dma_wait3A_136 = tpu.memref_slice %arg2[%dma_wait3A_134, %dma_wait3A_135] : memref<20160x128xf32, #tpu.memory_space<hbm>> -> memref<80x128xf32, #tpu.memory_space<hbm>>
        %dma_wait3A_137 = arith.constant 0 : i32
        %dma_wait3A_138 = arith.constant 0 : i32
        %dma_wait3A_139 = tpu.memref_slice %arg2[%dma_wait3A_137, %dma_wait3A_138] : memref<20160x128xf32, #tpu.memory_space<hbm>> -> memref<80x128xf32, #tpu.memory_space<hbm>>
        tpu.wait_dma2 semaphore(%arg25 : memref<!tpu.dma_semaphore, #tpu.memory_space<semaphore_mem>>) src(%dma_wait3A_139 : memref<80x128xf32, #tpu.memory_space<hbm>>) dst(%arg17 : memref<80x128xf32, #tpu.memory_space<vmem>>)
        %dma_start3A_140 = arith.constant 0 : i32
        %dma_start3A_141 = arith.constant 0 : i32
        %dma_start3A_142 = tpu.memref_slice %arg30[%dma_start3A_140, %dma_start3A_141] : memref<10080x128xf32, #tpu.memory_space<vmem_shared>> -> memref<10080x128xf32, #tpu.memory_space<vmem_shared>>
        tpu.enqueue_indirect_dma source(%arg17 : memref<80x128xf32, #tpu.memory_space<vmem>>) target(%dma_start3A_142 : memref<10080x128xf32, #tpu.memory_space<vmem_shared>>) offsets(%arg13 : memref<80xi32, #tpu.memory_space<vmem>>) semaphore(%arg29 : memref<!tpu.dma_semaphore, #tpu.memory_space<semaphore_mem>>) {add = true}
        %add3A_143 = arith.constant 4 : i32
        %add3A_144 = arith.addi %add3A_128, %add3A_143 : i32
        %sub3A = arith.constant 1 : i32
        %sub3A_145 = arith.subi %add3A_144, %sub3A : i32
        %lt3A_146 = arith.constant 250 : i32
        %lt3A_147 = arith.cmpi slt, %sub3A_145, %lt3A_146 : i32
        %convert_element_type3A_148 = arith.extui %lt3A_147 : i1 to i32
        %cond3A_149 = arith.constant 0 : i32
        %cond3A_150 = arith.cmpi ne, %convert_element_type3A_148, %cond3A_149 : i32
        scf.if %cond3A_150 {
          %ge3A = arith.constant 4 : i32
          %ge3A_158 = arith.cmpi sge, %sub3A_145, %ge3A : i32
          %convert_element_type3A_159 = arith.extui %ge3A_158 : i1 to i32
          %cond3A_160 = arith.constant 0 : i32
          %cond3A_161 = arith.cmpi ne, %convert_element_type3A_159, %cond3A_160 : i32
          scf.if %cond3A_161 {
            %dma_wait3A_174 = arith.constant 0 : i32
            %dma_wait3A_175 = arith.constant 0 : i32
            %dma_wait3A_176 = tpu.memref_slice %arg2[%dma_wait3A_174, %dma_wait3A_175] : memref<20160x128xf32, #tpu.memory_space<hbm>> -> memref<80x128xf32, #tpu.memory_space<hbm>>
            %dma_wait3A_177 = arith.constant 0 : i32
            %dma_wait3A_178 = arith.constant 0 : i32
            %dma_wait3A_179 = tpu.memref_slice %arg2[%dma_wait3A_177, %dma_wait3A_178] : memref<20160x128xf32, #tpu.memory_space<hbm>> -> memref<80x128xf32, #tpu.memory_space<hbm>>
            tpu.wait_dma2 semaphore(%arg28 : memref<!tpu.dma_semaphore, #tpu.memory_space<semaphore_mem>>) src(%dma_wait3A_179 : memref<80x128xf32, #tpu.memory_space<hbm>>) dst(%arg16 : memref<80x128xf32, #tpu.memory_space<vmem>>)
          } else {
          }
          %mul3A_162 = arith.constant 80 : i32
          %mul3A_163 = arith.muli %sub3A_145, %mul3A_162 : i32
          %add3A_164 = arith.addi %add3A, %mul3A_163 : i32
          %multiple_of3A_165 = tpu.assume_multiple %add3A_164, 8 : i32
          %mul3A_166 = arith.constant 80 : i32
          %mul3A_167 = arith.muli %sub3A_145, %mul3A_166 : i32
          %add3A_168 = arith.addi %mul3A_11, %mul3A_167 : i32
          %multiple_of3A_169 = tpu.assume_multiple %add3A_168, 8 : i32
          %dma_start3A_170 = tpu.memref_slice %arg3[%multiple_of3A_165] : memref<640000xi32, #tpu.memory_space<hbm>> -> memref<80xi32, #tpu.memory_space<hbm>>
          %dma_start3A_171 = tpu.memref_slice %arg3[%multiple_of3A_165] : memref<640000xi32, #tpu.memory_space<hbm>> -> memref<80xi32, #tpu.memory_space<hbm>>
          tpu.enqueue_dma source(%dma_start3A_171 : memref<80xi32, #tpu.memory_space<hbm>>) target(%arg8 : memref<80xi32, #tpu.memory_space<vmem>>) target_semaphore(%arg20 : memref<!tpu.dma_semaphore, #tpu.memory_space<semaphore_mem>>)
          %dma_start3A_172 = tpu.memref_slice %arg4[%multiple_of3A_169] : memref<320000xi32, #tpu.memory_space<hbm>> -> memref<80xi32, #tpu.memory_space<hbm>>
          %dma_start3A_173 = tpu.memref_slice %arg4[%multiple_of3A_169] : memref<320000xi32, #tpu.memory_space<hbm>> -> memref<80xi32, #tpu.memory_space<hbm>>
          tpu.enqueue_dma source(%dma_start3A_173 : memref<80xi32, #tpu.memory_space<hbm>>) target(%arg12 : memref<80xi32, #tpu.memory_space<vmem>>) target_semaphore(%arg20 : memref<!tpu.dma_semaphore, #tpu.memory_space<semaphore_mem>>)
        } else {
        }
        %add3A_151 = arith.constant 2 : i32
        %add3A_152 = arith.addi %add3A_128, %add3A_151 : i32
        %lt3A_153 = arith.constant 250 : i32
        %lt3A_154 = arith.cmpi slt, %add3A_152, %lt3A_153 : i32
        %convert_element_type3A_155 = arith.extui %lt3A_154 : i1 to i32
        %cond3A_156 = arith.constant 0 : i32
        %cond3A_157 = arith.cmpi ne, %convert_element_type3A_155, %cond3A_156 : i32
        scf.if %cond3A_157 {
          %dma_wait3A_158 = arith.constant 0 : i32
          %dma_wait3A_159 = tpu.memref_slice %arg3[%dma_wait3A_158] : memref<640000xi32, #tpu.memory_space<hbm>> -> memref<80xi32, #tpu.memory_space<hbm>>
          %dma_wait3A_160 = arith.constant 0 : i32
          %dma_wait3A_161 = tpu.memref_slice %arg3[%dma_wait3A_160] : memref<640000xi32, #tpu.memory_space<hbm>> -> memref<80xi32, #tpu.memory_space<hbm>>
          tpu.wait_dma2 semaphore(%arg19 : memref<!tpu.dma_semaphore, #tpu.memory_space<semaphore_mem>>) src(%dma_wait3A_161 : memref<80xi32, #tpu.memory_space<hbm>>) dst(%arg7 : memref<80xi32, #tpu.memory_space<vmem>>)
          %dma_wait3A_162 = arith.constant 0 : i32
          %dma_wait3A_163 = tpu.memref_slice %arg3[%dma_wait3A_162] : memref<640000xi32, #tpu.memory_space<hbm>> -> memref<80xi32, #tpu.memory_space<hbm>>
          %dma_wait3A_164 = arith.constant 0 : i32
          %dma_wait3A_165 = tpu.memref_slice %arg3[%dma_wait3A_164] : memref<640000xi32, #tpu.memory_space<hbm>> -> memref<80xi32, #tpu.memory_space<hbm>>
          tpu.wait_dma2 semaphore(%arg19 : memref<!tpu.dma_semaphore, #tpu.memory_space<semaphore_mem>>) src(%dma_wait3A_165 : memref<80xi32, #tpu.memory_space<hbm>>) dst(%arg11 : memref<80xi32, #tpu.memory_space<vmem>>)
          %dma_start3A_166 = arith.constant 0 : i32
          %dma_start3A_167 = arith.constant 0 : i32
          %dma_start3A_168 = tpu.memref_slice %arg2[%dma_start3A_166, %dma_start3A_167] : memref<20160x128xf32, #tpu.memory_space<hbm>> -> memref<20160x128xf32, #tpu.memory_space<hbm>>
          tpu.enqueue_indirect_dma source(%dma_start3A_168 : memref<20160x128xf32, #tpu.memory_space<hbm>>) target(%arg15 : memref<80x128xf32, #tpu.memory_space<vmem>>) offsets(%arg7 : memref<80xi32, #tpu.memory_space<vmem>>) semaphore(%arg23 : memref<!tpu.dma_semaphore, #tpu.memory_space<semaphore_mem>>)
        } else {
        }
      } else {
      }
    }
    %scan3A_68 = arith.constant 63 : i32
    %dma_wait3A_69 = arith.constant 0 : i32
    %dma_wait3A_70 = arith.constant 0 : i32
    %dma_wait3A_71 = tpu.memref_slice %arg2[%dma_wait3A_69, %dma_wait3A_70] : memref<20160x128xf32, #tpu.memory_space<hbm>> -> memref<80x128xf32, #tpu.memory_space<hbm>>
    %dma_wait3A_72 = arith.constant 0 : i32
    %dma_wait3A_73 = arith.constant 0 : i32
    %dma_wait3A_74 = tpu.memref_slice %arg2[%dma_wait3A_72, %dma_wait3A_73] : memref<20160x128xf32, #tpu.memory_space<hbm>> -> memref<80x128xf32, #tpu.memory_space<hbm>>
    tpu.wait_dma2 semaphore(%arg26 : memref<!tpu.dma_semaphore, #tpu.memory_space<semaphore_mem>>) src(%dma_wait3A_74 : memref<80x128xf32, #tpu.memory_space<hbm>>) dst(%arg14 : memref<80x128xf32, #tpu.memory_space<vmem>>)
    %dma_wait3A_75 = arith.constant 0 : i32
    %dma_wait3A_76 = arith.constant 0 : i32
    %dma_wait3A_77 = tpu.memref_slice %arg2[%dma_wait3A_75, %dma_wait3A_76] : memref<20160x128xf32, #tpu.memory_space<hbm>> -> memref<80x128xf32, #tpu.memory_space<hbm>>
    %dma_wait3A_78 = arith.constant 0 : i32
    %dma_wait3A_79 = arith.constant 0 : i32
    %dma_wait3A_80 = tpu.memref_slice %arg2[%dma_wait3A_78, %dma_wait3A_79] : memref<20160x128xf32, #tpu.memory_space<hbm>> -> memref<80x128xf32, #tpu.memory_space<hbm>>
    tpu.wait_dma2 semaphore(%arg27 : memref<!tpu.dma_semaphore, #tpu.memory_space<semaphore_mem>>) src(%dma_wait3A_80 : memref<80x128xf32, #tpu.memory_space<hbm>>) dst(%arg15 : memref<80x128xf32, #tpu.memory_space<vmem>>)
    %dma_wait3A_81 = arith.constant 0 : i32
    %dma_wait3A_82 = arith.constant 0 : i32
    %dma_wait3A_83 = tpu.memref_slice %arg2[%dma_wait3A_81, %dma_wait3A_82] : memref<20160x128xf32, #tpu.memory_space<hbm>> -> memref<80x128xf32, #tpu.memory_space<hbm>>
    %dma_wait3A_84 = arith.constant 0 : i32
    %dma_wait3A_85 = arith.constant 0 : i32
    %dma_wait3A_86 = tpu.memref_slice %arg2[%dma_wait3A_84, %dma_wait3A_85] : memref<20160x128xf32, #tpu.memory_space<hbm>> -> memref<80x128xf32, #tpu.memory_space<hbm>>
    tpu.wait_dma2 semaphore(%arg28 : memref<!tpu.dma_semaphore, #tpu.memory_space<semaphore_mem>>) src(%dma_wait3A_86 : memref<80x128xf32, #tpu.memory_space<hbm>>) dst(%arg16 : memref<80x128xf32, #tpu.memory_space<vmem>>)
    %dma_wait3A_87 = arith.constant 0 : i32
    %dma_wait3A_88 = arith.constant 0 : i32
    %dma_wait3A_89 = tpu.memref_slice %arg2[%dma_wait3A_87, %dma_wait3A_88] : memref<20160x128xf32, #tpu.memory_space<hbm>> -> memref<80x128xf32, #tpu.memory_space<hbm>>
    %dma_wait3A_90 = arith.constant 0 : i32
    %dma_wait3A_91 = arith.constant 0 : i32
    %dma_wait3A_92 = tpu.memref_slice %arg2[%dma_wait3A_90, %dma_wait3A_91] : memref<20160x128xf32, #tpu.memory_space<hbm>> -> memref<80x128xf32, #tpu.memory_space<hbm>>
    tpu.wait_dma2 semaphore(%arg29 : memref<!tpu.dma_semaphore, #tpu.memory_space<semaphore_mem>>) src(%dma_wait3A_92 : memref<80x128xf32, #tpu.memory_space<hbm>>) dst(%arg17 : memref<80x128xf32, #tpu.memory_space<vmem>>)
    %barrier3A_93 = arith.constant 0 : index
    tpu.barrier barrier_id(%barrier3A_93)
    %scan3A_94 = arith.constant 0 : i32
    %scan3A_95 = arith.constant 0 : i32
    %scan3A_96 = arith.constant 8 : i32
    %scan3A_97 = arith.addi %scan3A_95, %scan3A_96 : i32
    %scan3A_98 = arith.constant 1 : i32
    scf.for %scan3A_100 = %scan3A_95 to %scan3A_97 step %scan3A_98  : i32 {
      %mul3A_101 = arith.constant 16 : i32
      %mul3A_102 = arith.muli %scan3A_100, %mul3A_101 : i32
      %add3A_103 = arith.addi %arg1, %mul3A_102 : i32
      %lt3A = arith.constant 125 : i32
      %lt3A_104 = arith.cmpi slt, %add3A_103, %lt3A : i32
      %convert_element_type3A = arith.extui %lt3A_104 : i1 to i32
      %cond3A = arith.constant 0 : i32
      %cond3A_105 = arith.cmpi ne, %convert_element_type3A, %cond3A : i32
      scf.if %cond3A_105 {
        %mul3A_106 = arith.constant 80 : i32
        %mul3A_107 = arith.muli %add3A_103, %mul3A_106 : i32
        %multiple_of3A_108 = tpu.assume_multiple %mul3A_107, 8 : i32
        %mul3A_109 = arith.constant 10080 : i32
        %mul3A_110 = arith.muli %arg0, %mul3A_109 : i32
        %mul3A_111 = arith.constant 80 : i32
        %mul3A_112 = arith.muli %add3A_103, %mul3A_111 : i32
        %add3A_113 = arith.addi %mul3A_110, %mul3A_112 : i32
        %multiple_of3A_114 = tpu.assume_multiple %add3A_113, 8 : i32
        "tpu.region"() ({
          %run_scoped3A = tpu.sem_alloc : memref<!tpu.dma_semaphore, #tpu.memory_space<semaphore_mem>>
          %dma_start3A_115 = arith.constant 0 : i32
          %dma_start3A_116 = arith.constant 0 : i32
          %dma_start3A_117 = tpu.memref_slice %arg14[%dma_start3A_115, %dma_start3A_116] : memref<80x128xf32, #tpu.memory_space<vmem>> -> memref<80x128xf32, #tpu.memory_space<vmem>>
          %dma_start3A_118 = arith.constant 0 : i32
          %dma_start3A_119 = tpu.memref_slice %arg30[%multiple_of3A_108, %dma_start3A_118] : memref<10080x128xf32, #tpu.memory_space<vmem_shared>> -> memref<80x128xf32, #tpu.memory_space<vmem_shared>>
          %dma_start3A_120 = arith.constant 0 : i32
          %dma_start3A_121 = arith.constant 0 : i32
          %dma_start3A_122 = tpu.memref_slice %arg14[%dma_start3A_120, %dma_start3A_121] : memref<80x128xf32, #tpu.memory_space<vmem>> -> memref<80x128xf32, #tpu.memory_space<vmem>>
          %dma_start3A_123 = arith.constant 0 : i32
          %dma_start3A_124 = tpu.memref_slice %arg30[%multiple_of3A_108, %dma_start3A_123] : memref<10080x128xf32, #tpu.memory_space<vmem_shared>> -> memref<80x128xf32, #tpu.memory_space<vmem_shared>>
          tpu.enqueue_dma source(%dma_start3A_124 : memref<80x128xf32, #tpu.memory_space<vmem_shared>>) target(%dma_start3A_122 : memref<80x128xf32, #tpu.memory_space<vmem>>) target_semaphore(%run_scoped3A : memref<!tpu.dma_semaphore, #tpu.memory_space<semaphore_mem>>)
          %dma_wait3A_125 = arith.constant 0 : i32
          %dma_wait3A_126 = arith.constant 0 : i32
          %dma_wait3A_127 = tpu.memref_slice %arg14[%dma_wait3A_125, %dma_wait3A_126] : memref<80x128xf32, #tpu.memory_space<vmem>> -> memref<80x128xf32, #tpu.memory_space<vmem>>
          %dma_wait3A_128 = arith.constant 0 : i32
          %dma_wait3A_129 = tpu.memref_slice %arg30[%multiple_of3A_108, %dma_wait3A_128] : memref<10080x128xf32, #tpu.memory_space<vmem_shared>> -> memref<80x128xf32, #tpu.memory_space<vmem_shared>>
          %dma_wait3A_130 = arith.constant 0 : i32
          %dma_wait3A_131 = arith.constant 0 : i32
          %dma_wait3A_132 = tpu.memref_slice %arg14[%dma_wait3A_130, %dma_wait3A_131] : memref<80x128xf32, #tpu.memory_space<vmem>> -> memref<80x128xf32, #tpu.memory_space<vmem>>
          %dma_wait3A_133 = arith.constant 0 : i32
          %dma_wait3A_134 = tpu.memref_slice %arg30[%multiple_of3A_108, %dma_wait3A_133] : memref<10080x128xf32, #tpu.memory_space<vmem_shared>> -> memref<80x128xf32, #tpu.memory_space<vmem_shared>>
          tpu.wait_dma2 semaphore(%run_scoped3A : memref<!tpu.dma_semaphore, #tpu.memory_space<semaphore_mem>>) src(%dma_wait3A_134 : memref<80x128xf32, #tpu.memory_space<vmem_shared>>) dst(%dma_wait3A_132 : memref<80x128xf32, #tpu.memory_space<vmem>>)
          tpu.yield
        }) : () -> ()
        "tpu.region"() ({
          %run_scoped3A = tpu.sem_alloc : memref<!tpu.dma_semaphore, #tpu.memory_space<semaphore_mem>>
          %dma_start3A_115 = arith.constant 0 : i32
          %dma_start3A_116 = arith.constant 0 : i32
          %dma_start3A_117 = tpu.memref_slice %arg14[%dma_start3A_115, %dma_start3A_116] : memref<80x128xf32, #tpu.memory_space<vmem>> -> memref<80x128xf32, #tpu.memory_space<vmem>>
          %dma_start3A_118 = arith.constant 0 : i32
          %dma_start3A_119 = tpu.memref_slice %arg5[%multiple_of3A_114, %dma_start3A_118] : memref<20160x128xf32, #tpu.memory_space<hbm>> -> memref<80x128xf32, #tpu.memory_space<hbm>>
          %dma_start3A_120 = arith.constant 0 : i32
          %dma_start3A_121 = tpu.memref_slice %arg5[%multiple_of3A_114, %dma_start3A_120] : memref<20160x128xf32, #tpu.memory_space<hbm>> -> memref<80x128xf32, #tpu.memory_space<hbm>>
          %dma_start3A_122 = arith.constant 0 : i32
          %dma_start3A_123 = arith.constant 0 : i32
          %dma_start3A_124 = tpu.memref_slice %arg14[%dma_start3A_122, %dma_start3A_123] : memref<80x128xf32, #tpu.memory_space<vmem>> -> memref<80x128xf32, #tpu.memory_space<vmem>>
          tpu.enqueue_dma source(%dma_start3A_124 : memref<80x128xf32, #tpu.memory_space<vmem>>) target(%dma_start3A_121 : memref<80x128xf32, #tpu.memory_space<hbm>>) target_semaphore(%run_scoped3A : memref<!tpu.dma_semaphore, #tpu.memory_space<semaphore_mem>>)
          %dma_wait3A_125 = arith.constant 0 : i32
          %dma_wait3A_126 = arith.constant 0 : i32
          %dma_wait3A_127 = tpu.memref_slice %arg14[%dma_wait3A_125, %dma_wait3A_126] : memref<80x128xf32, #tpu.memory_space<vmem>> -> memref<80x128xf32, #tpu.memory_space<vmem>>
          %dma_wait3A_128 = arith.constant 0 : i32
          %dma_wait3A_129 = tpu.memref_slice %arg5[%multiple_of3A_114, %dma_wait3A_128] : memref<20160x128xf32, #tpu.memory_space<hbm>> -> memref<80x128xf32, #tpu.memory_space<hbm>>
          %dma_wait3A_130 = arith.constant 0 : i32
          %dma_wait3A_131 = tpu.memref_slice %arg5[%multiple_of3A_114, %dma_wait3A_130] : memref<20160x128xf32, #tpu.memory_space<hbm>> -> memref<80x128xf32, #tpu.memory_space<hbm>>
          %dma_wait3A_132 = arith.constant 0 : i32
          %dma_wait3A_133 = arith.constant 0 : i32
          %dma_wait3A_134 = tpu.memref_slice %arg14[%dma_wait3A_132, %dma_wait3A_133] : memref<80x128xf32, #tpu.memory_space<vmem>> -> memref<80x128xf32, #tpu.memory_space<vmem>>
          tpu.wait_dma2 semaphore(%run_scoped3A : memref<!tpu.dma_semaphore, #tpu.memory_space<semaphore_mem>>) src(%dma_wait3A_134 : memref<80x128xf32, #tpu.memory_space<vmem>>) dst(%dma_wait3A_131 : memref<80x128xf32, #tpu.memory_space<hbm>>)
          tpu.yield
        }) : () -> ()
      } else {
      }
    }
    %scan3A_99 = arith.constant 8 : i32
    return
  }
}

module attributes {stable_mosaic.version = 14 : i64} {
  func.func @body(%arg0: i32, %arg1: memref<2x2000x128xf32, #tpu.memory_space<vmem>>, %arg2: memref<2000x128xf32, #tpu.memory_space<vmem>>, %arg3: memref<256x128xf32, #tpu.memory_space<vmem>>, %arg4: memref<1x256xf32, #tpu.memory_space<vmem>>, %arg5: memref<256x128xf32, #tpu.memory_space<vmem>>, %arg6: memref<2x2000x128xf32, #tpu.memory_space<vmem>>) attributes {dimension_semantics = [#tpu.dimension_semantics<arbitrary>], iteration_bounds = array<i64: 5>, scalar_prefetch = 0 : i64, scratch_operands = 0 : i64, tpu.core_type = #tpu.core_type<tc>, window_params = [{transform_indices = @transform_0, window_bounds = array<i64: 2, 2000, 128>}, {transform_indices = @transform_1, window_bounds = array<i64: 2000, 128>}, {pipeline_mode = #tpu.pipeline_mode<synchronous>, transform_indices = @transform_2, window_bounds = array<i64: 256, 128>}, {pipeline_mode = #tpu.pipeline_mode<synchronous>, transform_indices = @transform_3, window_bounds = array<i64: 1, 256>}, {pipeline_mode = #tpu.pipeline_mode<synchronous>, transform_indices = @transform_4, window_bounds = array<i64: 256, 128>}, {transform_indices = @transform_5, window_bounds = array<i64: 2, 2000, 128>}]} {
    %get3A = arith.constant 0 : index
    %get3A_0 = arith.constant 0 : index
    %get3A_1 = arith.constant 0 : index
    %get3A_2 = vector.load %arg1[%get3A, %get3A_0, %get3A_1] : memref<2x2000x128xf32, #tpu.memory_space<vmem>>, vector<1x2000x128xf32>
    %get3A_3 = vector.shape_cast %get3A_2 : vector<1x2000x128xf32> to vector<2000x128xf32>
    %get3A_4 = arith.constant 1 : index
    %get3A_5 = arith.constant 0 : index
    %get3A_6 = arith.constant 0 : index
    %get3A_7 = vector.load %arg1[%get3A_4, %get3A_5, %get3A_6] : memref<2x2000x128xf32, #tpu.memory_space<vmem>>, vector<1x2000x128xf32>
    %get3A_8 = vector.shape_cast %get3A_7 : vector<1x2000x128xf32> to vector<2000x128xf32>
    %add3A = arith.addf %get3A_3, %get3A_8 : vector<2000x128xf32>
    %get3A_9 = arith.constant 0 : index
    %get3A_10 = arith.constant 0 : index
    %get3A_11 = vector.load %arg3[%get3A_9, %get3A_10] : memref<256x128xf32, #tpu.memory_space<vmem>>, vector<256x128xf32>
    %dot_general3A = arith.constant dense<0.000000e+00> : vector<2000x256xf32>
    %dot_general3A_12 = tpu.matmul %add3A, %get3A_11, %dot_general3A {dimension_numbers = #tpu.dot_dimension_numbers<[1], [1], [0], [0], [0, 0, 1, 0], [], []>, transpose_lhs_hint = false} : vector<2000x128xf32>, vector<256x128xf32>, vector<2000x256xf32> -> vector<2000x256xf32>
    %get3A_13 = arith.constant 0 : index
    %get3A_14 = arith.constant 0 : index
    %get3A_15 = vector.load %arg2[%get3A_13, %get3A_14] : memref<2000x128xf32, #tpu.memory_space<vmem>>, vector<2000x128xf32>
    %get3A_16 = arith.constant 0 : index
    %get3A_17 = arith.constant 0 : index
    %get3A_18 = vector.load %arg5[%get3A_16, %get3A_17] : memref<256x128xf32, #tpu.memory_space<vmem>>, vector<256x128xf32>
    %dot_general3A_19 = arith.constant dense<0.000000e+00> : vector<2000x256xf32>
    %dot_general3A_20 = tpu.matmul %get3A_15, %get3A_18, %dot_general3A_19 {dimension_numbers = #tpu.dot_dimension_numbers<[1], [1], [0], [0], [0, 0, 1, 0], [], []>, transpose_lhs_hint = false} : vector<2000x128xf32>, vector<256x128xf32>, vector<2000x256xf32> -> vector<2000x256xf32>
    %add3A_21 = arith.addf %dot_general3A_12, %dot_general3A_20 : vector<2000x256xf32>
    %get3A_22 = arith.constant 0 : index
    %get3A_23 = arith.constant 0 : index
    %get3A_24 = vector.load %arg4[%get3A_22, %get3A_23] : memref<1x256xf32, #tpu.memory_space<vmem>>, vector<1x256xf32>
    %add3A_25 = vector.broadcast %get3A_24 : vector<1x256xf32> to vector<2000x256xf32>
    %add3A_26 = arith.addf %add3A_21, %add3A_25 : vector<2000x256xf32>
    %max3A = arith.constant 0.000000e+00 : f32
    %max3A_27 = vector.broadcast %max3A : f32 to vector<2000x256xf32>
    %max3A_28 = arith.maximumf %add3A_26, %max3A_27 : vector<2000x256xf32>
    %slice3A = vector.extract_strided_slice %max3A_28 {offsets = [0, 0], sizes = [2000, 128], strides = [1, 1]} : vector<2000x256xf32> to vector<2000x128xf32>
    %swap3A = arith.constant 0 : index
    %swap3A_29 = arith.constant 0 : index
    %swap3A_30 = arith.constant 0 : index
    %swap3A_31 = vector.load %arg6[%swap3A, %swap3A_29, %swap3A_30] : memref<2x2000x128xf32, #tpu.memory_space<vmem>>, vector<1x2000x128xf32>
    %swap3A_32 = vector.shape_cast %swap3A_31 : vector<1x2000x128xf32> to vector<2000x128xf32>
    %swap3A_33 = vector.shape_cast %slice3A : vector<2000x128xf32> to vector<1x2000x128xf32>
    tpu.vector_store %arg6[%swap3A, %swap3A_29, %swap3A_30], %swap3A_33 {strides = array<i32>} : memref<2x2000x128xf32, #tpu.memory_space<vmem>>, vector<1x2000x128xf32>,
    %slice3A_34 = vector.extract_strided_slice %max3A_28 {offsets = [0, 128], sizes = [2000, 128], strides = [1, 1]} : vector<2000x256xf32> to vector<2000x128xf32>
    %swap3A_35 = arith.constant 1 : index
    %swap3A_36 = arith.constant 0 : index
    %swap3A_37 = arith.constant 0 : index
    %swap3A_38 = vector.load %arg6[%swap3A_35, %swap3A_36, %swap3A_37] : memref<2x2000x128xf32, #tpu.memory_space<vmem>>, vector<1x2000x128xf32>
    %swap3A_39 = vector.shape_cast %swap3A_38 : vector<1x2000x128xf32> to vector<2000x128xf32>
    %swap3A_40 = vector.shape_cast %slice3A_34 : vector<2000x128xf32> to vector<1x2000x128xf32>
    tpu.vector_store %arg6[%swap3A_35, %swap3A_36, %swap3A_37], %swap3A_40 {strides = array<i32>} : memref<2x2000x128xf32, #tpu.memory_space<vmem>>, vector<1x2000x128xf32>,
    return
  }
  func.func @transform_0(%arg0: i32) -> (i32, i32, i32) {
    %c0_i32 = arith.constant 0 : i32
    %c0_i32_0 = arith.constant 0 : i32
    %c0_i32_1 = arith.constant 0 : i32
    return %c0_i32, %arg0, %c0_i32_0 : i32, i32, i32
  }
  func.func @transform_1(%arg0: i32) -> (i32, i32) {
    %c0_i32 = arith.constant 0 : i32
    %c0_i32_0 = arith.constant 0 : i32
    return %arg0, %c0_i32 : i32, i32
  }
  func.func @transform_2(%arg0: i32) -> (i32, i32) {
    %c0_i32 = arith.constant 0 : i32
    %c0_i32_0 = arith.constant 0 : i32
    %c0_i32_1 = arith.constant 0 : i32
    return %c0_i32, %c0_i32_0 : i32, i32
  }
  func.func @transform_3(%arg0: i32) -> (i32, i32) {
    %c0_i32 = arith.constant 0 : i32
    %c0_i32_0 = arith.constant 0 : i32
    %c0_i32_1 = arith.constant 0 : i32
    return %c0_i32, %c0_i32_0 : i32, i32
  }
  func.func @transform_4(%arg0: i32) -> (i32, i32) {
    %c0_i32 = arith.constant 0 : i32
    %c0_i32_0 = arith.constant 0 : i32
    %c0_i32_1 = arith.constant 0 : i32
    return %c0_i32, %c0_i32_0 : i32, i32
  }
  func.func @transform_5(%arg0: i32) -> (i32, i32, i32) {
    %c0_i32 = arith.constant 0 : i32
    %c0_i32_0 = arith.constant 0 : i32
    %c0_i32_1 = arith.constant 0 : i32
    return %c0_i32, %arg0, %c0_i32_0 : i32, i32, i32
  }
}

module attributes {stable_mosaic.version = 14 : i64} {
  func.func @body(%arg0: i32, %arg1: memref<2x2000x128xf32, #tpu.memory_space<vmem>>, %arg2: memref<2x2000x128xf32, #tpu.memory_space<vmem>>, %arg3: memref<1x1x2000xi32, #tpu.memory_space<vmem>>, %arg4: memref<256x256xf32, #tpu.memory_space<vmem>>, %arg5: memref<1x256xf32, #tpu.memory_space<vmem>>, %arg6: memref<256x256xf32, #tpu.memory_space<vmem>>, %arg7: memref<128x256xf32, #tpu.memory_space<vmem>>, %arg8: memref<1x128xf32, #tpu.memory_space<vmem>>, %arg9: memref<64x256xf32, #tpu.memory_space<vmem>>, %arg10: memref<64x128xf32, #tpu.memory_space<vmem>>, %arg11: memref<64x128xf32, #tpu.memory_space<vmem>>) attributes {dimension_semantics = [#tpu.dimension_semantics<arbitrary>], iteration_bounds = array<i64: 5>, scalar_prefetch = 0 : i64, scratch_operands = 0 : i64, tpu.core_type = #tpu.core_type<tc>, window_params = [{transform_indices = @transform_0, window_bounds = array<i64: 2, 2000, 128>}, {transform_indices = @transform_1, window_bounds = array<i64: 2, 2000, 128>}, {transform_indices = @transform_2, window_bounds = array<i64: 1, 1, 2000>}, {pipeline_mode = #tpu.pipeline_mode<synchronous>, transform_indices = @transform_3, window_bounds = array<i64: 256, 256>}, {pipeline_mode = #tpu.pipeline_mode<synchronous>, transform_indices = @transform_4, window_bounds = array<i64: 1, 256>}, {pipeline_mode = #tpu.pipeline_mode<synchronous>, transform_indices = @transform_5, window_bounds = array<i64: 256, 256>}, {pipeline_mode = #tpu.pipeline_mode<synchronous>, transform_indices = @transform_6, window_bounds = array<i64: 128, 256>}, {pipeline_mode = #tpu.pipeline_mode<synchronous>, transform_indices = @transform_7, window_bounds = array<i64: 1, 128>}, {pipeline_mode = #tpu.pipeline_mode<synchronous>, transform_indices = @transform_8, window_bounds = array<i64: 64, 256>}, {pipeline_mode = #tpu.pipeline_mode<synchronous>, transform_indices = @transform_9, window_bounds = array<i64: 64, 128>}, {pipeline_mode = #tpu.pipeline_mode<synchronous>, transform_indices = @transform_10, window_bounds = array<i64: 64, 128>}]} {
    %get3A = arith.constant 0 : index
    %get3A_0 = arith.constant 0 : index
    %get3A_1 = arith.constant 0 : index
    %get3A_2 = vector.load %arg1[%get3A, %get3A_0, %get3A_1] : memref<2x2000x128xf32, #tpu.memory_space<vmem>>, vector<1x2000x128xf32>
    %get3A_3 = vector.shape_cast %get3A_2 : vector<1x2000x128xf32> to vector<2000x128xf32>
    %get3A_4 = arith.constant 1 : index
    %get3A_5 = arith.constant 0 : index
    %get3A_6 = arith.constant 0 : index
    %get3A_7 = vector.load %arg1[%get3A_4, %get3A_5, %get3A_6] : memref<2x2000x128xf32, #tpu.memory_space<vmem>>, vector<1x2000x128xf32>
    %get3A_8 = vector.shape_cast %get3A_7 : vector<1x2000x128xf32> to vector<2000x128xf32>
    %concatenate3A = tpu.concatenate %get3A_3, %get3A_8 in 1 : vector<2000x128xf32>, vector<2000x128xf32> -> vector<2000x256xf32>
    %get3A_9 = arith.constant 0 : index
    %get3A_10 = arith.constant 0 : index
    %get3A_11 = arith.constant 0 : index
    %get3A_12 = vector.load %arg2[%get3A_9, %get3A_10, %get3A_11] : memref<2x2000x128xf32, #tpu.memory_space<vmem>>, vector<1x2000x128xf32>
    %get3A_13 = vector.shape_cast %get3A_12 : vector<1x2000x128xf32> to vector<2000x128xf32>
    %get3A_14 = arith.constant 1 : index
    %get3A_15 = arith.constant 0 : index
    %get3A_16 = arith.constant 0 : index
    %get3A_17 = vector.load %arg2[%get3A_14, %get3A_15, %get3A_16] : memref<2x2000x128xf32, #tpu.memory_space<vmem>>, vector<1x2000x128xf32>
    %get3A_18 = vector.shape_cast %get3A_17 : vector<1x2000x128xf32> to vector<2000x128xf32>
    %concatenate3A_19 = tpu.concatenate %get3A_13, %get3A_18 in 1 : vector<2000x128xf32>, vector<2000x128xf32> -> vector<2000x256xf32>
    %get3A_20 = arith.constant 0 : index
    %get3A_21 = arith.constant 0 : index
    %get3A_22 = vector.load %arg4[%get3A_20, %get3A_21] : memref<256x256xf32, #tpu.memory_space<vmem>>, vector<256x256xf32>
    %dot_general3A = arith.constant dense<0.000000e+00> : vector<2000x256xf32>
    %dot_general3A_23 = tpu.matmul %concatenate3A, %get3A_22, %dot_general3A {dimension_numbers = #tpu.dot_dimension_numbers<[1], [1], [0], [0], [0, 0, 1, 0], [], []>, transpose_lhs_hint = false} : vector<2000x256xf32>, vector<256x256xf32>, vector<2000x256xf32> -> vector<2000x256xf32>
    %get3A_24 = arith.constant 0 : index
    %get3A_25 = arith.constant 0 : index
    %get3A_26 = vector.load %arg6[%get3A_24, %get3A_25] : memref<256x256xf32, #tpu.memory_space<vmem>>, vector<256x256xf32>
    %dot_general3A_27 = arith.constant dense<0.000000e+00> : vector<2000x256xf32>
    %dot_general3A_28 = tpu.matmul %concatenate3A_19, %get3A_26, %dot_general3A_27 {dimension_numbers = #tpu.dot_dimension_numbers<[1], [1], [0], [0], [0, 0, 1, 0], [], []>, transpose_lhs_hint = false} : vector<2000x256xf32>, vector<256x256xf32>, vector<2000x256xf32> -> vector<2000x256xf32>
    %add3A = arith.addf %dot_general3A_23, %dot_general3A_28 : vector<2000x256xf32>
    %get3A_29 = arith.constant 0 : index
    %get3A_30 = arith.constant 0 : index
    %get3A_31 = vector.load %arg5[%get3A_29, %get3A_30] : memref<1x256xf32, #tpu.memory_space<vmem>>, vector<1x256xf32>
    %add3A_32 = vector.broadcast %get3A_31 : vector<1x256xf32> to vector<2000x256xf32>
    %add3A_33 = arith.addf %add3A, %add3A_32 : vector<2000x256xf32>
    %max3A = arith.constant 0.000000e+00 : f32
    %max3A_34 = vector.broadcast %max3A : f32 to vector<2000x256xf32>
    %max3A_35 = arith.maximumf %add3A_33, %max3A_34 : vector<2000x256xf32>
    %get3A_36 = arith.constant 0 : index
    %get3A_37 = arith.constant 0 : index
    %get3A_38 = arith.constant 0 : index
    %get3A_39 = vector.load %arg3[%get3A_36, %get3A_37, %get3A_38] : memref<1x1x2000xi32, #tpu.memory_space<vmem>>, vector<1x1x2000xi32>
    %get3A_40 = vector.shape_cast %get3A_39 : vector<1x1x2000xi32> to vector<1x2000xi32>
    %iota3A = tpu.iota {dimensions = array<i32: 0>} : vector<64x2000xi32>
    %eq3A = vector.broadcast %get3A_40 : vector<1x2000xi32> to vector<64x2000xi32>
    %eq3A_41 = arith.cmpi eq, %eq3A, %iota3A : vector<64x2000xi32>
    %convert_element_type3A = arith.extui %eq3A_41 : vector<64x2000xi1> to vector<64x2000xi32>
    %convert_element_type3A_42 = arith.sitofp %convert_element_type3A : vector<64x2000xi32> to vector<64x2000xf32>
    %eq3A_43 = arith.constant 0 : i32
    %eq3A_44 = arith.cmpi eq, %arg0, %eq3A_43 : i32
    %convert_element_type3A_45 = arith.extui %eq3A_44 : i1 to i32
    %cond3A = arith.constant 0 : i32
    %cond3A_46 = arith.cmpi ne, %convert_element_type3A_45, %cond3A : i32
    scf.if %cond3A_46 {
      %broadcast_in_dim3A_70 = arith.constant 0.000000e+00 : f32
      %broadcast_in_dim3A_71 = vector.broadcast %broadcast_in_dim3A_70 : f32 to vector<64x256xf32>
      %swap3A_72 = arith.constant 0 : index
      %swap3A_73 = arith.constant 0 : index
      %swap3A_74 = vector.load %arg9[%swap3A_72, %swap3A_73] : memref<64x256xf32, #tpu.memory_space<vmem>>, vector<64x256xf32>
      tpu.vector_store %arg9[%swap3A_72, %swap3A_73], %broadcast_in_dim3A_71 {strides = array<i32>} : memref<64x256xf32, #tpu.memory_space<vmem>>, vector<64x256xf32>,
      %broadcast_in_dim3A_75 = arith.constant 0.000000e+00 : f32
      %broadcast_in_dim3A_76 = vector.broadcast %broadcast_in_dim3A_75 : f32 to vector<64x128xf32>
      %swap3A_77 = arith.constant 0 : index
      %swap3A_78 = arith.constant 0 : index
      %swap3A_79 = vector.load %arg10[%swap3A_77, %swap3A_78] : memref<64x128xf32, #tpu.memory_space<vmem>>, vector<64x128xf32>
      tpu.vector_store %arg10[%swap3A_77, %swap3A_78], %broadcast_in_dim3A_76 {strides = array<i32>} : memref<64x128xf32, #tpu.memory_space<vmem>>, vector<64x128xf32>,
    } else {
    }
    %get3A_47 = arith.constant 0 : index
    %get3A_48 = arith.constant 0 : index
    %get3A_49 = vector.load %arg9[%get3A_47, %get3A_48] : memref<64x256xf32, #tpu.memory_space<vmem>>, vector<64x256xf32>
    %dot_general3A_50 = arith.constant dense<0.000000e+00> : vector<64x256xf32>
    %dot_general3A_51 = tpu.matmul %convert_element_type3A_42, %max3A_35, %dot_general3A_50 {dimension_numbers = #tpu.dot_dimension_numbers<[1], [0], [0], [1], [0, 0, 1, 1], [], []>, transpose_lhs_hint = false} : vector<64x2000xf32>, vector<2000x256xf32>, vector<64x256xf32> -> vector<64x256xf32>
    %add3A_52 = arith.addf %get3A_49, %dot_general3A_51 : vector<64x256xf32>
    %swap3A = arith.constant 0 : index
    %swap3A_53 = arith.constant 0 : index
    %swap3A_54 = vector.load %arg9[%swap3A, %swap3A_53] : memref<64x256xf32, #tpu.memory_space<vmem>>, vector<64x256xf32>
    tpu.vector_store %arg9[%swap3A, %swap3A_53], %add3A_52 {strides = array<i32>} : memref<64x256xf32, #tpu.memory_space<vmem>>, vector<64x256xf32>,
    %get3A_55 = arith.constant 0 : index
    %get3A_56 = arith.constant 0 : index
    %get3A_57 = vector.load %arg10[%get3A_55, %get3A_56] : memref<64x128xf32, #tpu.memory_space<vmem>>, vector<64x128xf32>
    %reduce_sum3A = arith.constant dense<0.000000e+00> : vector<64xf32>
    %reduce_sum3A_58 = vector.multi_reduction <add>, %convert_element_type3A_42, %reduce_sum3A [1] : vector<64x2000xf32> to vector<64xf32>
    %broadcast_in_dim3A = vector.shape_cast %reduce_sum3A_58 : vector<64xf32> to vector<64x1xf32>
    %broadcast_in_dim3A_59 = vector.shape_cast %broadcast_in_dim3A : vector<64x1xf32> to vector<64x1xf32>
    %broadcast_in_dim3A_60 = vector.broadcast %broadcast_in_dim3A_59 : vector<64x1xf32> to vector<64x128xf32>
    %add3A_61 = arith.addf %get3A_57, %broadcast_in_dim3A_60 : vector<64x128xf32>
    %swap3A_62 = arith.constant 0 : index
    %swap3A_63 = arith.constant 0 : index
    %swap3A_64 = vector.load %arg10[%swap3A_62, %swap3A_63] : memref<64x128xf32, #tpu.memory_space<vmem>>, vector<64x128xf32>
    tpu.vector_store %arg10[%swap3A_62, %swap3A_63], %add3A_61 {strides = array<i32>} : memref<64x128xf32, #tpu.memory_space<vmem>>, vector<64x128xf32>,
    %eq3A_65 = arith.constant 4 : i32
    %eq3A_66 = arith.cmpi eq, %arg0, %eq3A_65 : i32
    %convert_element_type3A_67 = arith.extui %eq3A_66 : i1 to i32
    %cond3A_68 = arith.constant 0 : i32
    %cond3A_69 = arith.cmpi ne, %convert_element_type3A_67, %cond3A_68 : i32
    scf.if %cond3A_69 {
      %get3A_70 = arith.constant 0 : index
      %get3A_71 = arith.constant 0 : index
      %get3A_72 = vector.load %arg9[%get3A_70, %get3A_71] : memref<64x256xf32, #tpu.memory_space<vmem>>, vector<64x256xf32>
      %get3A_73 = arith.constant 0 : index
      %get3A_74 = arith.constant 0 : index
      %get3A_75 = vector.load %arg10[%get3A_73, %get3A_74] : memref<64x128xf32, #tpu.memory_space<vmem>>, vector<64x1xf32>
      %max3A_76 = arith.constant 1.000000e+00 : f32
      %max3A_77 = vector.broadcast %max3A_76 : f32 to vector<64x1xf32>
      %max3A_78 = arith.maximumf %get3A_75, %max3A_77 : vector<64x1xf32>
      %div3A = vector.broadcast %max3A_78 : vector<64x1xf32> to vector<64x256xf32>
      %div3A_79 = arith.divf %get3A_72, %div3A : vector<64x256xf32>
      %get3A_80 = arith.constant 0 : index
      %get3A_81 = arith.constant 0 : index
      %get3A_82 = vector.load %arg7[%get3A_80, %get3A_81] : memref<128x256xf32, #tpu.memory_space<vmem>>, vector<128x256xf32>
      %dot_general3A_83 = arith.constant dense<0.000000e+00> : vector<64x128xf32>
      %dot_general3A_84 = tpu.matmul %div3A_79, %get3A_82, %dot_general3A_83 {dimension_numbers = #tpu.dot_dimension_numbers<[1], [1], [0], [0], [0, 0, 1, 0], [], []>, transpose_lhs_hint = false} : vector<64x256xf32>, vector<128x256xf32>, vector<64x128xf32> -> vector<64x128xf32>
      %get3A_85 = arith.constant 0 : index
      %get3A_86 = arith.constant 0 : index
      %get3A_87 = vector.load %arg8[%get3A_85, %get3A_86] : memref<1x128xf32, #tpu.memory_space<vmem>>, vector<1x128xf32>
      %add3A_88 = vector.broadcast %get3A_87 : vector<1x128xf32> to vector<64x128xf32>
      %add3A_89 = arith.addf %dot_general3A_84, %add3A_88 : vector<64x128xf32>
      %swap3A_90 = arith.constant 0 : index
      %swap3A_91 = arith.constant 0 : index
      %swap3A_92 = vector.load %arg11[%swap3A_90, %swap3A_91] : memref<64x128xf32, #tpu.memory_space<vmem>>, vector<64x128xf32>
      tpu.vector_store %arg11[%swap3A_90, %swap3A_91], %add3A_89 {strides = array<i32>} : memref<64x128xf32, #tpu.memory_space<vmem>>, vector<64x128xf32>,
    } else {
    }
    return
  }
  func.func @transform_0(%arg0: i32) -> (i32, i32, i32) {
    %c0_i32 = arith.constant 0 : i32
    %c0_i32_0 = arith.constant 0 : i32
    %c0_i32_1 = arith.constant 0 : i32
    return %c0_i32, %arg0, %c0_i32_0 : i32, i32, i32
  }
  func.func @transform_1(%arg0: i32) -> (i32, i32, i32) {
    %c0_i32 = arith.constant 0 : i32
    %c0_i32_0 = arith.constant 0 : i32
    %c0_i32_1 = arith.constant 0 : i32
    return %c0_i32, %arg0, %c0_i32_0 : i32, i32, i32
  }
  func.func @transform_2(%arg0: i32) -> (i32, i32, i32) {
    %c0_i32 = arith.constant 0 : i32
    %c0_i32_0 = arith.constant 0 : i32
    %c0_i32_1 = arith.constant 0 : i32
    return %arg0, %c0_i32, %c0_i32_0 : i32, i32, i32
  }
  func.func @transform_3(%arg0: i32) -> (i32, i32) {
    %c0_i32 = arith.constant 0 : i32
    %c0_i32_0 = arith.constant 0 : i32
    %c0_i32_1 = arith.constant 0 : i32
    return %c0_i32, %c0_i32_0 : i32, i32
  }
  func.func @transform_4(%arg0: i32) -> (i32, i32) {
    %c0_i32 = arith.constant 0 : i32
    %c0_i32_0 = arith.constant 0 : i32
    %c0_i32_1 = arith.constant 0 : i32
    return %c0_i32, %c0_i32_0 : i32, i32
  }
  func.func @transform_5(%arg0: i32) -> (i32, i32) {
    %c0_i32 = arith.constant 0 : i32
    %c0_i32_0 = arith.constant 0 : i32
    %c0_i32_1 = arith.constant 0 : i32
    return %c0_i32, %c0_i32_0 : i32, i32
  }
  func.func @transform_6(%arg0: i32) -> (i32, i32) {
    %c0_i32 = arith.constant 0 : i32
    %c0_i32_0 = arith.constant 0 : i32
    %c0_i32_1 = arith.constant 0 : i32
    return %c0_i32, %c0_i32_0 : i32, i32
  }
  func.func @transform_7(%arg0: i32) -> (i32, i32) {
    %c0_i32 = arith.constant 0 : i32
    %c0_i32_0 = arith.constant 0 : i32
    %c0_i32_1 = arith.constant 0 : i32
    return %c0_i32, %c0_i32_0 : i32, i32
  }
  func.func @transform_8(%arg0: i32) -> (i32, i32) {
    %c0_i32 = arith.constant 0 : i32
    %c0_i32_0 = arith.constant 0 : i32
    %c0_i32_1 = arith.constant 0 : i32
    return %c0_i32, %c0_i32_0 : i32, i32
  }
  func.func @transform_9(%arg0: i32) -> (i32, i32) {
    %c0_i32 = arith.constant 0 : i32
    %c0_i32_0 = arith.constant 0 : i32
    %c0_i32_1 = arith.constant 0 : i32
    return %c0_i32, %c0_i32_0 : i32, i32
  }
  func.func @transform_10(%arg0: i32) -> (i32, i32) {
    %c0_i32 = arith.constant 0 : i32
    %c0_i32_0 = arith.constant 0 : i32
    %c0_i32_1 = arith.constant 0 : i32
    return %c0_i32, %c0_i32_0 : i32, i32
  }
}

</mosaic_0001>

<sc_bundles>
// kernel: kernel.6.cloned.1.call-start
scs
__scs_entry_jumppad:
0x0: {  	(pc) =	sbr.rel $0x88, $3  }
0x1: {  	(tag) =	ssettag $0x0;
	lr =	simm.s32 $0x1  }
0x2: {  	[smem:$0x3F96] =	sst lr;
	_ =	strace $0xD0000000  }
0x3: {  	_ = 	snop  }
0x4: {  	_ = 	snop  }
0x5: {  	_ = 	snop  }
0x6: {  	_ = 	snop  }
0x7: {  	_ = 	snop  }
__scs_overlays_trampoline_lowered:
0x8: {  	[smem:$0x3FA5] =	sst s0  }
0x9: {  	[smem:$0x3FA6] =	sst s1  }
0xa: {  	[smem:$0x3FA7] =	sst s2  }
0xb: {  	[smem:$0x3FA8] =	sst s3  }
0xc: {  	[smem:$0x3FA9] =	sst s4  }
0xd: {  	[smem:$0x3FAA] =	sst s5  }
0xe: {  	[smem:$0x3FAB] =	sst s6  }
0xf: {  	[smem:$0x3FAC] =	sst s7  }
0x10: {  	[smem:$0x3FAD] =	sst s8  }
0x11: {  	[smem:$0x3FAE] =	sst s9;
	s0 =	simm.s32 @!p0 $0x0  }
0x12: {  	s1 =	sld [smem:$0x3F94];
	s0 =	simm.s32 @p0 $0x1  }
0x13: {  	[smem:$0x3FAF] =	sst s0;
	s0 =	simm.s32 @!p1 $0x0  }
0x14: {  	s2 =	sld [smem:$0x3F93];
	s0 =	simm.s32 @p1 $0x1  }
0x15: {  	[smem:$0x3FB0] =	sst s0;
	s0 =	simm.s32 @!p2 $0x0  }
0x16: {  	s3 =	sld [smem:$0x3FDB];
	s0 =	simm.s32 @p2 $0x1  }
0x17: {  	s4 =	simm.s32 $0x1BF5;
	[smem:$0x3FB2] =	sst s0  }
0x18: {  	s0 =	sld [smem:$0x3F95];
	_ =	swait.ge [sflag:s4], $0x0  }
0x19: {  	s7 =	sld [smem:$0x3F96]  }
0x1a: {  	s8 =	sadd.s32 $0xFFFFE003, lr  }
0x1b: {  	s9 =	sadd.s32 $0xFFFFFEF7, lr;
	s5 =	simm.s32 $0xFFFFFFFF;
	p2 =	slt.u32 s8, $0xFFFFF086  }
0x1c: {  	p1 =	slt.u32 s9, $0xF7A;
	s5 =	simm.s32 @!p2 $0x0  }
0x1d: {  	s5 =	simm.s32 @p1 $0x1;
	p0 =	seq.s32 s7, s2  }
0x1e: {  	s7 =	smul.u32 @!p0 $0xF7A, s2;
	p2 =	seq.s32 @!p0 s5, $0x0  }
0x1f: {  	s9 =	smul.u32 $0xF7A, s1;
	s8 =	simm.s32 @!p0 $0x1BF5;
	p2 =	por !p2, p0  }
0x20: {  	[sflag:s8] =	ssyncset.s32 @!p0 $0xFFFFF086;
	s6 =	sadd.s32 @!p0 s3, s7;
	s7 =	simm.s32 @!p0 $0x108  }
0x21: {  	s3 =	sadd.s32 s3, s9;
	s6 =	sadd.s32 @!p0 $0x88, s6;
	s7 =	simm.s32 @p2 $0x1082  }
0x22: {  	[simem:s7], [sflag:s8] =	dma.local @!p0 [hbm:s6], $0xF7A  }
0x23: {  	s9 =	sor.u32 $0xD0000000, s2;
	s6 =	simm.s32 $0x108;
	_ =	swait.ge @!p0 [sflag:s8], $0x0  }
0x24: {  	s3 =	sadd.s32 $0x88, s3;
	s6 =	simm.s32 @!p1 $0x1082;
	[sflag:s4] =	ssyncset.s32 $0xFFFFF086  }
0x25: {  	[simem:s6], [sflag:s4] =	dma.local [hbm:s3], $0xF7A  }
0x26: {  	[smem:$0x3F96] =	sst s1;
	(tag) =	ssettag s2;
	_ =	strace s9  }
0x27: {  	s1 =	sld [smem:$0x3FA6]  }
0x28: {  	s2 =	sld [smem:$0x3FA7]  }
0x29: {  	s4 =	sld [smem:$0x3FA9]  }
0x2a: {  	p0 =	seq.s32 s5, $0x0;
	s5 =	sld [smem:$0x3FAA]  }
0x2b: {  	s6 =	sld [smem:$0x3FAB]  }
0x2c: {  	s7 =	sld [smem:$0x3FAC]  }
0x2d: {  	s3 =	simm.s32 $0x108;
	s8 =	sld [smem:$0x3FAD]  }
0x2e: {  	s3 =	simm.s32 @!p0 $0x1082;
	s9 =	sld [smem:$0x3FAE]  }
0x2f: {  	lr =	sadd.s32 s0, s3;
	s0 =	sld [smem:$0x3FA5]  }
0x30: {  	s3 =	sld [smem:$0x3FA8]  }
0x31: {  	[smem:$0x3FB1] =	sst s10  }
0x32: {  	s10 =	sld [smem:$0x3FAF];
	_ =	sdelay $0x3  }
0x33: {  	p0 =	seq.s32 s10, $0x1;
	s10 =	sld [smem:$0x3FB1];
	_ =	sdelay $0x3  }
0x34: {  	[smem:$0x3FB1] =	sst s10  }
0x35: {  	s10 =	sld [smem:$0x3FB0];
	_ =	sdelay $0x3  }
0x36: {  	p1 =	seq.s32 s10, $0x1;
	s10 =	sld [smem:$0x3FB1];
	_ =	sdelay $0x3  }
0x37: {  	[smem:$0x3FB1] =	sst s10  }
0x38: {  	s10 =	sld [smem:$0x3FB2]  }
0x39: {  	_ = 	snop;
	(pc) =	sbr.ind lr, $3  }
0x3a: {  	_ = 	snop  }
0x3b: {  	_ = 	snop  }
0x3c: {  	p2 =	seq.s32 s10, $0x1;
	s10 =	sld [smem:$0x3FB1]  }
0x3d: {  	_ =	shalt  }
0x3e: {  	_ =	shalt  }
0x3f: {  	_ =	shalt  }
0x40: {  	_ =	shalt  }
0x41: {  	_ =	shalt  }
0x42: {  	_ =	shalt  }
0x43: {  	_ =	shalt  }
0x44: {  	_ =	shalt  }
0x45: {  	_ =	shalt  }
0x46: {  	_ =	shalt  }
0x47: {  	_ =	shalt  }
0x48: {  	_ =	shalt  }
0x49: {  	_ =	shalt  }
0x4a: {  	_ =	shalt  }
0x4b: {  	_ =	shalt  }
0x4c: {  	_ =	shalt  }
0x4d: {  	_ =	shalt  }
0x4e: {  	_ =	shalt  }
0x4f: {  	_ =	shalt  }
0x50: {  	_ =	shalt  }
0x51: {  	_ =	shalt  }
0x52: {  	_ =	shalt  }
0x53: {  	_ =	shalt  }
0x54: {  	_ =	shalt  }
0x55: {  	_ =	shalt  }
0x56: {  	_ =	shalt  }
0x57: {  	_ =	shalt  }
0x58: {  	_ =	shalt  }
0x59: {  	_ =	shalt  }
0x5a: {  	_ =	shalt  }
0x5b: {  	_ =	shalt  }
0x5c: {  	_ =	shalt  }
0x5d: {  	_ =	shalt  }
0x5e: {  	_ =	shalt  }
0x5f: {  	_ =	shalt  }
0x60: {  	_ =	shalt  }
0x61: {  	_ =	shalt  }
0x62: {  	_ =	shalt  }
0x63: {  	_ =	shalt  }
0x64: {  	_ =	shalt  }
0x65: {  	_ =	shalt  }
0x66: {  	_ =	shalt  }
0x67: {  	_ =	shalt  }
0x68: {  	_ =	shalt  }
0x69: {  	_ =	shalt  }
0x6a: {  	_ =	shalt  }
0x6b: {  	_ =	shalt  }
0x6c: {  	_ =	shalt  }
0x6d: {  	_ =	shalt  }
0x6e: {  	_ =	shalt  }
0x6f: {  	_ =	shalt  }
0x70: {  	_ =	shalt  }
0x71: {  	_ =	shalt  }
0x72: {  	_ =	shalt  }
0x73: {  	_ =	shalt  }
0x74: {  	_ =	shalt  }
0x75: {  	_ =	shalt  }
0x76: {  	_ =	shalt  }
0x77: {  	_ =	shalt  }
0x78: {  	_ =	shalt  }
0x79: {  	_ =	shalt  }
0x7a: {  	_ =	shalt  }
0x7b: {  	_ =	shalt  }
0x7c: {  	_ =	shalt  }
0x7d: {  	_ =	shalt  }
0x7e: {  	_ =	shalt  }
0x7f: {  	_ =	shalt  }
0x80: {  	_ =	shalt  }
0x81: {  	_ =	shalt  }
0x82: {  	_ =	shalt  }
0x83: {  	_ =	shalt  }
0x84: {  	_ =	shalt  }
0x85: {  	_ =	shalt  }
0x86: {  	_ =	shalt  }
0x87: {  	_ =	shalt  }
.Lfunc_end0:
.L_simem_size_0:
called_computation_lowered:
.L_overlay_start_0:
0x88: {  	s2 =	sld [smem:$0x3FD9]  }
0x89: {  	s3 =	sld [smem:$0x3FFE];
	_ =	sdelay $0x1  }
0x8a: {  	s1 =	srdreg.scid  }
0x8b: {  	s0 =	sand.u32 $0x1, s1  }
0x8c: {  	s17 =	sshll.u32 s0, $0xA;
	s2 =	sadd.s32 s3, s2  }
0x8d: {  	s2 =	sadd.s32 s2, s17  }
0x8e: {  	[smem:$0x3FBD] =	sst s2  }
0x8f: {  	_ = 	snop  }
0x90: {  	s2 =	sld [smem:$0x3FC9];
	(tm) =	ssettm $0x1  }
0x91: {  	s18 =	sld [smem:$0x3FFB];
	_ =	sdelay $0x3  }
0x92: {  	_ =	strace s18  }
0x93: {  	s3 =	sld [smem:$0x3FFC];
	_ =	sdelay $0x3  }
0x94: {  	_ =	strace s3  }
0x95: {  	s3 =	sld [smem:$0x3FFD];
	_ =	sdelay $0x3  }
0x96: {  	_ =	strace s3  }
0x97: {  	_ =	strace $0x8FFFFFFF  }
0x98: {  	s19 =	sld [smem:$0x3FDB];
	_ =	sdelay $0x1  }
0x99: {  	s4 =	simm.s32 $_scs_section_size  }
0x9a: {  	s5 =	simm.s32 $_size__tile_overlayer_lowered;
	s6 =	simm.s32 $_tile_overlayer_lowered  }
0x9b: {  	s22 =	simm.s32 $0x1BFF;
	s21 =	sshll.u32 s6, $0x1;
	s3 =	sadd.s32 s4, s19  }
0x9c: {  	s7 =	simm.s32 $0x0;
	s20 =	sshll.u32 s5, $0x1;
	s5 =	sadd.s32 s21, s3  }
0x9d: {  	[timem:s7], [sflag:s22] =	dma.local [hbm:s5], s20  }
0x9e: {  	_ =	swait.ge [sflag:s22], s20  }
0x9f: {  	s4 =	ssub.s32 $0x0, s20;
	[sflag:s22] =	ssyncset.done $0x0  }
0xa0: {  	[sflag:s22] =	ssyncadd.s32 s4;
	_ =	sdelay $0x1  }
0xa1: {  	s23 =	simm.s32 $0x1B8B  }
0xa2: {  	_ =	swait.ge [sflag:s23], $0x1  }
0xa3: {  	[sflag:s23] =	ssyncset.done $0x0  }
0xa4: {  	s25 =	simm.s32 $0x1B8E;
	s24 =	sld [smem:$0x3FFE];
	[sflag:s23] =	ssyncadd.s32 $0xFFFFFFFF  }
0xa5: {  	s26 =	simm.s32 $execute0_lowered;
	[smem:$0x3FD2] =	sst s25  }
0xa6: {  	s5 =	sshll.u32 s26, $0x1;
	_ =	strace $0x80000046;
	[dreg:$0x1] =	wrdreg $0xFFFFFFFF  }
0xa7: {  	s28 =	simm.s32 $_size_execute0_lowered;
	s3 =	sadd.s32 s3, s5;
	[dreg:$0x0] =	wrdreg $0x0  }
0xa8: {  	s5 =	sshll.u32 s28, $0x1;
	[dreg:$0x2] =	wrdreg s3  }
0xa9: {  	[dreg:$0x3] =	wrdreg s5  }
0xaa: {  	[dreg:$0x4] =	wrdreg $0xC0  }
0xab: {  	_ =	task [dreg:s7], $0x5FFFF  }
0xac: {  	[dreg:$0x1] =	wrdreg $0xFFFFFFFF  }
0xad: {  	[dreg:$0x0] =	wrdreg $0x60  }
0xae: {  	[dreg:$0x2] =	wrdreg s2  }
0xaf: {  	[dreg:$0x3] =	wrdreg s24  }
0xb0: {  	[dreg:$0x4] =	wrdreg $0xA4000  }
0xb1: {  	[dreg:$0x5] =	wrdreg $0x9  }
0xb2: {  	_ =	task.clear_ibuf [dreg:s7], $0x6FFFF;
	_ =	strace $0x90000046  }
0xb3: {  	s29 =	simm.s32 $0x9;
	_ =	strace $0x80000048  }
0xb4: {  	_ =	swait.ge [sflag:s29], $0x1  }
0xb5: {  	[sflag:s29] =	ssyncadd.s32 $0xFFFFFFFF  }
0xb6: {  	_ =	strace $0x90000048  }
0xb7: {  	_ =	sfence  }
0xb8: {  	s30 =	sld [smem:$0x0];
	_ =	sdelay $0x2  }
0xb9: {  	s31 =	sshll.u32 s1, $0xD;
	s1 =	sshrl.u32 s1, $0x2  }
0xba: {  	s3 =	sand.u32 $0x4000, s31;
	s1 =	sadd.s32 s1, s30  }
0xbb: {  	s0 =	sor.u32 s3, s0;
	s1 =	sshll.u32 s1, $0x11  }
0xbc: {  	s0 =	sor.u32 s1, s0  }
0xbd: {  	s0 =	sadd.s32 $0x8F2B, s0  }
0xbe: {  	[sflag:s0] =	ssyncadd.remote.s32 $0x1  }
0xbf: {  	_ =	sfence.sel $0xFFFF  }
0xc0: {  	[dreg:$0x0] =	wrdreg $0xFFFFFFFF;
	(pc) =	sbr.abs _section_cstart, $3  }
0xc1: {  	[dreg:$0x1] =	wrdreg $0xFFFFFFFF  }
0xc2: {  	_ =	task.clear_ibuf [dreg:s7], $0x2FFFF;
	_ =	strace $0x9FFFFFFF  }
0xc3: {  	(tm) =	ssettm $0x7FFFFFFF  }
tec
execute0_lowered:
.L_overlay_start_1:
0x0: {  	(tag) =	ssettag $0x1  }
0x1: {  	s2 =	srdreg.scid;
	s21 =	stileid.u32  }
0x2: {  	s2 =	sand.u32 $0x1, s2;
	s8 =	smul.u32 $0x500, s21  }
0x3: {  	s1 =	rddreg [dreg:$0x0];
	s7 =	sor.u32 $0x10, s21;
	s6 =	smul.u32 $0x27600, s2  }
0x4: {  	s0 =	rddreg [dreg:$0x1];
	s9 =	sor.u32 $0x20, s21;
	s10 =	smul.u32 $0x500, s7  }
0x5: {  	s3 =	rddreg [dreg:$0x2];
	s12 =	sor.u32 $0x30, s21;
	s13 =	smul.u32 $0x500, s9  }
0x6: {  	s4 =	simm.s32 $0x0;
	s15 =	sor.u32 $0x40, s21;
	s16 =	smul.u32 $0x500, s12  }
0x7: {  	[smem:$0x7FF] =	sst s4;
	s17 =	sor.u32 $0x50, s21;
	s25 =	smul.u32 $0x500, s15  }
0x8: {  	s18 =	sor.u32 $0x60, s21;
	s20 =	sor.u32 $0x70, s21;
	s19 =	smul.u32 $0x500, s17  }
0x9: {  	s5 =	sshll.u32 s2, $0x4;
	_ =	strace $0x80000047;
	s26 =	smul.u32 $0x500, s18  }
0xa: {  	s11 =	ssub.s32 $0x2, s2;
	s22 =	smul.u32 $0x500, s20;
	s6 =	sadd.s32 s6, s0  }
0xb: {  	s2 =	smul.u32 $0x27100, s2;
	p0 =	sgt.u32 s20, $0x7D;
	s6 =	sadd.s32 $0x16400, s6  }
0xc: {  	p1 =	sgt.u32 s20, $0x7C;
	s5 =	sor.u32 s21, s5;
	s8 =	sadd.s32 s6, s8  }
0xd: {  	s14 =	sshrl.u32 s11, $0x1;
	s10 =	sadd.s32 s6, s10;
	[dreg:$0x4] =	wrdreg s8  }
0xe: {  	s5 =	smul.u32 $0x2710, s5;
	s13 =	sadd.s32 s6, s13;
	[dreg:$0x5] =	wrdreg s10  }
0xf: {  	s11 =	ssub.s32 s11, s14;
	s23 =	sadd.s32 s6, s16;
	[dreg:$0x6] =	wrdreg s13  }
0x10: {  	s14 =	sadd.s32 $0xC600, s0;
	s24 =	sadd.s32 s6, s25;
	[dreg:$0x7] =	wrdreg s23  }
0x11: {  	s25 =	sadd.s32 s6, s19;
	s5 =	sshrl.u32 s5, $0x3;
	[dreg:$0x8] =	wrdreg s24  }
0x12: {  	s16 =	smul.u32 $0xA000, s7;
	[dreg:$0x9] =	wrdreg s25;
	s8 =	sadd.s32 s6, s26  }
0x13: {  	s26 =	smul.u32 $0x2710, s21;
	s6 =	sadd.s32 s6, s22;
	s13 =	sadd.s32 $0x2800, s0  }
0x14: {  	s19 =	sadd.s32 s14, s5;
	s23 =	smul.u32 $0xA000, s9;
	[dreg:$0xa] =	wrdreg s8  }
0x15: {  	s22 =	sadd.s32 $0xA, s5;
	s9 =	smul.u32 $0xA000, s12;
	[dreg:$0xb] =	wrdreg s6  }
0x16: {  	s10 =	sadd.s32 s13, s5;
	[dreg:$0xd] =	wrdreg s19;
	s5 =	sadd.s32 $0x14, s5  }
0x17: {  	s24 =	sadd.s32 s13, s22;
	s8 =	smax.u32 s11, $0x1;
	s0 =	sshrl.u32 s16, $0x2  }
0x18: {  	s11 =	smul.u32 $0xA000, s17;
	s6 =	sadd.s32 s26, s2;
	[dreg:$0xc] =	wrdreg s10  }
0x19: {  	[dreg:$0xe] =	wrdreg s24;
	s2 =	sadd.s32 s14, s22;
	s25 =	sadd.s32 s13, s5  }
0x1a: {  	s26 =	smul.u32 $0xA000, s21;
	s5 =	sadd.s32 s14, s5;
	[dreg:$0x12] =	wrdreg s8  }
0x1b: {  	s10 =	smul.u32 $0xA000, s15;
	s28 =	sadd.s32 s0, s3;
	[dreg:$0xf] =	wrdreg s2  }
0x1c: {  	s12 =	sshrl.u32 s23, $0x2;
	s15 =	smul.u32 $0xA000, s18;
	[dreg:$0x10] =	wrdreg s25  }
0x1d: {  	s18 =	smul.u32 $0xA000, s20;
	[dreg:$0x11] =	wrdreg s5;
	s5 =	sshrl.u32 s9, $0x2  }
0x1e: {  	s29 =	sadd.s32 s12, s3;
	s0 =	sshrl.u32 s11, $0x2;
	s22 =	sadd.s32 $0x1E0, s6  }
0x1f: {  	s24 =	sadd.s32 $0x190, s6;
	s25 =	sadd.s32 $0xF0, s6;
	s6 =	sadd.s32 $0x140, s6  }
0x20: {  	s9 =	simm.s32 $0x400;
	s11 =	simm.s32 $0x200;
	s12 =	simm.s32 $0x5  }
0x21: {  	[dreg:$0x14] =	wrdreg s28;
	s2 =	sshrl.u32 s26, $0x2;
	s30 =	sadd.s32 s5, s3  }
0x22: {  	s16 =	sshrl.u32 s10, $0x2;
	s17 =	sshrl.u32 s15, $0x2;
	s20 =	sadd.s32 s0, s3  }
0x23: {  	s23 =	sshrl.u32 s18, $0x2;
	s0 =	sshrl.u32 s22, $0x3;
	s5 =	sshrl.u32 s24, $0x3  }
0x24: {  	[dreg:$0x1b] =	wrdreg s6;
	s26 =	sshrl.u32 s25, $0x3;
	s10 =	simm.s32 $0xD  }
0x25: {  	s18 =	simm.s32 $0x1;
	s6 =	simm.s32 $0x9;
	s22 =	simm.s32 $0xE  }
0x26: {  	s24 =	simm.s32 $0x5400;
	s25 =	simm.s32 $0x6;
	[dreg:$0x15] =	wrdreg s29  }
0x27: {  	s21 =	sadd.s32 s2, s3;
	s2 =	sadd.s32 s16, s3;
	s19 =	sadd.s32 s17, s3  }
0x28: {  	s31 =	sadd.s32 s0, s14;
	s0 =	sadd.s32 s0, s13;
	[dreg:$0x16] =	wrdreg s30  }
.Ltmp0:
0x29: {  	s7 =	sadd.s32 s26, s14;
	[dreg:$0x18] =	wrdreg s20;
	(pc) =	sbr.rel .LBB2_1-.Ltmp0, $4  }
0x2a: {  	s8 =	sadd.s32 s26, s13;
	s26 =	simm.s32 $0x7;
	[dreg:$0x17] =	wrdreg s2  }
0x2b: {  	s17 =	simm.s32 $0x0;
	[dreg:$0x19] =	wrdreg s19;
	s2 =	sadd.s32 s23, s3  }
0x2c: {  	s19 =	simm.s32 $0x50;
	s23 =	simm.s32 $0x3;
	[dreg:$0x13] =	wrdreg s21  }
0x2d: {  	v0 =	vimm.f32 $0.0e+00;
	[dreg:$0x1a] =	wrdreg s2;
	s2 =	sadd.s32 s5, s14;
	s5 =	sadd.s32 s5, s13  }
.LBB2_7:
0x2e: {  	_ =	swait.ge [sflag:s6], $0x2800  }
0x2f: {  	[sflag:s6] =	ssyncset.done $0x0  }
0x30: {  	s15 =	simm.s32 $0xA;
	[sflag:s6] =	ssyncadd.s32 $0xFFFFD800  }
0x31: {  	_ =	swait.ge [sflag:s15], $0x2800  }
0x32: {  	[sflag:s15] =	ssyncset.done $0x0  }
0x33: {  	s21 =	simm.s32 $0xB;
	[sflag:s15] =	ssyncadd.s32 $0xFFFFD800  }
0x34: {  	_ =	swait.ge [sflag:s21], $0x2800  }
0x35: {  	[sflag:s21] =	ssyncset.done $0x0  }
0x36: {  	s16 =	simm.s32 $0xC;
	[sflag:s21] =	ssyncadd.s32 $0xFFFFD800  }
0x37: {  	_ =	swait.ge [sflag:s16], $0x2800  }
0x38: {  	[sflag:s16] =	ssyncset.done $0x0  }
0x39: {  	[sflag:s16] =	ssyncadd.s32 $0xFFFFD800  }
0x3a: {  	[bflag:$0x0] =	sbarrier.arrive $0xFFFF  }
0x3b: {  	s21 =	rddreg [dreg:$0x13]  }
0x3c: {  	[tilespmem:s9], [sflag:$0xE] =	stream.linear.gather [spmem:s21], $0x2800, $0x38;
	[tilespmem:$0x1DF00] =	vst v63  }
0x3d: {  	_ =	swait.ge [sflag:s22], $0x2800  }
0x3e: {  	[sflag:s22] =	ssyncset.done $0x0  }
0x3f: {  	s17 =	rddreg [dreg:$0x4];
	[sflag:s22] =	ssyncadd.s32 $0xFFFFD800  }
0x40: {  	[hbm4b:s17+s4] =	stream.linear.scatter [tilespmem:s9], [sflag:$0xD], $0x2800, $0x38;
	[tilespmem:$0x1DF00] =	vst v63  }
0x41: {  	_ =	swait.ge [sflag:s10], $0x2800  }
0x42: {  	[sflag:s10] =	ssyncset.done $0x0  }
0x43: {  	s28 =	rddreg [dreg:$0x14];
	[sflag:s10] =	ssyncadd.s32 $0xFFFFD800  }
0x44: {  	[tilespmem:s9], [sflag:$0xE] =	stream.linear.gather [spmem:s28], $0x2800, $0x38;
	[tilespmem:$0x1DF00] =	vst v63  }
0x45: {  	_ =	swait.ge [sflag:s22], $0x2800  }
0x46: {  	[sflag:s22] =	ssyncset.done $0x0  }
0x47: {  	s20 =	rddreg [dreg:$0x5];
	[sflag:s22] =	ssyncadd.s32 $0xFFFFD800  }
0x48: {  	[hbm4b:s20+s4] =	stream.linear.scatter [tilespmem:s9], [sflag:$0xD], $0x2800, $0x38;
	[tilespmem:$0x1DF00] =	vst v63  }
0x49: {  	_ =	swait.ge [sflag:s10], $0x2800  }
0x4a: {  	[sflag:s10] =	ssyncset.done $0x0  }
0x4b: {  	s29 =	rddreg [dreg:$0x15];
	[sflag:s10] =	ssyncadd.s32 $0xFFFFD800  }
0x4c: {  	[tilespmem:s9], [sflag:$0xE] =	stream.linear.gather [spmem:s29], $0x2800, $0x38;
	[tilespmem:$0x1DF00] =	vst v63  }
0x4d: {  	_ =	swait.ge [sflag:s22], $0x2800  }
0x4e: {  	[sflag:s22] =	ssyncset.done $0x0  }
0x4f: {  	s16 =	rddreg [dreg:$0x6];
	[sflag:s22] =	ssyncadd.s32 $0xFFFFD800  }
0x50: {  	[hbm4b:s16+s4] =	stream.linear.scatter [tilespmem:s9], [sflag:$0xD], $0x2800, $0x38;
	[tilespmem:$0x1DF00] =	vst v63  }
0x51: {  	_ =	swait.ge [sflag:s10], $0x2800  }
0x52: {  	[sflag:s10] =	ssyncset.done $0x0  }
0x53: {  	s30 =	rddreg [dreg:$0x16];
	[sflag:s10] =	ssyncadd.s32 $0xFFFFD800  }
0x54: {  	[tilespmem:s9], [sflag:$0xE] =	stream.linear.gather [spmem:s30], $0x2800, $0x38;
	[tilespmem:$0x1DF00] =	vst v63  }
0x55: {  	_ =	swait.ge [sflag:s22], $0x2800  }
0x56: {  	[sflag:s22] =	ssyncset.done $0x0  }
0x57: {  	s17 =	rddreg [dreg:$0x7];
	[sflag:s22] =	ssyncadd.s32 $0xFFFFD800  }
0x58: {  	[hbm4b:s17+s4] =	stream.linear.scatter [tilespmem:s9], [sflag:$0xD], $0x2800, $0x38;
	[tilespmem:$0x1DF00] =	vst v63  }
0x59: {  	_ =	swait.ge [sflag:s10], $0x2800  }
0x5a: {  	[sflag:s10] =	ssyncset.done $0x0  }
0x5b: {  	s20 =	rddreg [dreg:$0x17];
	[sflag:s10] =	ssyncadd.s32 $0xFFFFD800  }
0x5c: {  	[tilespmem:s9], [sflag:$0xE] =	stream.linear.gather [spmem:s20], $0x2800, $0x38;
	[tilespmem:$0x1DF00] =	vst v63  }
0x5d: {  	_ =	swait.ge [sflag:s22], $0x2800  }
0x5e: {  	[sflag:s22] =	ssyncset.done $0x0  }
0x5f: {  	s16 =	rddreg [dreg:$0x8];
	[sflag:s22] =	ssyncadd.s32 $0xFFFFD800  }
0x60: {  	[hbm4b:s16+s4] =	stream.linear.scatter [tilespmem:s9], [sflag:$0xD], $0x2800, $0x38;
	[tilespmem:$0x1DF00] =	vst v63  }
0x61: {  	_ =	swait.ge [sflag:s10], $0x2800  }
0x62: {  	[sflag:s10] =	ssyncset.done $0x0  }
0x63: {  	s20 =	rddreg [dreg:$0x18];
	[sflag:s10] =	ssyncadd.s32 $0xFFFFD800  }
0x64: {  	[tilespmem:s9], [sflag:$0xE] =	stream.linear.gather [spmem:s20], $0x2800, $0x38;
	[tilespmem:$0x1DF00] =	vst v63  }
0x65: {  	_ =	swait.ge [sflag:s22], $0x2800  }
0x66: {  	[sflag:s22] =	ssyncset.done $0x0  }
0x67: {  	s17 =	rddreg [dreg:$0x9];
	[sflag:s22] =	ssyncadd.s32 $0xFFFFD800  }
0x68: {  	[hbm4b:s17+s4] =	stream.linear.scatter [tilespmem:s9], [sflag:$0xD], $0x2800, $0x38;
	[tilespmem:$0x1DF00] =	vst v63  }
0x69: {  	_ =	swait.ge [sflag:s10], $0x2800  }
0x6a: {  	[sflag:s10] =	ssyncset.done $0x0  }
0x6b: {  	s16 =	rddreg [dreg:$0x19];
	[sflag:s10] =	ssyncadd.s32 $0xFFFFD800  }
0x6c: {  	[tilespmem:s9], [sflag:$0xE] =	stream.linear.gather [spmem:s16], $0x2800, $0x38;
	[tilespmem:$0x1DF00] =	vst v63  }
0x6d: {  	_ =	swait.ge [sflag:s22], $0x2800  }
0x6e: {  	[sflag:s22] =	ssyncset.done $0x0  }
0x6f: {  	s17 =	rddreg [dreg:$0xa];
	[sflag:s22] =	ssyncadd.s32 $0xFFFFD800  }
0x70: {  	[hbm4b:s17+s4] =	stream.linear.scatter [tilespmem:s9], [sflag:$0xD], $0x2800, $0x38;
	[tilespmem:$0x1DF00] =	vst v63  }
0x71: {  	_ =	swait.ge [sflag:s10], $0x2800  }
0x72: {  	[sflag:s10] =	ssyncset.done $0x0  }
0x73: {  	s15 =	simm.s32 @!p1 $0x400;
	s16 =	rddreg [dreg:$0x1a];
	[sflag:s10] =	ssyncadd.s32 $0xFFFFD800  }
0x74: {  	[tilespmem:s15], [sflag:$0xE] =	stream.linear.gather @!p1 [spmem:s16], $0x2800, $0x38;
	[tilespmem:$0x1DF00] =	vst v63  }
0x75: {  	s16 =	simm.s32 @!p1 $0xE  }
0x76: {  	_ =	swait.ge @!p1 [sflag:s16], $0x2800  }
0x77: {  	[sflag:s16] =	ssyncset.done @!p1 $0x0  }
0x78: {  	s17 =	rddreg [dreg:$0xb];
	[sflag:s16] =	ssyncadd.s32 @!p1 $0xFFFFD800;
	s16 =	simm.s32 @!p1 $0x0  }
0x79: {  	[hbm4b:s17+s16] =	stream.linear.scatter @!p1 [tilespmem:s15], [sflag:$0xD], $0x2800, $0x38;
	[tilespmem:$0x1DF00] =	vst v63  }
0x7a: {  	s15 =	simm.s32 @!p1 $0xD  }
0x7b: {  	_ =	swait.ge @!p1 [sflag:s15], $0x2800  }
0x7c: {  	s16 =	rddreg [dreg:$0x1c]  }
0x7d: {  	s17 =	sadd.s32 $0x1, s16;
	s16 =	rddreg [dreg:$0x12]  }
0x7e: {  	p2 =	sne.s32 s17, s16  }
.Ltmp1:
0x7f: {  	_ = 	snop;
	(pc) =	sbr.rel @!p2 .LBB2_8-.Ltmp1, $3  }
0x80: {  	_ =	sdelay $0x1  }
0x81: {  	[sflag:s15] =	ssyncset.done @!p1 $0x0  }
0x82: {  	[sflag:s15] =	ssyncadd.s32 @!p1 $0xFFFFD800  }
.LBB2_1:
0x83: {  	[dreg:$0x1c] =	wrdreg s17;
	s15 =	simm.s32 $0x0;
	s16 =	simm.s32 $0x200  }
.LBB2_2:
0x84: {  	p2 =	sne.s32 s16, $0x9E00;
	[tilespmem:s15+$0x470] =	vst v0  }
0x85: {  	[tilespmem:s15+$0x400] =	vst v0  }
0x86: {  	[tilespmem:s15+$0x410] =	vst v0  }
.Ltmp2:
0x87: {  	[tilespmem:s15+$0x420] =	vst v0;
	(pc) =	sbr.rel @p2 .LBB2_2-.Ltmp2, $4  }
0x88: {  	[tilespmem:s15+$0x430] =	vst v0  }
0x89: {  	[tilespmem:s15+$0x440] =	vst v0  }
0x8a: {  	[tilespmem:s15+$0x450] =	vst v0  }
0x8b: {  	[tilespmem:s15+$0x460] =	vst v0;
	s15 =	sshra.s32 s16, $0x2;
	s16 =	sadd.s32 $0x200, s16  }
0x8c: {  	[tilespmem:s15+$0x470] =	vst v0  }
0x8d: {  	[tilespmem:s15+$0x400] =	vst v0  }
0x8e: {  	[tilespmem:s15+$0x410] =	vst v0  }
0x8f: {  	[tilespmem:s15+$0x420] =	vst v0  }
0x90: {  	[tilespmem:s15+$0x430] =	vst v0  }
0x91: {  	[tilespmem:s15+$0x440] =	vst v0  }
0x92: {  	[tilespmem:s15+$0x450] =	vst v0  }
0x93: {  	[tilespmem:s15+$0x460] =	vst v0  }
0x94: {  	[spmem:s21] =	stream.linear.scatter [tilespmem:s9], [sflag:$0xD], $0x2800, $0x38;
	[tilespmem:$0x1DF00] =	vst v63  }
0x95: {  	_ =	swait.ge [sflag:s10], $0x2800  }
0x96: {  	[sflag:s10] =	ssyncset.done $0x0  }
0x97: {  	[sflag:s10] =	ssyncadd.s32 $0xFFFFD800  }
0x98: {  	[spmem:s28] =	stream.linear.scatter [tilespmem:s9], [sflag:$0xD], $0x2800, $0x38;
	[tilespmem:$0x1DF00] =	vst v63  }
0x99: {  	_ =	swait.ge [sflag:s10], $0x2800  }
0x9a: {  	[sflag:s10] =	ssyncset.done $0x0  }
0x9b: {  	[sflag:s10] =	ssyncadd.s32 $0xFFFFD800  }
0x9c: {  	[spmem:s29] =	stream.linear.scatter [tilespmem:s9], [sflag:$0xD], $0x2800, $0x38;
	[tilespmem:$0x1DF00] =	vst v63  }
0x9d: {  	_ =	swait.ge [sflag:s10], $0x2800  }
0x9e: {  	[sflag:s10] =	ssyncset.done $0x0  }
0x9f: {  	[sflag:s10] =	ssyncadd.s32 $0xFFFFD800  }
0xa0: {  	[spmem:s30] =	stream.linear.scatter [tilespmem:s9], [sflag:$0xD], $0x2800, $0x38;
	[tilespmem:$0x1DF00] =	vst v63  }
0xa1: {  	_ =	swait.ge [sflag:s10], $0x2800  }
0xa2: {  	[sflag:s10] =	ssyncset.done $0x0  }
0xa3: {  	s17 =	rddreg [dreg:$0x17];
	[sflag:s10] =	ssyncadd.s32 $0xFFFFD800  }
0xa4: {  	[spmem:s17] =	stream.linear.scatter [tilespmem:s9], [sflag:$0xD], $0x2800, $0x38;
	[tilespmem:$0x1DF00] =	vst v63  }
0xa5: {  	_ =	swait.ge [sflag:s10], $0x2800  }
0xa6: {  	[sflag:s10] =	ssyncset.done $0x0  }
0xa7: {  	[sflag:s10] =	ssyncadd.s32 $0xFFFFD800  }
0xa8: {  	[spmem:s20] =	stream.linear.scatter [tilespmem:s9], [sflag:$0xD], $0x2800, $0x38;
	[tilespmem:$0x1DF00] =	vst v63  }
0xa9: {  	_ =	swait.ge [sflag:s10], $0x2800  }
0xaa: {  	[sflag:s10] =	ssyncset.done $0x0  }
0xab: {  	s21 =	rddreg [dreg:$0x19];
	[sflag:s10] =	ssyncadd.s32 $0xFFFFD800  }
0xac: {  	[spmem:s21] =	stream.linear.scatter [tilespmem:s9], [sflag:$0xD], $0x2800, $0x38;
	[tilespmem:$0x1DF00] =	vst v63  }
0xad: {  	_ =	swait.ge [sflag:s10], $0x2800  }
0xae: {  	[sflag:s10] =	ssyncset.done $0x0  }
0xaf: {  	s15 =	simm.s32 @!p0 $0x400;
	s16 =	rddreg [dreg:$0x1a];
	[sflag:s10] =	ssyncadd.s32 $0xFFFFD800  }
0xb0: {  	[spmem:s16] =	stream.linear.scatter @!p0 [tilespmem:s15], [sflag:$0xD], $0x2800, $0x38;
	[tilespmem:$0x1DF00] =	vst v63  }
0xb1: {  	s15 =	simm.s32 @!p0 $0xD  }
0xb2: {  	_ =	swait.ge @!p0 [sflag:s15], $0x2800  }
0xb3: {  	[sflag:s15] =	ssyncset.done @!p0 $0x0  }
0xb4: {  	[sflag:s15] =	ssyncadd.s32 @!p0 $0xFFFFD800  }
0xb5: {  	[bflag:$0x0] =	sbarrier.arrive $0xFFFF  }
0xb6: {  	s29 =	simm.s32 $0x0;
	s16 =	rddreg [dreg:$0xc]  }
0xb7: {  	[tilespmem:s29], [sflag:$0x1] =	stream.linear.gather [hbm4b:s16+s29], $0x50, $0x38;
	[tilespmem:$0x1DF00] =	vst v63  }
0xb8: {  	s17 =	rddreg [dreg:$0xd]  }
0xb9: {  	[tilespmem:s11], [sflag:$0x1] =	stream.linear.gather [hbm4b:s17+s29], $0x50, $0x38;
	[tilespmem:$0x1DF00] =	vst v63  }
0xba: {  	s20 =	rddreg [dreg:$0xe];
	s16 =	simm.s32 $0x80  }
0xbb: {  	[tilespmem:s16], [sflag:$0x2] =	stream.linear.gather [hbm4b:s20+s29], $0x50, $0x38;
	[tilespmem:$0x1DF00] =	vst v63  }
0xbc: {  	s21 =	rddreg [dreg:$0xf];
	s17 =	simm.s32 $0x280  }
0xbd: {  	[tilespmem:s17], [sflag:$0x2] =	stream.linear.gather [hbm4b:s21+s29], $0x50, $0x38;
	[tilespmem:$0x1DF00] =	vst v63  }
0xbe: {  	s20 =	rddreg [dreg:$0x10];
	s21 =	simm.s32 $0x100  }
0xbf: {  	[tilespmem:s21], [sflag:$0x3] =	stream.linear.gather [hbm4b:s20+s29], $0x50, $0x38;
	[tilespmem:$0x1DF00] =	vst v63  }
0xc0: {  	s20 =	rddreg [dreg:$0x11];
	s21 =	simm.s32 $0x300  }
0xc1: {  	[tilespmem:s21], [sflag:$0x3] =	stream.linear.gather [hbm4b:s20+s29], $0x50, $0x38;
	[tilespmem:$0x1DF00] =	vst v63  }
0xc2: {  	_ =	swait.ge [sflag:s18], $0x50  }
0xc3: {  	[sflag:s18] =	ssyncset.done $0x0  }
0xc4: {  	[sflag:s18] =	ssyncadd.s32 $0xFFFFFFB0  }
0xc5: {  	_ =	swait.ge [sflag:s18], $0x50  }
0xc6: {  	[sflag:s18] =	ssyncset.done $0x0  }
0xc7: {  	s20 =	simm.s32 $0x2;
	[sflag:s18] =	ssyncadd.s32 $0xFFFFFFB0  }
0xc8: {  	[tilespmem:s9], [sflag:$0x5] =	stream.indirect.gather [hbm4b:s1+s19], $0x80, s29, s19, $0xb8;
	[tilespmem:$0x1DF00] =	vst v63  }
0xc9: {  	_ =	swait.ge [sflag:s20], $0x50  }
0xca: {  	[sflag:s20] =	ssyncset.done $0x0  }
.Ltmp3:
0xcb: {  	[sflag:s20] =	ssyncadd.s32 $0xFFFFFFB0;
	(pc) =	sbr.rel .LBB2_4-.Ltmp3, $4  }
0xcc: {  	_ =	swait.ge [sflag:s20], $0x50  }
0xcd: {  	s28 =	simm.s32 $0x0;
	s30 =	simm.s32 $0x3;
	[sflag:s20] =	ssyncset.done $0x0  }
0xce: {  	s21 =	simm.s32 $0x2C00;
	[sflag:s20] =	ssyncadd.s32 $0xFFFFFFB0;
	s20 =	rddreg [dreg:$0x1b]  }
0xcf: {  	[tilespmem:s21], [sflag:$0x6] =	stream.indirect.gather [hbm4b:s1+s19], $0x80, s16, s19, $0xb8;
	[tilespmem:$0x1DF00] =	vst v63  }
.LBB2_6:
0xd0: {  	s16 =	simm.s32 @!p2 $0x8  }
0xd1: {  	_ =	swait.ge @!p2 [sflag:s16], $0x2800  }
0xd2: {  	s17 =	simm.s32 @!p2 $0x7C00;
	[sflag:s16] =	ssyncset.done @!p2 $0x0  }
0xd3: {  	p3 =	sgt.u32 @!p2 s28, $0x1D;
	[sflag:s16] =	ssyncadd.s32 @!p2 $0xFFFFD800;
	s16 =	simm.s32 @!p2 $0x50  }
0xd4: {  	[spmem:s3] =	stream.indirect.scatter.add.f32 @!p2 [tilespmem:s17], [sflag:$0xC], $0x80, s15, s16, $0xb8;
	[tilespmem:$0x1DF00] =	vst v63  }
0xd5: {  	p2 =	por p3, p2  }
0xd6: {  	s15 =	simm.s32 @!p2 $0xB  }
0xd7: {  	_ =	swait.ge @!p2 [sflag:s15], $0x2800  }
0xd8: {  	s16 =	simm.s32 @!p2 $0x0;
	[sflag:s15] =	ssyncset.done @!p2 $0x0  }
0xd9: {  	s17 =	simm.s32 @!p2 $0x100;
	[sflag:s15] =	ssyncadd.s32 @!p2 $0xFFFFD800;
	s15 =	sadd.s32 @!p2 s29, s0  }
0xda: {  	[tilespmem:s17], [sflag:$0x3] =	stream.linear.gather @!p2 [hbm4b:s15+s16], $0x50, $0x38;
	[tilespmem:$0x1DF00] =	vst v63  }
0xdb: {  	s15 =	sadd.s32 @!p2 s29, s31;
	s17 =	simm.s32 @!p2 $0x300  }
0xdc: {  	[tilespmem:s17], [sflag:$0x3] =	stream.linear.gather @!p2 [hbm4b:s15+s16], $0x50, $0x38;
	[tilespmem:$0x1DF00] =	vst v63  }
0xdd: {  	s15 =	simm.s32 @!p2 $0x2  }
0xde: {  	_ =	swait.ge @!p2 [sflag:s15], $0x50  }
0xdf: {  	[sflag:s15] =	ssyncset.done @!p2 $0x0  }
0xe0: {  	[sflag:s15] =	ssyncadd.s32 @!p2 $0xFFFFFFB0  }
0xe1: {  	_ =	swait.ge @!p2 [sflag:s15], $0x50  }
0xe2: {  	s29 =	sadd.s32 $0x28, s29;
	s16 =	simm.s32 @!p2 $0x80;
	[sflag:s15] =	ssyncset.done @!p2 $0x0  }
0xe3: {  	s17 =	simm.s32 @!p2 $0x2C00;
	[sflag:s15] =	ssyncadd.s32 @!p2 $0xFFFFFFB0;
	s15 =	simm.s32 @!p2 $0x50  }
0xe4: {  	[tilespmem:s17], [sflag:$0x6] =	stream.indirect.gather @!p2 [hbm4b:s1+s15], $0x80, s16, s15, $0xb8;
	[tilespmem:$0x1DF00] =	vst v63  }
0xe5: {  	p2 =	sne.s32 s29, $0x500  }
.Ltmp4:
0xe6: {  	_ = 	snop;
	(pc) =	sbr.rel @!p2 .LBB2_7-.Ltmp4, $2  }
0xe7: {  	_ =	sdelay $0x2  }
0xe8: {  	s28 =	sadd.s32 $0x1, s28;
	s20 =	sadd.s32 $0x140, s20;
	s30 =	sadd.s32 $0x4, s30  }
.LBB2_4:
0xe9: {  	_ =	swait.ge [sflag:s12], $0x2800;
	p2 =	sgt.u32 s30, $0x7C  }
0xea: {  	[sflag:s12] =	ssyncset.done $0x0;
	p3 =	seq.s32 @!p2 s29, $0x0  }
0xeb: {  	[sflag:s12] =	ssyncadd.s32 $0xFFFFD800;
	p3 =	por p3, p2  }
0xec: {  	[spmem:s3] =	stream.indirect.scatter.add.f32 [tilespmem:s9], [sflag:$0x9], $0x80, s11, s19, $0xb8;
	[tilespmem:$0x1DF00] =	vst v63  }
0xed: {  	s15 =	simm.s32 @!p3 $0xC  }
0xee: {  	_ =	swait.ge @!p3 [sflag:s15], $0x2800  }
0xef: {  	[sflag:s15] =	ssyncset.done @!p3 $0x0  }
0xf0: {  	[sflag:s15] =	ssyncadd.s32 @!p3 $0xFFFFD800;
	p3 =	seq.s32 s29, $0x4D8  }
.Ltmp5:
0xf1: {  	_ = 	snop;
	(pc) =	sbr.rel @p3 .LBB2_6-.Ltmp5, $4  }
0xf2: {  	s17 =	simm.s32 @!p2 $0x0;
	s16 =	simm.s32 @!p2 $0x180;
	s15 =	sadd.s32 @!p2 s29, s8  }
0xf3: {  	[tilespmem:s16], [sflag:$0x4] =	stream.linear.gather @!p2 [hbm4b:s15+s17], $0x50, $0x38;
	[tilespmem:$0x1DF00] =	vst v63  }
0xf4: {  	s21 =	sadd.s32 @!p2 s29, s7;
	s15 =	simm.s32 @!p2 $0x380  }
0xf5: {  	[tilespmem:s15], [sflag:$0x4] =	stream.linear.gather @!p2 [hbm4b:s21+s17], $0x50, $0x38;
	[tilespmem:$0x1DF00] =	vst v63  }
0xf6: {  	_ =	swait.ge [sflag:s23], $0x50  }
0xf7: {  	[sflag:s23] =	ssyncset.done $0x0  }
0xf8: {  	[sflag:s23] =	ssyncadd.s32 $0xFFFFFFB0  }
0xf9: {  	_ =	swait.ge [sflag:s23], $0x50  }
0xfa: {  	[sflag:s23] =	ssyncset.done $0x0  }
0xfb: {  	s17 =	simm.s32 $0x100;
	[sflag:s23] =	ssyncadd.s32 $0xFFFFFFB0  }
0xfc: {  	[tilespmem:s24], [sflag:$0x7] =	stream.indirect.gather [hbm4b:s1+s19], $0x80, s17, s19, $0xb8;
	[tilespmem:$0x1DF00] =	vst v63  }
0xfd: {  	_ =	swait.ge [sflag:s25], $0x2800  }
0xfe: {  	[sflag:s25] =	ssyncset.done $0x0  }
0xff: {  	s21 =	simm.s32 $0x2C00;
	s17 =	simm.s32 $0x280;
	[sflag:s25] =	ssyncadd.s32 $0xFFFFD800  }
0x100: {  	[spmem:s3] =	stream.indirect.scatter.add.f32 [tilespmem:s21], [sflag:$0xA], $0x80, s17, s19, $0xb8;
	[tilespmem:$0x1DF00] =	vst v63  }
0x101: {  	_ =	swait.ge [sflag:s6], $0x2800  }
0x102: {  	s17 =	sshrl.u32 s20, $0x3;
	[sflag:s6] =	ssyncset.done $0x0  }
0x103: {  	s21 =	sadd.s32 s13, s17;
	[sflag:s6] =	ssyncadd.s32 $0xFFFFD800  }
0x104: {  	[tilespmem:s4], [sflag:$0x1] =	stream.linear.gather [hbm4b:s21+s4], $0x50, $0x38;
	[tilespmem:$0x1DF00] =	vst v63  }
0x105: {  	s17 =	sadd.s32 s14, s17  }
0x106: {  	[tilespmem:s11], [sflag:$0x1] =	stream.linear.gather [hbm4b:s17+s4], $0x50, $0x38;
	[tilespmem:$0x1DF00] =	vst v63  }
0x107: {  	s17 =	simm.s32 @!p2 $0x4  }
0x108: {  	_ =	swait.ge @!p2 [sflag:s17], $0x50  }
0x109: {  	[sflag:s17] =	ssyncset.done @!p2 $0x0  }
0x10a: {  	[sflag:s17] =	ssyncadd.s32 @!p2 $0xFFFFFFB0  }
0x10b: {  	_ =	swait.ge @!p2 [sflag:s17], $0x50  }
0x10c: {  	[sflag:s17] =	ssyncset.done @!p2 $0x0  }
0x10d: {  	s21 =	simm.s32 @!p2 $0x7C00;
	[sflag:s17] =	ssyncadd.s32 @!p2 $0xFFFFFFB0;
	s17 =	simm.s32 @!p2 $0x50  }
0x10e: {  	[tilespmem:s21], [sflag:$0x8] =	stream.indirect.gather @!p2 [hbm4b:s1+s17], $0x80, s16, s17, $0xb8;
	[tilespmem:$0x1DF00] =	vst v63  }
0x10f: {  	_ =	swait.ge [sflag:s26], $0x2800  }
0x110: {  	p3 =	seq.s32 s29, $0x4B0;
	[sflag:s26] =	ssyncset.done $0x0  }
0x111: {  	s21 =	simm.s32 $0x300;
	s16 =	simm.s32 @!p3 $0xA;
	[sflag:s26] =	ssyncadd.s32 $0xFFFFD800  }
0x112: {  	[spmem:s3] =	stream.indirect.scatter.add.f32 [tilespmem:s24], [sflag:$0xB], $0x80, s21, s19, $0xb8;
	[tilespmem:$0x1DF00] =	vst v63  }
0x113: {  	_ =	swait.ge @!p3 [sflag:s16], $0x2800  }
0x114: {  	s17 =	simm.s32 @!p3 $0x0;
	[sflag:s16] =	ssyncset.done @!p3 $0x0  }
0x115: {  	s21 =	simm.s32 @!p3 $0x80;
	[sflag:s16] =	ssyncadd.s32 @!p3 $0xFFFFD800;
	s16 =	sadd.s32 @!p3 s29, s5  }
0x116: {  	[tilespmem:s21], [sflag:$0x2] =	stream.linear.gather @!p3 [hbm4b:s16+s17], $0x50, $0x38;
	[tilespmem:$0x1DF00] =	vst v63  }
0x117: {  	s16 =	sadd.s32 @!p3 s29, s2;
	s21 =	simm.s32 @!p3 $0x280  }
0x118: {  	[tilespmem:s21], [sflag:$0x2] =	stream.linear.gather @!p3 [hbm4b:s16+s17], $0x50, $0x38;
	[tilespmem:$0x1DF00] =	vst v63  }
0x119: {  	_ =	swait.ge [sflag:s18], $0x50  }
0x11a: {  	[sflag:s18] =	ssyncset.done $0x0  }
.Ltmp6:
0x11b: {  	[sflag:s18] =	ssyncadd.s32 $0xFFFFFFB0;
	(pc) =	sbr.rel .LBB2_6-.Ltmp6, $4  }
0x11c: {  	_ =	swait.ge [sflag:s18], $0x50  }
0x11d: {  	[sflag:s18] =	ssyncset.done $0x0  }
0x11e: {  	[sflag:s18] =	ssyncadd.s32 $0xFFFFFFB0  }
0x11f: {  	[tilespmem:s9], [sflag:$0x5] =	stream.indirect.gather [hbm4b:s1+s19], $0x80, s4, s19, $0xb8;
	[tilespmem:$0x1DF00] =	vst v63  }
.LBB2_8:
0x120: {  	_ =	sfence.sel $0x180000  }
0x121: {  	[bflag:$0x0] =	sbarrier.arrive $0xFFFF  }
0x122: {  	_ =	strace $0x90000047  }
0x123: {  	s0 =	stileid.u32;
	[bflag:$0x2] =	sbarrier.arrive $0xFFFF  }
0x124: {  	p0 =	sne.s32 s0, $0x0;
	s0 =	rddreg [dreg:$0x3]  }
0x125: {  	s0 =	sadd.s32 @!p0 $0x100000, s0  }
0x126: {  	[sflag:s0] =	ssyncadd.tile.s32 @!p0 $0x1;
	_ =	shalt  }
.Lfunc_end2:
_tile_overlayer_lowered:
.L_overlay_start_2:
0x127: {  	(tag) =	ssettag $0x2  }
0x128: {  	s0 =	rddreg [dreg:$0x0];
	s2 =	stileid.u32  }
0x129: {  	s1 =	rddreg [dreg:$0x1];
	p0 =	sne.s32 s2, $0x0  }
0x12a: {  	s3 =	rddreg [dreg:$0x2];
	[bflag:$0x3] =	sbarrier.arrive $0xFFFF;
	s2 =	simm.s32 @!p0 $0x1C0D  }
0x12b: {  	[timem:s3], [sflag:s2] =	dma.local @!p0 [hbm:s0], s1  }
0x12c: {  	s0 =	simm.s32 @!p0 $0xD  }
0x12d: {  	_ =	swait.ge @!p0 [sflag:s0], s1  }
0x12e: {  	s1 =	ssub.s32 @!p0 $0x0, s1;
	[sflag:s0] =	ssyncset.done @!p0 $0x0  }
0x12f: {  	[sflag:s0] =	ssyncadd.s32 @!p0 s1  }
0x130: {  	[bflag:$0x3] =	sbarrier.arrive $0xFFFF  }
0x131: {  	_ =	shalt  }

// kernel: kernel.9.cloned.1.call-start
scs
__scs_entry_jumppad:
0x0: {  	(pc) =	sbr.rel $0x88, $3  }
0x1: {  	(tag) =	ssettag $0x0;
	lr =	simm.s32 $0x1  }
0x2: {  	[smem:$0x3F96] =	sst lr;
	_ =	strace $0xD0000000  }
0x3: {  	_ = 	snop  }
0x4: {  	_ = 	snop  }
0x5: {  	_ = 	snop  }
0x6: {  	_ = 	snop  }
0x7: {  	_ = 	snop  }
__scs_overlays_trampoline_lowered:
0x8: {  	[smem:$0x3FA5] =	sst s0  }
0x9: {  	[smem:$0x3FA6] =	sst s1  }
0xa: {  	[smem:$0x3FA7] =	sst s2  }
0xb: {  	[smem:$0x3FA8] =	sst s3  }
0xc: {  	[smem:$0x3FA9] =	sst s4  }
0xd: {  	[smem:$0x3FAA] =	sst s5  }
0xe: {  	[smem:$0x3FAB] =	sst s6  }
0xf: {  	[smem:$0x3FAC] =	sst s7  }
0x10: {  	[smem:$0x3FAD] =	sst s8  }
0x11: {  	[smem:$0x3FAE] =	sst s9;
	s0 =	simm.s32 @!p0 $0x0  }
0x12: {  	s1 =	sld [smem:$0x3F94];
	s0 =	simm.s32 @p0 $0x1  }
0x13: {  	[smem:$0x3FAF] =	sst s0;
	s0 =	simm.s32 @!p1 $0x0  }
0x14: {  	s2 =	sld [smem:$0x3F93];
	s0 =	simm.s32 @p1 $0x1  }
0x15: {  	[smem:$0x3FB0] =	sst s0;
	s0 =	simm.s32 @!p2 $0x0  }
0x16: {  	s3 =	sld [smem:$0x3FDB];
	s0 =	simm.s32 @p2 $0x1  }
0x17: {  	s4 =	simm.s32 $0x1BF5;
	[smem:$0x3FB2] =	sst s0  }
0x18: {  	s0 =	sld [smem:$0x3F95];
	_ =	swait.ge [sflag:s4], $0x0  }
0x19: {  	s7 =	sld [smem:$0x3F96]  }
0x1a: {  	s8 =	sadd.s32 $0xFFFFE003, lr  }
0x1b: {  	s9 =	sadd.s32 $0xFFFFFEF7, lr;
	s5 =	simm.s32 $0xFFFFFFFF;
	p2 =	slt.u32 s8, $0xFFFFF086  }
0x1c: {  	p1 =	slt.u32 s9, $0xF7A;
	s5 =	simm.s32 @!p2 $0x0  }
0x1d: {  	s5 =	simm.s32 @p1 $0x1;
	p0 =	seq.s32 s7, s2  }
0x1e: {  	s7 =	smul.u32 @!p0 $0xF7A, s2;
	p2 =	seq.s32 @!p0 s5, $0x0  }
0x1f: {  	s9 =	smul.u32 $0xF7A, s1;
	s8 =	simm.s32 @!p0 $0x1BF5;
	p2 =	por !p2, p0  }
0x20: {  	[sflag:s8] =	ssyncset.s32 @!p0 $0xFFFFF086;
	s6 =	sadd.s32 @!p0 s3, s7;
	s7 =	simm.s32 @!p0 $0x108  }
0x21: {  	s3 =	sadd.s32 s3, s9;
	s6 =	sadd.s32 @!p0 $0x88, s6;
	s7 =	simm.s32 @p2 $0x1082  }
0x22: {  	[simem:s7], [sflag:s8] =	dma.local @!p0 [hbm:s6], $0xF7A  }
0x23: {  	s9 =	sor.u32 $0xD0000000, s2;
	s6 =	simm.s32 $0x108;
	_ =	swait.ge @!p0 [sflag:s8], $0x0  }
0x24: {  	s3 =	sadd.s32 $0x88, s3;
	s6 =	simm.s32 @!p1 $0x1082;
	[sflag:s4] =	ssyncset.s32 $0xFFFFF086  }
0x25: {  	[simem:s6], [sflag:s4] =	dma.local [hbm:s3], $0xF7A  }
0x26: {  	[smem:$0x3F96] =	sst s1;
	(tag) =	ssettag s2;
	_ =	strace s9  }
0x27: {  	s1 =	sld [smem:$0x3FA6]  }
0x28: {  	s2 =	sld [smem:$0x3FA7]  }
0x29: {  	s4 =	sld [smem:$0x3FA9]  }
0x2a: {  	p0 =	seq.s32 s5, $0x0;
	s5 =	sld [smem:$0x3FAA]  }
0x2b: {  	s6 =	sld [smem:$0x3FAB]  }
0x2c: {  	s7 =	sld [smem:$0x3FAC]  }
0x2d: {  	s3 =	simm.s32 $0x108;
	s8 =	sld [smem:$0x3FAD]  }
0x2e: {  	s3 =	simm.s32 @!p0 $0x1082;
	s9 =	sld [smem:$0x3FAE]  }
0x2f: {  	lr =	sadd.s32 s0, s3;
	s0 =	sld [smem:$0x3FA5]  }
0x30: {  	s3 =	sld [smem:$0x3FA8]  }
0x31: {  	[smem:$0x3FB1] =	sst s10  }
0x32: {  	s10 =	sld [smem:$0x3FAF];
	_ =	sdelay $0x3  }
0x33: {  	p0 =	seq.s32 s10, $0x1;
	s10 =	sld [smem:$0x3FB1];
	_ =	sdelay $0x3  }
0x34: {  	[smem:$0x3FB1] =	sst s10  }
0x35: {  	s10 =	sld [smem:$0x3FB0];
	_ =	sdelay $0x3  }
0x36: {  	p1 =	seq.s32 s10, $0x1;
	s10 =	sld [smem:$0x3FB1];
	_ =	sdelay $0x3  }
0x37: {  	[smem:$0x3FB1] =	sst s10  }
0x38: {  	s10 =	sld [smem:$0x3FB2]  }
0x39: {  	_ = 	snop;
	(pc) =	sbr.ind lr, $3  }
0x3a: {  	_ = 	snop  }
0x3b: {  	_ = 	snop  }
0x3c: {  	p2 =	seq.s32 s10, $0x1;
	s10 =	sld [smem:$0x3FB1]  }
0x3d: {  	_ =	shalt  }
0x3e: {  	_ =	shalt  }
0x3f: {  	_ =	shalt  }
0x40: {  	_ =	shalt  }
0x41: {  	_ =	shalt  }
0x42: {  	_ =	shalt  }
0x43: {  	_ =	shalt  }
0x44: {  	_ =	shalt  }
0x45: {  	_ =	shalt  }
0x46: {  	_ =	shalt  }
0x47: {  	_ =	shalt  }
0x48: {  	_ =	shalt  }
0x49: {  	_ =	shalt  }
0x4a: {  	_ =	shalt  }
0x4b: {  	_ =	shalt  }
0x4c: {  	_ =	shalt  }
0x4d: {  	_ =	shalt  }
0x4e: {  	_ =	shalt  }
0x4f: {  	_ =	shalt  }
0x50: {  	_ =	shalt  }
0x51: {  	_ =	shalt  }
0x52: {  	_ =	shalt  }
0x53: {  	_ =	shalt  }
0x54: {  	_ =	shalt  }
0x55: {  	_ =	shalt  }
0x56: {  	_ =	shalt  }
0x57: {  	_ =	shalt  }
0x58: {  	_ =	shalt  }
0x59: {  	_ =	shalt  }
0x5a: {  	_ =	shalt  }
0x5b: {  	_ =	shalt  }
0x5c: {  	_ =	shalt  }
0x5d: {  	_ =	shalt  }
0x5e: {  	_ =	shalt  }
0x5f: {  	_ =	shalt  }
0x60: {  	_ =	shalt  }
0x61: {  	_ =	shalt  }
0x62: {  	_ =	shalt  }
0x63: {  	_ =	shalt  }
0x64: {  	_ =	shalt  }
0x65: {  	_ =	shalt  }
0x66: {  	_ =	shalt  }
0x67: {  	_ =	shalt  }
0x68: {  	_ =	shalt  }
0x69: {  	_ =	shalt  }
0x6a: {  	_ =	shalt  }
0x6b: {  	_ =	shalt  }
0x6c: {  	_ =	shalt  }
0x6d: {  	_ =	shalt  }
0x6e: {  	_ =	shalt  }
0x6f: {  	_ =	shalt  }
0x70: {  	_ =	shalt  }
0x71: {  	_ =	shalt  }
0x72: {  	_ =	shalt  }
0x73: {  	_ =	shalt  }
0x74: {  	_ =	shalt  }
0x75: {  	_ =	shalt  }
0x76: {  	_ =	shalt  }
0x77: {  	_ =	shalt  }
0x78: {  	_ =	shalt  }
0x79: {  	_ =	shalt  }
0x7a: {  	_ =	shalt  }
0x7b: {  	_ =	shalt  }
0x7c: {  	_ =	shalt  }
0x7d: {  	_ =	shalt  }
0x7e: {  	_ =	shalt  }
0x7f: {  	_ =	shalt  }
0x80: {  	_ =	shalt  }
0x81: {  	_ =	shalt  }
0x82: {  	_ =	shalt  }
0x83: {  	_ =	shalt  }
0x84: {  	_ =	shalt  }
0x85: {  	_ =	shalt  }
0x86: {  	_ =	shalt  }
0x87: {  	_ =	shalt  }
.Lfunc_end0:
.L_simem_size_0:
called_computation.1_lowered:
.L_overlay_start_0:
0x88: {  	s2 =	sld [smem:$0x3FD9]  }
0x89: {  	s3 =	sld [smem:$0x3FFE];
	_ =	sdelay $0x1  }
0x8a: {  	s1 =	srdreg.scid  }
0x8b: {  	s0 =	sand.u32 $0x1, s1  }
0x8c: {  	s16 =	sshll.u32 s0, $0xA;
	s2 =	sadd.s32 s3, s2  }
0x8d: {  	s2 =	sadd.s32 s2, s16  }
0x8e: {  	[smem:$0x3FBD] =	sst s2  }
0x8f: {  	_ = 	snop  }
0x90: {  	(tm) =	ssettm $0x1  }
0x91: {  	s17 =	sld [smem:$0x3FFB];
	_ =	sdelay $0x3  }
0x92: {  	_ =	strace s17  }
0x93: {  	s2 =	sld [smem:$0x3FFC];
	_ =	sdelay $0x3  }
0x94: {  	_ =	strace s2  }
0x95: {  	s2 =	sld [smem:$0x3FFD];
	_ =	sdelay $0x3  }
0x96: {  	_ =	strace s2  }
0x97: {  	_ =	strace $0x8FFFFFFF  }
0x98: {  	s18 =	sld [smem:$0x3FDB];
	_ =	sdelay $0x1  }
0x99: {  	s19 =	simm.s32 $_scs_section_size  }
0x9a: {  	s4 =	simm.s32 $_size__tile_overlayer_lowered;
	s5 =	simm.s32 $_tile_overlayer_lowered  }
0x9b: {  	s22 =	simm.s32 $0x1BFF;
	s21 =	sshll.u32 s5, $0x1;
	s2 =	sadd.s32 s19, s18  }
0x9c: {  	s6 =	simm.s32 $0x0;
	s20 =	sshll.u32 s4, $0x1;
	s4 =	sadd.s32 s21, s2  }
0x9d: {  	[timem:s6], [sflag:s22] =	dma.local [hbm:s4], s20  }
0x9e: {  	_ =	swait.ge [sflag:s22], s20  }
0x9f: {  	s3 =	ssub.s32 $0x0, s20;
	[sflag:s22] =	ssyncset.done $0x0  }
0xa0: {  	[sflag:s22] =	ssyncadd.s32 s3;
	_ =	sdelay $0x1  }
0xa1: {  	s23 =	simm.s32 $0x1B8B  }
0xa2: {  	_ =	swait.ge [sflag:s23], $0x1  }
0xa3: {  	[sflag:s23] =	ssyncset.done $0x0  }
0xa4: {  	s25 =	simm.s32 $0x1B8E;
	s24 =	sld [smem:$0x3FFE];
	[sflag:s23] =	ssyncadd.s32 $0xFFFFFFFF  }
0xa5: {  	s26 =	simm.s32 $execute0_lowered;
	[smem:$0x3FD2] =	sst s25  }
0xa6: {  	s4 =	sshll.u32 s26, $0x1;
	_ =	strace $0x80000049;
	[dreg:$0x1] =	wrdreg $0xFFFFFFFF  }
0xa7: {  	s28 =	simm.s32 $_size_execute0_lowered;
	s2 =	sadd.s32 s2, s4;
	[dreg:$0x0] =	wrdreg $0x0  }
0xa8: {  	s4 =	sshll.u32 s28, $0x1;
	[dreg:$0x2] =	wrdreg s2  }
0xa9: {  	[dreg:$0x3] =	wrdreg s4  }
0xaa: {  	[dreg:$0x4] =	wrdreg $0xC0  }
0xab: {  	_ =	task [dreg:s6], $0x5FFFF  }
0xac: {  	[dreg:$0x1] =	wrdreg $0xFFFFFFFF  }
0xad: {  	[dreg:$0x0] =	wrdreg $0x60  }
0xae: {  	[dreg:$0x2] =	wrdreg s24  }
0xaf: {  	[dreg:$0x3] =	wrdreg $0xA4000  }
0xb0: {  	[dreg:$0x4] =	wrdreg $0x9  }
0xb1: {  	_ =	task.clear_ibuf [dreg:s6], $0x5FFFF;
	_ =	strace $0x90000049  }
0xb2: {  	s29 =	simm.s32 $0x9;
	_ =	strace $0x8000004B  }
0xb3: {  	_ =	swait.ge [sflag:s29], $0x1  }
0xb4: {  	[sflag:s29] =	ssyncadd.s32 $0xFFFFFFFF  }
0xb5: {  	_ =	strace $0x9000004B  }
0xb6: {  	_ =	sfence  }
0xb7: {  	s30 =	sld [smem:$0x0];
	_ =	sdelay $0x2  }
0xb8: {  	s31 =	sshll.u32 s1, $0xD;
	s1 =	sshrl.u32 s1, $0x2  }
0xb9: {  	s3 =	sand.u32 $0x4000, s31;
	s1 =	sadd.s32 s1, s30  }
0xba: {  	s0 =	sor.u32 s3, s0;
	s1 =	sshll.u32 s1, $0x11  }
0xbb: {  	s0 =	sor.u32 s1, s0  }
0xbc: {  	s0 =	sadd.s32 $0x8F2B, s0  }
0xbd: {  	[sflag:s0] =	ssyncadd.remote.s32 $0x1  }
0xbe: {  	_ =	sfence.sel $0xFFFF  }
0xbf: {  	[dreg:$0x0] =	wrdreg $0xFFFFFFFF;
	(pc) =	sbr.abs _section_cstart, $3  }
0xc0: {  	[dreg:$0x1] =	wrdreg $0xFFFFFFFF  }
0xc1: {  	_ =	task.clear_ibuf [dreg:s6], $0x2FFFF;
	_ =	strace $0x9FFFFFFF  }
0xc2: {  	(tm) =	ssettm $0x7FFFFFFF  }
0xc3: {  	_ =	shalt  }
tec
execute0_lowered:
.L_overlay_start_1:
0x0: {  	(tag) =	ssettag $0x1  }
0x1: {  	s3 =	rddreg [dreg:$0x0];
	s20 =	stileid.u32  }
0x2: {  	s1 =	rddreg [dreg:$0x1];
	s7 =	smul.u32 $0x4E20, s20  }
0x3: {  	s2 =	simm.s32 $0x0;
	s0 =	srdreg.scid;
	s9 =	smul.u32 $0x500, s20  }
0x4: {  	s31 =	simm.s32 $0x2C00;
	s0 =	sand.u32 $0x1, s0;
	s22 =	smul.u32 $0x9C4, s20  }
0x5: {  	s29 =	simm.s32 $0x6;
	[smem:$0x7FF] =	sst s2;
	s4 =	smul.u32 $0x27600, s0  }
0x6: {  	s10 =	sor.u32 $0x20, s20;
	s6 =	ssub.s32 $0x2, s0;
	s0 =	smul.u32 $0x4E200, s0  }
0x7: {  	s5 =	sadd.s32 $0xC600, s3;
	s13 =	sor.u32 $0x30, s20;
	s12 =	smul.u32 $0x500, s10  }
0x8: {  	s16 =	sor.u32 $0x40, s20;
	s17 =	sor.u32 $0x50, s20;
	s14 =	smul.u32 $0x500, s13  }
0x9: {  	s18 =	sor.u32 $0x60, s20;
	s19 =	sor.u32 $0x70, s20;
	s15 =	smul.u32 $0x500, s16  }
0xa: {  	_ =	strace $0x8000004A;
	s23 =	smul.u32 $0x500, s17;
	s8 =	sshrl.u32 s6, $0x1  }
0xb: {  	s25 =	smul.u32 $0x500, s18;
	s4 =	sadd.s32 s4, s3;
	s6 =	ssub.s32 s6, s8  }
0xc: {  	s8 =	sor.u32 $0x10, s20;
	s0 =	sadd.s32 s7, s0;
	s7 =	sshrl.u32 s7, $0x3  }
0xd: {  	s11 =	smul.u32 $0x500, s8;
	s4 =	sadd.s32 $0x78A00, s4;
	s7 =	sadd.s32 s5, s7  }
0xe: {  	s9 =	sadd.s32 s4, s9;
	s24 =	sadd.s32 s4, s12;
	s26 =	sadd.s32 s4, s14  }
0xf: {  	s14 =	sadd.s32 s4, s15;
	s15 =	smul.u32 $0x500, s19;
	[dreg:$0xb] =	wrdreg s7  }
0x10: {  	s21 =	sadd.s32 s4, s25;
	s25 =	smul.u32 $0xA000, s8;
	[dreg:$0x3] =	wrdreg s9  }
0x11: {  	p0 =	sgt.u32 s19, $0x7D;
	s8 =	smul.u32 $0xA000, s10;
	[dreg:$0x5] =	wrdreg s24  }
0x12: {  	p1 =	sgt.u32 s19, $0x7C;
	s10 =	smul.u32 $0xA000, s13;
	[dreg:$0x6] =	wrdreg s26  }
0x13: {  	s11 =	sadd.s32 s4, s11;
	[dreg:$0x7] =	wrdreg s14;
	s9 =	sadd.s32 s4, s23  }
0x14: {  	[dreg:$0x9] =	wrdreg s21;
	s14 =	sadd.s32 s22, s5;
	s24 =	smul.u32 $0xA000, s20  }
0x15: {  	s23 =	sshrl.u32 s0, $0x3;
	s26 =	smax.u32 s6, $0x1;
	s20 =	smul.u32 $0xA000, s16  }
0x16: {  	s16 =	sadd.s32 $0x1E0, s0;
	s5 =	simm.s32 $0x400;
	[dreg:$0x4] =	wrdreg s11  }
0x17: {  	[dreg:$0x8] =	wrdreg s9;
	s4 =	sadd.s32 s4, s15;
	s11 =	sadd.s32 $0x65000, s3  }
0x18: {  	s15 =	sadd.s32 $0x16400, s3;
	[dreg:$0xd] =	wrdreg s26;
	s3 =	sshrl.u32 s25, $0x2  }
0x19: {  	s13 =	sshrl.u32 s8, $0x2;
	s21 =	sshrl.u32 s10, $0x2;
	s25 =	smul.u32 $0xA000, s18  }
0x1a: {  	s26 =	smul.u32 $0xA000, s19;
	s19 =	sadd.s32 $0xF0, s0;
	[dreg:$0xa] =	wrdreg s4  }
0x1b: {  	s9 =	sadd.s32 s11, s23;
	s6 =	sshrl.u32 s24, $0x2;
	s22 =	sadd.s32 s3, s1  }
0x1c: {  	s3 =	sadd.s32 s13, s1;
	s23 =	smul.u32 $0xA000, s17;
	s24 =	sshrl.u32 s20, $0x2  }
0x1d: {  	s17 =	sadd.s32 $0x190, s0;
	s20 =	sshrl.u32 s19, $0x3;
	s0 =	sadd.s32 $0x140, s0  }
0x1e: {  	s19 =	simm.s32 $0x3;
	s12 =	sadd.s32 s6, s1;
	[dreg:$0x10] =	wrdreg s3  }
0x1f: {  	s3 =	sadd.s32 s21, s1;
	s18 =	sadd.s32 s24, s1;
	[dreg:$0x17] =	wrdreg s0  }
0x20: {  	s8 =	sshrl.u32 s25, $0x2;
	s13 =	sshrl.u32 s26, $0x2;
	[dreg:$0xc] =	wrdreg s9  }
0x21: {  	s26 =	smov.u32 s11;
	s30 =	sadd.s32 s20, s11;
	[dreg:$0xf] =	wrdreg s22  }
0x22: {  	s21 =	sadd.s32 $0xA, s9;
	s24 =	sadd.s32 $0x14, s9;
	[dreg:$0x11] =	wrdreg s3  }
0x23: {  	s25 =	sadd.s32 $0x14, s7;
	s9 =	simm.s32 $0x280;
	[dreg:$0x18] =	wrdreg s21  }
0x24: {  	s0 =	simm.s32 $0x5;
	s20 =	simm.s32 $0x5400;
	[dreg:$0x1a] =	wrdreg s24  }
0x25: {  	s4 =	sshrl.u32 s23, $0x2;
	s10 =	sadd.s32 s8, s1;
	[dreg:$0x1b] =	wrdreg s25  }
0x26: {  	s23 =	sadd.s32 $0xA, s7;
	s7 =	simm.s32 $0x200;
	[dreg:$0xe] =	wrdreg s12  }
0x27: {  	s8 =	simm.s32 $0x80;
	s21 =	simm.s32 $0x4;
	[dreg:$0x12] =	wrdreg s18  }
0x28: {  	s24 =	simm.s32 $0x7;
	s25 =	simm.s32 $0x8;
	[dreg:$0x14] =	wrdreg s10  }
0x29: {  	s3 =	sadd.s32 s4, s1;
	s4 =	sshrl.u32 s17, $0x3;
	[dreg:$0x19] =	wrdreg s23  }
.Ltmp0:
0x2a: {  	s17 =	simm.s32 $0x1;
	s23 =	simm.s32 $0x7C00;
	(pc) =	sbr.rel .LBB2_1-.Ltmp0, $4  }
0x2b: {  	[dreg:$0x13] =	wrdreg s3;
	s3 =	sadd.s32 s13, s1;
	s28 =	sadd.s32 s4, s11  }
0x2c: {  	s13 =	simm.s32 $0x50;
	[dreg:$0x15] =	wrdreg s3;
	s3 =	sshrl.u32 s16, $0x3  }
0x2d: {  	s4 =	simm.s32 $0xA;
	s16 =	simm.s32 $0x2;
	s3 =	sadd.s32 s3, s11  }
0x2e: {  	v0 =	vimm.f32 $0.0e+00;
	s11 =	simm.s32 $0x0;
	[dreg:$0x16] =	wrdreg s3;
	s3 =	simm.s32 $0x9  }
.LBB2_6:
0x2f: {  	_ =	swait.ge [sflag:s29], $0x2800  }
0x30: {  	[sflag:s29] =	ssyncset.done $0x0  }
0x31: {  	[sflag:s29] =	ssyncadd.s32 $0xFFFFD800  }
0x32: {  	[spmem:s1] =	stream.indirect.scatter.add.f32 [tilespmem:s31], [sflag:$0xA], $0x80, s9, s13, $0xb8;
	[tilespmem:$0x1DF00] =	vst v63  }
0x33: {  	_ =	swait.ge [sflag:s3], $0x2800  }
0x34: {  	[sflag:s3] =	ssyncset.done $0x0  }
0x35: {  	[sflag:s3] =	ssyncadd.s32 $0xFFFFD800  }
0x36: {  	_ =	swait.ge [sflag:s4], $0x2800  }
0x37: {  	[sflag:s4] =	ssyncset.done $0x0  }
0x38: {  	s6 =	simm.s32 $0xB;
	[sflag:s4] =	ssyncadd.s32 $0xFFFFD800  }
0x39: {  	_ =	swait.ge [sflag:s6], $0x2800  }
0x3a: {  	[sflag:s6] =	ssyncset.done $0x0  }
0x3b: {  	s22 =	simm.s32 $0xC;
	[sflag:s6] =	ssyncadd.s32 $0xFFFFD800  }
0x3c: {  	_ =	swait.ge [sflag:s22], $0x2800  }
0x3d: {  	[sflag:s22] =	ssyncset.done $0x0  }
0x3e: {  	[sflag:s22] =	ssyncadd.s32 $0xFFFFD800  }
0x3f: {  	[bflag:$0x0] =	sbarrier.arrive $0xFFFF  }
0x40: {  	s11 =	simm.s32 $0xE;
	s12 =	rddreg [dreg:$0xe]  }
0x41: {  	[tilespmem:s5], [sflag:$0xE] =	stream.linear.gather [spmem:s12], $0x2800, $0x38;
	[tilespmem:$0x1DF00] =	vst v63  }
0x42: {  	_ =	swait.ge [sflag:s11], $0x2800  }
0x43: {  	[sflag:s11] =	ssyncset.done $0x0  }
0x44: {  	s10 =	rddreg [dreg:$0x3];
	[sflag:s11] =	ssyncadd.s32 $0xFFFFD800  }
0x45: {  	[hbm4b:s10+s2] =	stream.linear.scatter [tilespmem:s5], [sflag:$0xD], $0x2800, $0x38;
	[tilespmem:$0x1DF00] =	vst v63  }
0x46: {  	s10 =	simm.s32 $0xD  }
0x47: {  	_ =	swait.ge [sflag:s10], $0x2800  }
0x48: {  	[sflag:s10] =	ssyncset.done $0x0  }
0x49: {  	s22 =	rddreg [dreg:$0xf];
	[sflag:s10] =	ssyncadd.s32 $0xFFFFD800  }
0x4a: {  	[tilespmem:s5], [sflag:$0xE] =	stream.linear.gather [spmem:s22], $0x2800, $0x38;
	[tilespmem:$0x1DF00] =	vst v63  }
0x4b: {  	_ =	swait.ge [sflag:s11], $0x2800  }
0x4c: {  	[sflag:s11] =	ssyncset.done $0x0  }
0x4d: {  	s18 =	rddreg [dreg:$0x4];
	[sflag:s11] =	ssyncadd.s32 $0xFFFFD800  }
0x4e: {  	[hbm4b:s18+s2] =	stream.linear.scatter [tilespmem:s5], [sflag:$0xD], $0x2800, $0x38;
	[tilespmem:$0x1DF00] =	vst v63  }
0x4f: {  	_ =	swait.ge [sflag:s10], $0x2800  }
0x50: {  	[sflag:s10] =	ssyncset.done $0x0  }
0x51: {  	s18 =	rddreg [dreg:$0x10];
	[sflag:s10] =	ssyncadd.s32 $0xFFFFD800  }
0x52: {  	[tilespmem:s5], [sflag:$0xE] =	stream.linear.gather [spmem:s18], $0x2800, $0x38;
	[tilespmem:$0x1DF00] =	vst v63  }
0x53: {  	_ =	swait.ge [sflag:s11], $0x2800  }
0x54: {  	[sflag:s11] =	ssyncset.done $0x0  }
0x55: {  	s18 =	rddreg [dreg:$0x5];
	[sflag:s11] =	ssyncadd.s32 $0xFFFFD800  }
0x56: {  	[hbm4b:s18+s2] =	stream.linear.scatter [tilespmem:s5], [sflag:$0xD], $0x2800, $0x38;
	[tilespmem:$0x1DF00] =	vst v63  }
0x57: {  	_ =	swait.ge [sflag:s10], $0x2800  }
0x58: {  	[sflag:s10] =	ssyncset.done $0x0  }
0x59: {  	s18 =	rddreg [dreg:$0x11];
	[sflag:s10] =	ssyncadd.s32 $0xFFFFD800  }
0x5a: {  	[tilespmem:s5], [sflag:$0xE] =	stream.linear.gather [spmem:s18], $0x2800, $0x38;
	[tilespmem:$0x1DF00] =	vst v63  }
0x5b: {  	_ =	swait.ge [sflag:s11], $0x2800  }
0x5c: {  	[sflag:s11] =	ssyncset.done $0x0  }
0x5d: {  	s18 =	rddreg [dreg:$0x6];
	[sflag:s11] =	ssyncadd.s32 $0xFFFFD800  }
0x5e: {  	[hbm4b:s18+s2] =	stream.linear.scatter [tilespmem:s5], [sflag:$0xD], $0x2800, $0x38;
	[tilespmem:$0x1DF00] =	vst v63  }
0x5f: {  	_ =	swait.ge [sflag:s10], $0x2800  }
0x60: {  	[sflag:s10] =	ssyncset.done $0x0  }
0x61: {  	s18 =	rddreg [dreg:$0x12];
	[sflag:s10] =	ssyncadd.s32 $0xFFFFD800  }
0x62: {  	[tilespmem:s5], [sflag:$0xE] =	stream.linear.gather [spmem:s18], $0x2800, $0x38;
	[tilespmem:$0x1DF00] =	vst v63  }
0x63: {  	_ =	swait.ge [sflag:s11], $0x2800  }
0x64: {  	[sflag:s11] =	ssyncset.done $0x0  }
0x65: {  	s6 =	rddreg [dreg:$0x7];
	[sflag:s11] =	ssyncadd.s32 $0xFFFFD800  }
0x66: {  	[hbm4b:s6+s2] =	stream.linear.scatter [tilespmem:s5], [sflag:$0xD], $0x2800, $0x38;
	[tilespmem:$0x1DF00] =	vst v63  }
0x67: {  	_ =	swait.ge [sflag:s10], $0x2800  }
0x68: {  	[sflag:s10] =	ssyncset.done $0x0  }
0x69: {  	s6 =	rddreg [dreg:$0x13];
	[sflag:s10] =	ssyncadd.s32 $0xFFFFD800  }
0x6a: {  	[tilespmem:s5], [sflag:$0xE] =	stream.linear.gather [spmem:s6], $0x2800, $0x38;
	[tilespmem:$0x1DF00] =	vst v63  }
0x6b: {  	_ =	swait.ge [sflag:s11], $0x2800  }
0x6c: {  	[sflag:s11] =	ssyncset.done $0x0  }
0x6d: {  	s6 =	rddreg [dreg:$0x8];
	[sflag:s11] =	ssyncadd.s32 $0xFFFFD800  }
0x6e: {  	[hbm4b:s6+s2] =	stream.linear.scatter [tilespmem:s5], [sflag:$0xD], $0x2800, $0x38;
	[tilespmem:$0x1DF00] =	vst v63  }
0x6f: {  	_ =	swait.ge [sflag:s10], $0x2800  }
0x70: {  	[sflag:s10] =	ssyncset.done $0x0  }
0x71: {  	s6 =	rddreg [dreg:$0x14];
	[sflag:s10] =	ssyncadd.s32 $0xFFFFD800  }
0x72: {  	[tilespmem:s5], [sflag:$0xE] =	stream.linear.gather [spmem:s6], $0x2800, $0x38;
	[tilespmem:$0x1DF00] =	vst v63  }
0x73: {  	_ =	swait.ge [sflag:s11], $0x2800  }
0x74: {  	[sflag:s11] =	ssyncset.done $0x0  }
0x75: {  	[sflag:s11] =	ssyncadd.s32 $0xFFFFD800;
	s11 =	rddreg [dreg:$0x9]  }
0x76: {  	[hbm4b:s11+s2] =	stream.linear.scatter [tilespmem:s5], [sflag:$0xD], $0x2800, $0x38;
	[tilespmem:$0x1DF00] =	vst v63  }
0x77: {  	_ =	swait.ge [sflag:s10], $0x2800  }
0x78: {  	[sflag:s10] =	ssyncset.done $0x0  }
0x79: {  	s6 =	simm.s32 @!p1 $0x400;
	[sflag:s10] =	ssyncadd.s32 $0xFFFFD800;
	s10 =	rddreg [dreg:$0x15]  }
0x7a: {  	[tilespmem:s6], [sflag:$0xE] =	stream.linear.gather @!p1 [spmem:s10], $0x2800, $0x38;
	[tilespmem:$0x1DF00] =	vst v63  }
0x7b: {  	s10 =	simm.s32 @!p1 $0xE  }
0x7c: {  	_ =	swait.ge @!p1 [sflag:s10], $0x2800  }
0x7d: {  	[sflag:s10] =	ssyncset.done @!p1 $0x0  }
0x7e: {  	s11 =	rddreg [dreg:$0xa];
	[sflag:s10] =	ssyncadd.s32 @!p1 $0xFFFFD800;
	s10 =	simm.s32 @!p1 $0x0  }
0x7f: {  	[hbm4b:s11+s10] =	stream.linear.scatter @!p1 [tilespmem:s6], [sflag:$0xD], $0x2800, $0x38;
	[tilespmem:$0x1DF00] =	vst v63  }
0x80: {  	s6 =	simm.s32 @!p1 $0xD  }
0x81: {  	_ =	swait.ge @!p1 [sflag:s6], $0x2800  }
0x82: {  	s10 =	rddreg [dreg:$0x1c]  }
0x83: {  	s11 =	sadd.s32 $0x1, s10;
	s10 =	rddreg [dreg:$0xd]  }
0x84: {  	p2 =	sne.s32 s11, s10  }
.Ltmp1:
0x85: {  	_ = 	snop;
	(pc) =	sbr.rel @!p2 .LBB2_7-.Ltmp1, $3  }
0x86: {  	_ =	sdelay $0x1  }
0x87: {  	[sflag:s6] =	ssyncset.done @!p1 $0x0  }
0x88: {  	[sflag:s6] =	ssyncadd.s32 @!p1 $0xFFFFD800  }
.LBB2_1:
0x89: {  	[dreg:$0x1c] =	wrdreg s11;
	s10 =	simm.s32 $0x0;
	s11 =	simm.s32 $0x200  }
.LBB2_2:
0x8a: {  	p2 =	sne.s32 s11, $0x9E00;
	[tilespmem:s10+$0x470] =	vst v0  }
0x8b: {  	[tilespmem:s10+$0x400] =	vst v0  }
0x8c: {  	[tilespmem:s10+$0x410] =	vst v0  }
.Ltmp2:
0x8d: {  	[tilespmem:s10+$0x420] =	vst v0;
	(pc) =	sbr.rel @p2 .LBB2_2-.Ltmp2, $4  }
0x8e: {  	[tilespmem:s10+$0x430] =	vst v0  }
0x8f: {  	[tilespmem:s10+$0x440] =	vst v0  }
0x90: {  	[tilespmem:s10+$0x450] =	vst v0  }
0x91: {  	[tilespmem:s10+$0x460] =	vst v0;
	s10 =	sshra.s32 s11, $0x2;
	s11 =	sadd.s32 $0x200, s11  }
0x92: {  	[tilespmem:s10+$0x470] =	vst v0  }
0x93: {  	[tilespmem:s10+$0x400] =	vst v0  }
0x94: {  	[tilespmem:s10+$0x410] =	vst v0  }
0x95: {  	[tilespmem:s10+$0x420] =	vst v0  }
0x96: {  	[tilespmem:s10+$0x430] =	vst v0  }
0x97: {  	[tilespmem:s10+$0x440] =	vst v0  }
0x98: {  	[tilespmem:s10+$0x450] =	vst v0  }
0x99: {  	[tilespmem:s10+$0x460] =	vst v0;
	s10 =	simm.s32 $0xD  }
0x9a: {  	[spmem:s12] =	stream.linear.scatter [tilespmem:s5], [sflag:$0xD], $0x2800, $0x38;
	[tilespmem:$0x1DF00] =	vst v63  }
0x9b: {  	_ =	swait.ge [sflag:s10], $0x2800  }
0x9c: {  	[sflag:s10] =	ssyncset.done $0x0  }
0x9d: {  	[sflag:s10] =	ssyncadd.s32 $0xFFFFD800  }
0x9e: {  	[spmem:s22] =	stream.linear.scatter [tilespmem:s5], [sflag:$0xD], $0x2800, $0x38;
	[tilespmem:$0x1DF00] =	vst v63  }
0x9f: {  	_ =	swait.ge [sflag:s10], $0x2800  }
0xa0: {  	[sflag:s10] =	ssyncset.done $0x0  }
0xa1: {  	s6 =	rddreg [dreg:$0x10];
	[sflag:s10] =	ssyncadd.s32 $0xFFFFD800  }
0xa2: {  	[spmem:s6] =	stream.linear.scatter [tilespmem:s5], [sflag:$0xD], $0x2800, $0x38;
	[tilespmem:$0x1DF00] =	vst v63  }
0xa3: {  	_ =	swait.ge [sflag:s10], $0x2800  }
0xa4: {  	[sflag:s10] =	ssyncset.done $0x0  }
0xa5: {  	s12 =	rddreg [dreg:$0x11];
	[sflag:s10] =	ssyncadd.s32 $0xFFFFD800  }
0xa6: {  	[spmem:s12] =	stream.linear.scatter [tilespmem:s5], [sflag:$0xD], $0x2800, $0x38;
	[tilespmem:$0x1DF00] =	vst v63  }
0xa7: {  	_ =	swait.ge [sflag:s10], $0x2800  }
0xa8: {  	[sflag:s10] =	ssyncset.done $0x0  }
0xa9: {  	[sflag:s10] =	ssyncadd.s32 $0xFFFFD800  }
0xaa: {  	[spmem:s18] =	stream.linear.scatter [tilespmem:s5], [sflag:$0xD], $0x2800, $0x38;
	[tilespmem:$0x1DF00] =	vst v63  }
0xab: {  	_ =	swait.ge [sflag:s10], $0x2800  }
0xac: {  	[sflag:s10] =	ssyncset.done $0x0  }
0xad: {  	s22 =	rddreg [dreg:$0x13];
	[sflag:s10] =	ssyncadd.s32 $0xFFFFD800  }
0xae: {  	[spmem:s22] =	stream.linear.scatter [tilespmem:s5], [sflag:$0xD], $0x2800, $0x38;
	[tilespmem:$0x1DF00] =	vst v63  }
0xaf: {  	_ =	swait.ge [sflag:s10], $0x2800  }
0xb0: {  	[sflag:s10] =	ssyncset.done $0x0  }
0xb1: {  	s11 =	rddreg [dreg:$0x14];
	[sflag:s10] =	ssyncadd.s32 $0xFFFFD800  }
0xb2: {  	[spmem:s11] =	stream.linear.scatter [tilespmem:s5], [sflag:$0xD], $0x2800, $0x38;
	[tilespmem:$0x1DF00] =	vst v63  }
0xb3: {  	_ =	swait.ge [sflag:s10], $0x2800  }
0xb4: {  	[sflag:s10] =	ssyncset.done $0x0  }
0xb5: {  	s6 =	rddreg [dreg:$0x15];
	[sflag:s10] =	ssyncadd.s32 $0xFFFFD800;
	s10 =	simm.s32 @!p0 $0x400  }
0xb6: {  	[spmem:s6] =	stream.linear.scatter @!p0 [tilespmem:s10], [sflag:$0xD], $0x2800, $0x38;
	[tilespmem:$0x1DF00] =	vst v63  }
0xb7: {  	s10 =	simm.s32 @!p0 $0xD  }
0xb8: {  	_ =	swait.ge @!p0 [sflag:s10], $0x2800  }
0xb9: {  	[sflag:s10] =	ssyncset.done @!p0 $0x0  }
0xba: {  	[sflag:s10] =	ssyncadd.s32 @!p0 $0xFFFFD800  }
0xbb: {  	[bflag:$0x0] =	sbarrier.arrive $0xFFFF  }
0xbc: {  	s10 =	simm.s32 $0x0;
	s12 =	rddreg [dreg:$0xc]  }
0xbd: {  	[tilespmem:s10], [sflag:$0x1] =	stream.linear.gather [hbm4b:s12+s10], $0x50, $0x38;
	[tilespmem:$0x1DF00] =	vst v63  }
0xbe: {  	s18 =	rddreg [dreg:$0xb]  }
0xbf: {  	[tilespmem:s7], [sflag:$0x1] =	stream.linear.gather [hbm4b:s18+s10], $0x50, $0x38;
	[tilespmem:$0x1DF00] =	vst v63  }
0xc0: {  	s22 =	rddreg [dreg:$0x18]  }
0xc1: {  	[tilespmem:s8], [sflag:$0x2] =	stream.linear.gather [hbm4b:s22+s10], $0x50, $0x38;
	[tilespmem:$0x1DF00] =	vst v63  }
0xc2: {  	s11 =	rddreg [dreg:$0x19]  }
0xc3: {  	[tilespmem:s9], [sflag:$0x2] =	stream.linear.gather [hbm4b:s11+s10], $0x50, $0x38;
	[tilespmem:$0x1DF00] =	vst v63  }
0xc4: {  	s12 =	rddreg [dreg:$0x1a];
	s11 =	simm.s32 $0x100  }
0xc5: {  	[tilespmem:s11], [sflag:$0x3] =	stream.linear.gather [hbm4b:s12+s10], $0x50, $0x38;
	[tilespmem:$0x1DF00] =	vst v63  }
0xc6: {  	s18 =	rddreg [dreg:$0x1b];
	s22 =	simm.s32 $0x300  }
0xc7: {  	[tilespmem:s22], [sflag:$0x3] =	stream.linear.gather [hbm4b:s18+s10], $0x50, $0x38;
	[tilespmem:$0x1DF00] =	vst v63  }
0xc8: {  	_ =	swait.ge [sflag:s17], $0x50  }
0xc9: {  	[sflag:s17] =	ssyncset.done $0x0  }
0xca: {  	[sflag:s17] =	ssyncadd.s32 $0xFFFFFFB0  }
0xcb: {  	_ =	swait.ge [sflag:s17], $0x50  }
0xcc: {  	[sflag:s17] =	ssyncset.done $0x0  }
0xcd: {  	[sflag:s17] =	ssyncadd.s32 $0xFFFFFFB0  }
0xce: {  	[tilespmem:s5], [sflag:$0x5] =	stream.indirect.gather [hbm4b:s15+s13], $0x80, s10, s13, $0xb8;
	[tilespmem:$0x1DF00] =	vst v63  }
0xcf: {  	_ =	swait.ge [sflag:s16], $0x50  }
0xd0: {  	[sflag:s16] =	ssyncset.done $0x0  }
0xd1: {  	[sflag:s16] =	ssyncadd.s32 $0xFFFFFFB0  }
0xd2: {  	_ =	swait.ge [sflag:s16], $0x50  }
0xd3: {  	[sflag:s16] =	ssyncset.done $0x0  }
0xd4: {  	s11 =	simm.s32 $0x3;
	s22 =	rddreg [dreg:$0x17];
	[sflag:s16] =	ssyncadd.s32 $0xFFFFFFB0  }
0xd5: {  	[tilespmem:s31], [sflag:$0x6] =	stream.indirect.gather [hbm4b:s15+s13], $0x80, s8, s13, $0xb8;
	[tilespmem:$0x1DF00] =	vst v63  }
.LBB2_4:
0xd6: {  	_ =	swait.ge [sflag:s0], $0x2800;
	p2 =	sgt.u32 s11, $0xF9  }
0xd7: {  	[sflag:s0] =	ssyncset.done $0x0;
	p3 =	seq.s32 @!p2 s10, $0x0  }
0xd8: {  	[sflag:s0] =	ssyncadd.s32 $0xFFFFD800;
	p3 =	por p3, p2  }
0xd9: {  	[spmem:s1] =	stream.indirect.scatter.add.f32 [tilespmem:s5], [sflag:$0x9], $0x80, s7, s13, $0xb8;
	[tilespmem:$0x1DF00] =	vst v63  }
0xda: {  	s18 =	simm.s32 @!p3 $0xC  }
0xdb: {  	_ =	swait.ge @!p3 [sflag:s18], $0x2800  }
0xdc: {  	s6 =	simm.s32 @!p2 $0x0;
	[sflag:s18] =	ssyncset.done @!p3 $0x0  }
0xdd: {  	s12 =	simm.s32 @!p2 $0x180;
	[sflag:s18] =	ssyncadd.s32 @!p3 $0xFFFFD800;
	s18 =	sadd.s32 @!p2 s10, s30  }
0xde: {  	[tilespmem:s12], [sflag:$0x4] =	stream.linear.gather @!p2 [hbm4b:s18+s6], $0x50, $0x38;
	[tilespmem:$0x1DF00] =	vst v63  }
0xdf: {  	s12 =	sadd.s32 @!p2 s10, s14  }
0xe0: {  	s18 =	simm.s32 @!p2 $0x380;
	s12 =	sadd.s32 @!p2 $0x1E, s12  }
0xe1: {  	[tilespmem:s18], [sflag:$0x4] =	stream.linear.gather @!p2 [hbm4b:s12+s6], $0x50, $0x38;
	[tilespmem:$0x1DF00] =	vst v63  }
0xe2: {  	p2 =	seq.s32 s10, $0x9B0  }
.Ltmp3:
0xe3: {  	_ = 	snop;
	(pc) =	sbr.rel @p2 .LBB2_6-.Ltmp3, $1  }
0xe4: {  	_ =	sdelay $0x3  }
0xe5: {  	_ =	swait.ge [sflag:s19], $0x50  }
0xe6: {  	[sflag:s19] =	ssyncset.done $0x0  }
0xe7: {  	[sflag:s19] =	ssyncadd.s32 $0xFFFFFFB0  }
0xe8: {  	_ =	swait.ge [sflag:s19], $0x50  }
0xe9: {  	[sflag:s19] =	ssyncset.done $0x0  }
0xea: {  	s6 =	simm.s32 $0x100;
	[sflag:s19] =	ssyncadd.s32 $0xFFFFFFB0  }
0xeb: {  	[tilespmem:s20], [sflag:$0x7] =	stream.indirect.gather [hbm4b:s15+s13], $0x80, s6, s13, $0xb8;
	[tilespmem:$0x1DF00] =	vst v63  }
0xec: {  	_ =	swait.ge [sflag:s29], $0x2800  }
0xed: {  	[sflag:s29] =	ssyncset.done $0x0  }
0xee: {  	[sflag:s29] =	ssyncadd.s32 $0xFFFFD800  }
0xef: {  	[spmem:s1] =	stream.indirect.scatter.add.f32 [tilespmem:s31], [sflag:$0xA], $0x80, s9, s13, $0xb8;
	[tilespmem:$0x1DF00] =	vst v63  }
0xf0: {  	_ =	swait.ge [sflag:s3], $0x2800  }
0xf1: {  	s12 =	sshrl.u32 s22, $0x3;
	[sflag:s3] =	ssyncset.done $0x0  }
0xf2: {  	s6 =	sadd.s32 s26, s12;
	[sflag:s3] =	ssyncadd.s32 $0xFFFFD800  }
0xf3: {  	[tilespmem:s2], [sflag:$0x1] =	stream.linear.gather [hbm4b:s6+s2], $0x50, $0x38;
	[tilespmem:$0x1DF00] =	vst v63  }
0xf4: {  	s6 =	sadd.s32 s10, s14  }
0xf5: {  	s12 =	sadd.s32 $0x28, s6  }
0xf6: {  	[tilespmem:s7], [sflag:$0x1] =	stream.linear.gather [hbm4b:s12+s2], $0x50, $0x38;
	[tilespmem:$0x1DF00] =	vst v63  }
0xf7: {  	_ =	swait.ge [sflag:s21], $0x50  }
0xf8: {  	[sflag:s21] =	ssyncset.done $0x0  }
0xf9: {  	[sflag:s21] =	ssyncadd.s32 $0xFFFFFFB0  }
0xfa: {  	_ =	swait.ge [sflag:s21], $0x50  }
0xfb: {  	[sflag:s21] =	ssyncset.done $0x0  }
0xfc: {  	s18 =	simm.s32 $0x180;
	[sflag:s21] =	ssyncadd.s32 $0xFFFFFFB0  }
0xfd: {  	[tilespmem:s23], [sflag:$0x8] =	stream.indirect.gather [hbm4b:s15+s13], $0x80, s18, s13, $0xb8;
	[tilespmem:$0x1DF00] =	vst v63  }
0xfe: {  	_ =	swait.ge [sflag:s24], $0x2800  }
0xff: {  	[sflag:s24] =	ssyncset.done $0x0  }
0x100: {  	s18 =	simm.s32 $0x300;
	[sflag:s24] =	ssyncadd.s32 $0xFFFFD800  }
0x101: {  	[spmem:s1] =	stream.indirect.scatter.add.f32 [tilespmem:s20], [sflag:$0xB], $0x80, s18, s13, $0xb8;
	[tilespmem:$0x1DF00] =	vst v63  }
0x102: {  	_ =	swait.ge [sflag:s4], $0x2800  }
0x103: {  	[sflag:s4] =	ssyncset.done $0x0  }
0x104: {  	s18 =	sadd.s32 s10, s28;
	[sflag:s4] =	ssyncadd.s32 $0xFFFFD800  }
0x105: {  	[tilespmem:s8], [sflag:$0x2] =	stream.linear.gather [hbm4b:s18+s2], $0x50, $0x38;
	[tilespmem:$0x1DF00] =	vst v63  }
0x106: {  	s6 =	sadd.s32 $0x32, s6  }
0x107: {  	[tilespmem:s9], [sflag:$0x2] =	stream.linear.gather [hbm4b:s6+s2], $0x50, $0x38;
	[tilespmem:$0x1DF00] =	vst v63  }
0x108: {  	_ =	swait.ge [sflag:s17], $0x50  }
0x109: {  	[sflag:s17] =	ssyncset.done $0x0  }
0x10a: {  	[sflag:s17] =	ssyncadd.s32 $0xFFFFFFB0  }
0x10b: {  	_ =	swait.ge [sflag:s17], $0x50  }
0x10c: {  	[sflag:s17] =	ssyncset.done $0x0  }
0x10d: {  	[sflag:s17] =	ssyncadd.s32 $0xFFFFFFB0  }
0x10e: {  	[tilespmem:s5], [sflag:$0x5] =	stream.indirect.gather [hbm4b:s15+s13], $0x80, s2, s13, $0xb8;
	[tilespmem:$0x1DF00] =	vst v63  }
0x10f: {  	_ =	swait.ge [sflag:s25], $0x2800  }
0x110: {  	p2 =	seq.s32 s10, $0x988;
	[sflag:s25] =	ssyncset.done $0x0  }
0x111: {  	s18 =	simm.s32 $0x380;
	s6 =	simm.s32 @!p2 $0xB;
	[sflag:s25] =	ssyncadd.s32 $0xFFFFD800  }
0x112: {  	[spmem:s1] =	stream.indirect.scatter.add.f32 [tilespmem:s23], [sflag:$0xC], $0x80, s18, s13, $0xb8;
	[tilespmem:$0x1DF00] =	vst v63  }
0x113: {  	_ =	swait.ge @!p2 [sflag:s6], $0x2800  }
0x114: {  	[sflag:s6] =	ssyncset.done @!p2 $0x0  }
0x115: {  	[sflag:s6] =	ssyncadd.s32 @!p2 $0xFFFFD800;
	s6 =	rddreg [dreg:$0x16]  }
0x116: {  	s12 =	simm.s32 @!p2 $0x0;
	s18 =	simm.s32 @!p2 $0x100;
	s6 =	sadd.s32 @!p2 s10, s6  }
0x117: {  	[tilespmem:s18], [sflag:$0x3] =	stream.linear.gather @!p2 [hbm4b:s6+s12], $0x50, $0x38;
	[tilespmem:$0x1DF00] =	vst v63  }
0x118: {  	s6 =	sadd.s32 @!p2 s10, s14  }
0x119: {  	s18 =	simm.s32 @!p2 $0x300;
	s6 =	sadd.s32 @!p2 $0x3C, s6  }
0x11a: {  	[tilespmem:s18], [sflag:$0x3] =	stream.linear.gather @!p2 [hbm4b:s6+s12], $0x50, $0x38;
	[tilespmem:$0x1DF00] =	vst v63  }
0x11b: {  	_ =	swait.ge [sflag:s16], $0x50  }
0x11c: {  	[sflag:s16] =	ssyncset.done $0x0  }
.Ltmp4:
0x11d: {  	[sflag:s16] =	ssyncadd.s32 $0xFFFFFFB0;
	(pc) =	sbr.rel .LBB2_4-.Ltmp4, $4  }
0x11e: {  	_ =	swait.ge [sflag:s16], $0x50  }
0x11f: {  	s22 =	sadd.s32 $0x140, s22;
	[sflag:s16] =	ssyncset.done $0x0  }
0x120: {  	s11 =	sadd.s32 $0x4, s11;
	s10 =	sadd.s32 $0x28, s10;
	[sflag:s16] =	ssyncadd.s32 $0xFFFFFFB0  }
0x121: {  	[tilespmem:s31], [sflag:$0x6] =	stream.indirect.gather [hbm4b:s15+s13], $0x80, s8, s13, $0xb8;
	[tilespmem:$0x1DF00] =	vst v63  }
.LBB2_7:
0x122: {  	_ =	sfence.sel $0x180000  }
0x123: {  	[bflag:$0x0] =	sbarrier.arrive $0xFFFF  }
0x124: {  	_ =	strace $0x9000004A  }
0x125: {  	s0 =	stileid.u32;
	[bflag:$0x2] =	sbarrier.arrive $0xFFFF  }
0x126: {  	p0 =	sne.s32 s0, $0x0;
	s0 =	rddreg [dreg:$0x2]  }
0x127: {  	s0 =	sadd.s32 @!p0 $0x100000, s0  }
0x128: {  	[sflag:s0] =	ssyncadd.tile.s32 @!p0 $0x1;
	_ =	shalt  }
.Lfunc_end2:
_tile_overlayer_lowered:
.L_overlay_start_2:
0x129: {  	(tag) =	ssettag $0x2  }
0x12a: {  	s0 =	rddreg [dreg:$0x0];
	s2 =	stileid.u32  }
0x12b: {  	s1 =	rddreg [dreg:$0x1];
	p0 =	sne.s32 s2, $0x0  }
0x12c: {  	s3 =	rddreg [dreg:$0x2];
	[bflag:$0x3] =	sbarrier.arrive $0xFFFF;
	s2 =	simm.s32 @!p0 $0x1C0D  }
0x12d: {  	[timem:s3], [sflag:s2] =	dma.local @!p0 [hbm:s0], s1  }
0x12e: {  	s0 =	simm.s32 @!p0 $0xD  }
0x12f: {  	_ =	swait.ge @!p0 [sflag:s0], s1  }
0x130: {  	s1 =	ssub.s32 @!p0 $0x0, s1;
	[sflag:s0] =	ssyncset.done @!p0 $0x0  }
0x131: {  	[sflag:s0] =	ssyncadd.s32 @!p0 s1  }
0x132: {  	[bflag:$0x3] =	sbarrier.arrive $0xFFFF  }
0x133: {  	_ =	shalt  }

</sc_bundles>
